<compile_context>
chip_gen: v7x
topology: tpu7x:2x2x1
jax: 0.10.2.dev20260603
libtpu: 0.0.44.dev20260713+nightly
codegen_flags: <defaults>
</compile_context>

<pallas_src>
import functools

import jax
import jax.numpy as jnp
from jax import lax
from jax.experimental import pallas as pl
from jax.experimental.pallas import tpu as pltpu
from jax.experimental.pallas import tpu_sc as plsc

K = 3
M = 4
N = 2048
D = 128



def _sc_adj_body(dst_hbm, src_hbm, a_hbm, flat_v, src_v, slab, sem):
    num_cores = 2
    wid = lax.axis_index("s") * num_cores + lax.axis_index("c")

    e_total = dst_hbm.shape[0]
    rows_per_tile = N // 32
    hw = N // 2
    slab_words = rows_per_tile * hw

    cp_d = pltpu.make_async_copy(dst_hbm, flat_v, sem)
    cp_s = pltpu.make_async_copy(src_hbm, src_v, sem)
    cp_d.start()
    cp_s.start()
    cp_d.wait()
    cp_s.wait()

    zeros16 = jnp.zeros((16,), jnp.int32)
    i32 = jnp.int32

    unroll = 16

    def _pack(i, _):
        for u in range(unroll):
            off = i * i32(16 * unroll) + i32(16 * u)
            s = src_v[pl.ds(off, 16)]
            flat_v[pl.ds(off, 16)] = (
                flat_v[pl.ds(off, 16)] * i32(N)
                + (s & i32(hw - 1)) * i32(2)
                + (s >> i32(10))
            )
        return _

    lax.fori_loop(i32(0), i32(e_total // (16 * unroll)), _pack, None)

    def _zero(i, _):
        for u in range(unroll):
            slab[pl.ds(i * i32(16 * unroll) + i32(16 * u), 16)] = zeros16
        return _

    lax.fori_loop(i32(0), i32(slab_words // (16 * unroll)), _zero, None)

    base2 = wid * i32(2 * slab_words)
    one16 = jnp.full((16,), 1, jnp.int32)
    hi16 = jnp.full((16,), 1 << 16, jnp.int32)

    def _scan(e, _):
        for u in range(unroll):
            off = e * i32(16 * unroll) + i32(16 * u)
            local2 = flat_v[pl.ds(off, 16)] - base2
            inslab = plsc.bitcast(local2, jnp.uint32) < jnp.uint32(2 * slab_words)
            odd = (local2 & i32(1)) == i32(1)
            idx = jnp.where(inslab, local2 >> i32(1), i32(0))
            mlo = inslab & jnp.logical_not(odd)
            mhi = inslab & odd
            plsc.addupdate_scatter(slab, [idx], one16, mask=mlo)
            plsc.addupdate_scatter(slab, [idx], hi16, mask=mhi)
        return _

    lax.fori_loop(i32(0), i32(e_total // (16 * unroll)), _scan, None)

    pltpu.sync_copy(slab, a_hbm.at[pl.ds(wid * i32(slab_words), slab_words)])


def _sc_build_adj(dst_i32, src_i32):
    mesh = plsc.VectorSubcoreMesh(core_axis_name="c", subcore_axis_name="s")
    e_total = dst_i32.shape[0]
    f = functools.partial(
        pl.kernel,
        mesh=mesh,
        out_type=jax.ShapeDtypeStruct((N * (N // 2),), jnp.int32),
        scratch_types=[
            pltpu.VMEM((e_total,), jnp.int32),
            pltpu.VMEM((e_total,), jnp.int32),
            pltpu.VMEM(((N // 32) * (N // 2),), jnp.int32),
            pltpu.SemaphoreType.DMA,
        ],
        compiler_params=pltpu.CompilerParams(needs_layout_passes=False),
    )(_sc_adj_body)
    return f(dst_i32, src_i32)



def _fill_moments(x_ref, mo_ref):
    a = jnp.abs(x_ref[...])
    for b in range(a.shape[0]):
        p = a[b]
        for m in range(M):
            c0 = (b * M + m) * D
            mo_ref[:, c0:c0 + D] = p.astype(jnp.bfloat16)
            if m + 1 < M:
                p = p * a[b]



def _main_body(a_ref, x_ref, out_ref, abf, mo_ref):
    @pl.when(pl.program_id(0) == 0)
    def _cast():
        aw = a_ref[...]
        hw = N // 2
        abf[:, :hw] = ((aw & 0xFFFF) != 0).astype(jnp.bfloat16)
        abf[:, hw:] = ((aw >> 16) != 0).astype(jnp.bfloat16)
        _fill_moments(x_ref, mo_ref)

    rr = out_ref.shape[1]
    nb = out_ref.shape[0]
    row0 = pl.program_id(0) * rr
    a = abf[...]
    mo = mo_ref[...]
    hr = rr // 2
    halves = []
    for h in range(2):
        r0h = row0 + h * hr
        rows = lax.broadcasted_iota(jnp.int32, (hr, N), 0) + r0h
        cols = lax.broadcasted_iota(jnp.int32, (hr, N), 1)
        halves.append((rows == cols) | (abf[pl.ds(r0h, hr), :] > 0))
    for k in range(K):
        for h in range(2):
            r_bf = halves[h].astype(jnp.bfloat16)
            s = jnp.dot(r_bf, mo, preferred_element_type=jnp.float32)
            for b in range(nb):
                out_ref[b, h * hr:(h + 1) * hr, k] = (
                    s[:, b * M * D:(b + 1) * M * D].reshape(hr, M, D)
                )
            if k + 1 < K:
                ra = jnp.dot(r_bf, a, preferred_element_type=jnp.float32)
                halves[h] = halves[h] | (ra > 0.0)


def _tc_main(a_i32, x, nb):
    c = nb * M * D
    rr = 512
    return pl.pallas_call(
        _main_body,
        grid=(N // rr,),
        in_specs=[
            pl.BlockSpec((N, N // 2), lambda i: (i * 0, i * 0)),
            pl.BlockSpec((nb, N, D), lambda i: (i * 0, i * 0, i * 0)),
        ],
        out_specs=pl.BlockSpec(
            (nb, rr, K, M, D), lambda i: (i * 0, i, i * 0, i * 0, i * 0)
        ),
        out_shape=jax.ShapeDtypeStruct((nb, N, K, M, D), jnp.float32),
        scratch_shapes=[
            pltpu.VMEM((N, N), jnp.bfloat16),
            pltpu.VMEM((N, nb * M * D), jnp.bfloat16),
        ],
        compiler_params=pltpu.CompilerParams(
            vmem_limit_bytes=100 * 1024 * 1024,
        ),
    )(a_i32, x)



def kernel(x, edge_index):
    b = x.shape[0]
    e32 = edge_index.astype(jnp.int32)
    a_i32 = _sc_build_adj(e32[1], e32[0]).reshape(N, N // 2)
    return _tc_main(a_i32, x, b)

# --- scband reference (transcript-rebuilt; emitter-appended) ---
"""Pipeline reference for scband-khop-sum-aggregator-33500744909065 (READ-ONLY COPY).

The authoritative reference and input builder live on the scoring server;
editing this copy changes nothing except your own understanding.
"""

import jax, jax.numpy as jnp
import numpy as np
jax.config.update('jax_enable_x64', True)

K = 3
M = 4
B, N, D = 2, 2048, 128
E = 16384

def setup_inputs(seed: int = 0) -> dict:
    key = jax.random.key(seed)
    k1, k2 = jax.random.split(key)
    x = jax.random.normal(k1, (B, N, D), dtype=jnp.float32)
    edge_index = jax.random.randint(k2, (2, E), 0, N, dtype=jnp.int64)
    return {"x": x, "edge_index": edge_index}

def reference(x, edge_index):
    # Faithful translation of KHopSumAggregator.forward.
    # For each node i, PyG's k_hop_subgraph(i, k, edge_index) (flow='source_to_target')
    # returns the set of nodes j from which i is reachable within k hops (including i).
    # We compute, for all nodes at once, the boolean reachability mask
    #   R_k[i, j] = 1 if j is in the k-hop subgraph of i
    # via R_0 = I, R_k = (R_{k-1} + R_{k-1} @ A) > 0, with A[t, s] = 1 for edge s->t.
    # Then x[:, subset, :].abs().pow(m).sum(dim=1) == einsum('ij,bjd->bid', R_k, |x|^m).
    n = x.shape[1]
    src = edge_index[0]
    dst = edge_index[1]
    A = jnp.zeros((n, n), dtype=x.dtype).at[dst, src].set(1.0)
    absx = jnp.abs(x)
    moments = [absx ** float(m) for m in range(1, M + 1)]  # each [B, N, D]
    R = jnp.eye(n, dtype=x.dtype)
    per_k = []
    for _ in range(K):
        R = ((R + R @ A) > 0).astype(x.dtype)
        per_m = [jnp.einsum('ij,bjd->bid', R, mom) for mom in moments]  # [B, N, D] each
        per_k.append(jnp.stack(per_m, axis=2))  # [B, N, M, D]
    k_hop_sums = jnp.stack(per_k, axis=2)  # [B, N, K, M, D]
    return k_hop_sums

if __name__ == "__main__":
    import jax
    _d = setup_inputs()
    print(jax.jit(kernel)(*tuple(_d.values())))

</pallas_src>

<mosaic_0001>
#map = affine_map<(d0, d1) -> (0)>
module attributes {stable_mosaic.version = 14 : i64} {
  func.func @_sc_adj_body(%arg0: i32, %arg1: i32, %arg2: memref<16384xi32, #tpu.memory_space<hbm>>, %arg3: memref<16384xi32, #tpu.memory_space<hbm>>, %arg4: memref<2097152xi32, #tpu.memory_space<hbm>>, %arg5: memref<16384xi32, #tpu.memory_space<vmem>>, %arg6: memref<16384xi32, #tpu.memory_space<vmem>>, %arg7: memref<65536xi32, #tpu.memory_space<vmem>>, %arg8: memref<!tpu.dma_semaphore, #tpu.memory_space<semaphore_mem>>) attributes {dimension_semantics = [#tpu.dimension_semantics<core_parallel>, #tpu.dimension_semantics<subcore_parallel>], iteration_bounds = array<i64: 2, 16>, scalar_prefetch = 0 : i64, scratch_operands = 4 : i64, tpu.core_type = #tpu.core_type<sc_vector_subcore>, window_params = [{transform_indices = #map}, {transform_indices = #map}, {transform_indices = #map}]} {
    %mul3A = arith.constant 2 : i32
    %mul3A_0 = arith.muli %arg1, %mul3A : i32
    %add3A = arith.addi %mul3A_0, %arg0 : i32
    tpu.enqueue_dma source(%arg2 : memref<16384xi32, #tpu.memory_space<hbm>>) target(%arg5 : memref<16384xi32, #tpu.memory_space<vmem>>) target_semaphore(%arg8 : memref<!tpu.dma_semaphore, #tpu.memory_space<semaphore_mem>>)
    tpu.enqueue_dma source(%arg3 : memref<16384xi32, #tpu.memory_space<hbm>>) target(%arg6 : memref<16384xi32, #tpu.memory_space<vmem>>) target_semaphore(%arg8 : memref<!tpu.dma_semaphore, #tpu.memory_space<semaphore_mem>>)
    tpu.wait_dma2 semaphore(%arg8 : memref<!tpu.dma_semaphore, #tpu.memory_space<semaphore_mem>>) src(%arg2 : memref<16384xi32, #tpu.memory_space<hbm>>) dst(%arg5 : memref<16384xi32, #tpu.memory_space<vmem>>)
    tpu.wait_dma2 semaphore(%arg8 : memref<!tpu.dma_semaphore, #tpu.memory_space<semaphore_mem>>) src(%arg3 : memref<16384xi32, #tpu.memory_space<hbm>>) dst(%arg6 : memref<16384xi32, #tpu.memory_space<vmem>>)
    %broadcast_in_dim3A = arith.constant 0 : i32
    %broadcast_in_dim3A_1 = vector.broadcast %broadcast_in_dim3A : i32 to vector<16xi32>
    %while3A = arith.constant 0 : i32
    %while3A_2 = arith.constant 64 : i32
    %while3A_3 = arith.subi %while3A_2, %while3A : i32
    %while3A_4 = arith.addi %while3A, %while3A_3 : i32
    %while3A_5 = arith.constant 1 : i32
    %while3A_6 = arith.divsi %while3A_3, %while3A_5 : i32
    %while3A_7 = arith.muli %while3A_6, %while3A_5 : i32
    %while3A_8 = arith.addi %while3A, %while3A_7 : i32
    %while3A_9 = arith.constant 1 : i32
    scf.for %while3A_39 = %while3A to %while3A_8 step %while3A_9  : i32 {
      %mul3A_40 = arith.constant 256 : i32
      %mul3A_41 = arith.muli %while3A_39, %mul3A_40 : i32
      %add3A_42 = arith.constant 0 : i32
      %add3A_43 = arith.addi %mul3A_41, %add3A_42 : i32
      %get3A = arith.index_cast %add3A_43 : i32 to index
      %get3A_44 = tpu.vector_load %arg6[%get3A] {strides = array<i32>} : memref<16384xi32, #tpu.memory_space<vmem>>, vector<16xi32>,
      %get3A_45 = arith.index_cast %add3A_43 : i32 to index
      %get3A_46 = tpu.vector_load %arg5[%get3A_45] {strides = array<i32>} : memref<16384xi32, #tpu.memory_space<vmem>>, vector<16xi32>,
      %mul3A_47 = arith.constant 2048 : i32
      %mul3A_48 = vector.broadcast %mul3A_47 : i32 to vector<16xi32>
      %mul3A_49 = arith.muli %get3A_46, %mul3A_48 : vector<16xi32>
      %and3A = arith.constant 1023 : i32
      %and3A_50 = vector.broadcast %and3A : i32 to vector<16xi32>
      %and3A_51 = arith.andi %get3A_44, %and3A_50 : vector<16xi32>
      %mul3A_52 = arith.constant 2 : i32
      %mul3A_53 = vector.broadcast %mul3A_52 : i32 to vector<16xi32>
      %mul3A_54 = arith.muli %and3A_51, %mul3A_53 : vector<16xi32>
      %add3A_55 = arith.addi %mul3A_49, %mul3A_54 : vector<16xi32>
      %shift_right_arithmetic3A = arith.constant 10 : i32
      %shift_right_arithmetic3A_56 = vector.broadcast %shift_right_arithmetic3A : i32 to vector<16xi32>
      %shift_right_arithmetic3A_57 = arith.shrsi %get3A_44, %shift_right_arithmetic3A_56 : vector<16xi32>
      %add3A_58 = arith.addi %add3A_55, %shift_right_arithmetic3A_57 : vector<16xi32>
      %swap3A = arith.index_cast %add3A_43 : i32 to index
      %swap3A_59 = tpu.vector_load %arg5[%swap3A] {strides = array<i32>} : memref<16384xi32, #tpu.memory_space<vmem>>, vector<16xi32>,
      tpu.vector_store %arg5[%swap3A], %add3A_58 {strides = array<i32>} : memref<16384xi32, #tpu.memory_space<vmem>>, vector<16xi32>,
      %mul3A_60 = arith.constant 256 : i32
      %mul3A_61 = arith.muli %while3A_39, %mul3A_60 : i32
      %add3A_62 = arith.constant 16 : i32
      %add3A_63 = arith.addi %mul3A_61, %add3A_62 : i32
      %get3A_64 = arith.index_cast %add3A_63 : i32 to index
      %get3A_65 = tpu.vector_load %arg6[%get3A_64] {strides = array<i32>} : memref<16384xi32, #tpu.memory_space<vmem>>, vector<16xi32>,
      %get3A_66 = arith.index_cast %add3A_63 : i32 to index
      %get3A_67 = tpu.vector_load %arg5[%get3A_66] {strides = array<i32>} : memref<16384xi32, #tpu.memory_space<vmem>>, vector<16xi32>,
      %mul3A_68 = arith.constant 2048 : i32
      %mul3A_69 = vector.broadcast %mul3A_68 : i32 to vector<16xi32>
      %mul3A_70 = arith.muli %get3A_67, %mul3A_69 : vector<16xi32>
      %and3A_71 = arith.constant 1023 : i32
      %and3A_72 = vector.broadcast %and3A_71 : i32 to vector<16xi32>
      %and3A_73 = arith.andi %get3A_65, %and3A_72 : vector<16xi32>
      %mul3A_74 = arith.constant 2 : i32
      %mul3A_75 = vector.broadcast %mul3A_74 : i32 to vector<16xi32>
      %mul3A_76 = arith.muli %and3A_73, %mul3A_75 : vector<16xi32>
      %add3A_77 = arith.addi %mul3A_70, %mul3A_76 : vector<16xi32>
      %shift_right_arithmetic3A_78 = arith.constant 10 : i32
      %shift_right_arithmetic3A_79 = vector.broadcast %shift_right_arithmetic3A_78 : i32 to vector<16xi32>
      %shift_right_arithmetic3A_80 = arith.shrsi %get3A_65, %shift_right_arithmetic3A_79 : vector<16xi32>
      %add3A_81 = arith.addi %add3A_77, %shift_right_arithmetic3A_80 : vector<16xi32>
      %swap3A_82 = arith.index_cast %add3A_63 : i32 to index
      %swap3A_83 = tpu.vector_load %arg5[%swap3A_82] {strides = array<i32>} : memref<16384xi32, #tpu.memory_space<vmem>>, vector<16xi32>,
      tpu.vector_store %arg5[%swap3A_82], %add3A_81 {strides = array<i32>} : memref<16384xi32, #tpu.memory_space<vmem>>, vector<16xi32>,
      %mul3A_84 = arith.constant 256 : i32
      %mul3A_85 = arith.muli %while3A_39, %mul3A_84 : i32
      %add3A_86 = arith.constant 32 : i32
      %add3A_87 = arith.addi %mul3A_85, %add3A_86 : i32
      %get3A_88 = arith.index_cast %add3A_87 : i32 to index
      %get3A_89 = tpu.vector_load %arg6[%get3A_88] {strides = array<i32>} : memref<16384xi32, #tpu.memory_space<vmem>>, vector<16xi32>,
      %get3A_90 = arith.index_cast %add3A_87 : i32 to index
      %get3A_91 = tpu.vector_load %arg5[%get3A_90] {strides = array<i32>} : memref<16384xi32, #tpu.memory_space<vmem>>, vector<16xi32>,
      %mul3A_92 = arith.constant 2048 : i32
      %mul3A_93 = vector.broadcast %mul3A_92 : i32 to vector<16xi32>
      %mul3A_94 = arith.muli %get3A_91, %mul3A_93 : vector<16xi32>
      %and3A_95 = arith.constant 1023 : i32
      %and3A_96 = vector.broadcast %and3A_95 : i32 to vector<16xi32>
      %and3A_97 = arith.andi %get3A_89, %and3A_96 : vector<16xi32>
      %mul3A_98 = arith.constant 2 : i32
      %mul3A_99 = vector.broadcast %mul3A_98 : i32 to vector<16xi32>
      %mul3A_100 = arith.muli %and3A_97, %mul3A_99 : vector<16xi32>
      %add3A_101 = arith.addi %mul3A_94, %mul3A_100 : vector<16xi32>
      %shift_right_arithmetic3A_102 = arith.constant 10 : i32
      %shift_right_arithmetic3A_103 = vector.broadcast %shift_right_arithmetic3A_102 : i32 to vector<16xi32>
      %shift_right_arithmetic3A_104 = arith.shrsi %get3A_89, %shift_right_arithmetic3A_103 : vector<16xi32>
      %add3A_105 = arith.addi %add3A_101, %shift_right_arithmetic3A_104 : vector<16xi32>
      %swap3A_106 = arith.index_cast %add3A_87 : i32 to index
      %swap3A_107 = tpu.vector_load %arg5[%swap3A_106] {strides = array<i32>} : memref<16384xi32, #tpu.memory_space<vmem>>, vector<16xi32>,
      tpu.vector_store %arg5[%swap3A_106], %add3A_105 {strides = array<i32>} : memref<16384xi32, #tpu.memory_space<vmem>>, vector<16xi32>,
      %mul3A_108 = arith.constant 256 : i32
      %mul3A_109 = arith.muli %while3A_39, %mul3A_108 : i32
      %add3A_110 = arith.constant 48 : i32
      %add3A_111 = arith.addi %mul3A_109, %add3A_110 : i32
      %get3A_112 = arith.index_cast %add3A_111 : i32 to index
      %get3A_113 = tpu.vector_load %arg6[%get3A_112] {strides = array<i32>} : memref<16384xi32, #tpu.memory_space<vmem>>, vector<16xi32>,
      %get3A_114 = arith.index_cast %add3A_111 : i32 to index
      %get3A_115 = tpu.vector_load %arg5[%get3A_114] {strides = array<i32>} : memref<16384xi32, #tpu.memory_space<vmem>>, vector<16xi32>,
      %mul3A_116 = arith.constant 2048 : i32
      %mul3A_117 = vector.broadcast %mul3A_116 : i32 to vector<16xi32>
      %mul3A_118 = arith.muli %get3A_115, %mul3A_117 : vector<16xi32>
      %and3A_119 = arith.constant 1023 : i32
      %and3A_120 = vector.broadcast %and3A_119 : i32 to vector<16xi32>
      %and3A_121 = arith.andi %get3A_113, %and3A_120 : vector<16xi32>
      %mul3A_122 = arith.constant 2 : i32
      %mul3A_123 = vector.broadcast %mul3A_122 : i32 to vector<16xi32>
      %mul3A_124 = arith.muli %and3A_121, %mul3A_123 : vector<16xi32>
      %add3A_125 = arith.addi %mul3A_118, %mul3A_124 : vector<16xi32>
      %shift_right_arithmetic3A_126 = arith.constant 10 : i32
      %shift_right_arithmetic3A_127 = vector.broadcast %shift_right_arithmetic3A_126 : i32 to vector<16xi32>
      %shift_right_arithmetic3A_128 = arith.shrsi %get3A_113, %shift_right_arithmetic3A_127 : vector<16xi32>
      %add3A_129 = arith.addi %add3A_125, %shift_right_arithmetic3A_128 : vector<16xi32>
      %swap3A_130 = arith.index_cast %add3A_111 : i32 to index
      %swap3A_131 = tpu.vector_load %arg5[%swap3A_130] {strides = array<i32>} : memref<16384xi32, #tpu.memory_space<vmem>>, vector<16xi32>,
      tpu.vector_store %arg5[%swap3A_130], %add3A_129 {strides = array<i32>} : memref<16384xi32, #tpu.memory_space<vmem>>, vector<16xi32>,
      %mul3A_132 = arith.constant 256 : i32
      %mul3A_133 = arith.muli %while3A_39, %mul3A_132 : i32
      %add3A_134 = arith.constant 64 : i32
      %add3A_135 = arith.addi %mul3A_133, %add3A_134 : i32
      %get3A_136 = arith.index_cast %add3A_135 : i32 to index
      %get3A_137 = tpu.vector_load %arg6[%get3A_136] {strides = array<i32>} : memref<16384xi32, #tpu.memory_space<vmem>>, vector<16xi32>,
      %get3A_138 = arith.index_cast %add3A_135 : i32 to index
      %get3A_139 = tpu.vector_load %arg5[%get3A_138] {strides = array<i32>} : memref<16384xi32, #tpu.memory_space<vmem>>, vector<16xi32>,
      %mul3A_140 = arith.constant 2048 : i32
      %mul3A_141 = vector.broadcast %mul3A_140 : i32 to vector<16xi32>
      %mul3A_142 = arith.muli %get3A_139, %mul3A_141 : vector<16xi32>
      %and3A_143 = arith.constant 1023 : i32
      %and3A_144 = vector.broadcast %and3A_143 : i32 to vector<16xi32>
      %and3A_145 = arith.andi %get3A_137, %and3A_144 : vector<16xi32>
      %mul3A_146 = arith.constant 2 : i32
      %mul3A_147 = vector.broadcast %mul3A_146 : i32 to vector<16xi32>
      %mul3A_148 = arith.muli %and3A_145, %mul3A_147 : vector<16xi32>
      %add3A_149 = arith.addi %mul3A_142, %mul3A_148 : vector<16xi32>
      %shift_right_arithmetic3A_150 = arith.constant 10 : i32
      %shift_right_arithmetic3A_151 = vector.broadcast %shift_right_arithmetic3A_150 : i32 to vector<16xi32>
      %shift_right_arithmetic3A_152 = arith.shrsi %get3A_137, %shift_right_arithmetic3A_151 : vector<16xi32>
      %add3A_153 = arith.addi %add3A_149, %shift_right_arithmetic3A_152 : vector<16xi32>
      %swap3A_154 = arith.index_cast %add3A_135 : i32 to index
      %swap3A_155 = tpu.vector_load %arg5[%swap3A_154] {strides = array<i32>} : memref<16384xi32, #tpu.memory_space<vmem>>, vector<16xi32>,
      tpu.vector_store %arg5[%swap3A_154], %add3A_153 {strides = array<i32>} : memref<16384xi32, #tpu.memory_space<vmem>>, vector<16xi32>,
      %mul3A_156 = arith.constant 256 : i32
      %mul3A_157 = arith.muli %while3A_39, %mul3A_156 : i32
      %add3A_158 = arith.constant 80 : i32
      %add3A_159 = arith.addi %mul3A_157, %add3A_158 : i32
      %get3A_160 = arith.index_cast %add3A_159 : i32 to index
      %get3A_161 = tpu.vector_load %arg6[%get3A_160] {strides = array<i32>} : memref<16384xi32, #tpu.memory_space<vmem>>, vector<16xi32>,
      %get3A_162 = arith.index_cast %add3A_159 : i32 to index
      %get3A_163 = tpu.vector_load %arg5[%get3A_162] {strides = array<i32>} : memref<16384xi32, #tpu.memory_space<vmem>>, vector<16xi32>,
      %mul3A_164 = arith.constant 2048 : i32
      %mul3A_165 = vector.broadcast %mul3A_164 : i32 to vector<16xi32>
      %mul3A_166 = arith.muli %get3A_163, %mul3A_165 : vector<16xi32>
      %and3A_167 = arith.constant 1023 : i32
      %and3A_168 = vector.broadcast %and3A_167 : i32 to vector<16xi32>
      %and3A_169 = arith.andi %get3A_161, %and3A_168 : vector<16xi32>
      %mul3A_170 = arith.constant 2 : i32
      %mul3A_171 = vector.broadcast %mul3A_170 : i32 to vector<16xi32>
      %mul3A_172 = arith.muli %and3A_169, %mul3A_171 : vector<16xi32>
      %add3A_173 = arith.addi %mul3A_166, %mul3A_172 : vector<16xi32>
      %shift_right_arithmetic3A_174 = arith.constant 10 : i32
      %shift_right_arithmetic3A_175 = vector.broadcast %shift_right_arithmetic3A_174 : i32 to vector<16xi32>
      %shift_right_arithmetic3A_176 = arith.shrsi %get3A_161, %shift_right_arithmetic3A_175 : vector<16xi32>
      %add3A_177 = arith.addi %add3A_173, %shift_right_arithmetic3A_176 : vector<16xi32>
      %swap3A_178 = arith.index_cast %add3A_159 : i32 to index
      %swap3A_179 = tpu.vector_load %arg5[%swap3A_178] {strides = array<i32>} : memref<16384xi32, #tpu.memory_space<vmem>>, vector<16xi32>,
      tpu.vector_store %arg5[%swap3A_178], %add3A_177 {strides = array<i32>} : memref<16384xi32, #tpu.memory_space<vmem>>, vector<16xi32>,
      %mul3A_180 = arith.constant 256 : i32
      %mul3A_181 = arith.muli %while3A_39, %mul3A_180 : i32
      %add3A_182 = arith.constant 96 : i32
      %add3A_183 = arith.addi %mul3A_181, %add3A_182 : i32
      %get3A_184 = arith.index_cast %add3A_183 : i32 to index
      %get3A_185 = tpu.vector_load %arg6[%get3A_184] {strides = array<i32>} : memref<16384xi32, #tpu.memory_space<vmem>>, vector<16xi32>,
      %get3A_186 = arith.index_cast %add3A_183 : i32 to index
      %get3A_187 = tpu.vector_load %arg5[%get3A_186] {strides = array<i32>} : memref<16384xi32, #tpu.memory_space<vmem>>, vector<16xi32>,
      %mul3A_188 = arith.constant 2048 : i32
      %mul3A_189 = vector.broadcast %mul3A_188 : i32 to vector<16xi32>
      %mul3A_190 = arith.muli %get3A_187, %mul3A_189 : vector<16xi32>
      %and3A_191 = arith.constant 1023 : i32
      %and3A_192 = vector.broadcast %and3A_191 : i32 to vector<16xi32>
      %and3A_193 = arith.andi %get3A_185, %and3A_192 : vector<16xi32>
      %mul3A_194 = arith.constant 2 : i32
      %mul3A_195 = vector.broadcast %mul3A_194 : i32 to vector<16xi32>
      %mul3A_196 = arith.muli %and3A_193, %mul3A_195 : vector<16xi32>
      %add3A_197 = arith.addi %mul3A_190, %mul3A_196 : vector<16xi32>
      %shift_right_arithmetic3A_198 = arith.constant 10 : i32
      %shift_right_arithmetic3A_199 = vector.broadcast %shift_right_arithmetic3A_198 : i32 to vector<16xi32>
      %shift_right_arithmetic3A_200 = arith.shrsi %get3A_185, %shift_right_arithmetic3A_199 : vector<16xi32>
      %add3A_201 = arith.addi %add3A_197, %shift_right_arithmetic3A_200 : vector<16xi32>
      %swap3A_202 = arith.index_cast %add3A_183 : i32 to index
      %swap3A_203 = tpu.vector_load %arg5[%swap3A_202] {strides = array<i32>} : memref<16384xi32, #tpu.memory_space<vmem>>, vector<16xi32>,
      tpu.vector_store %arg5[%swap3A_202], %add3A_201 {strides = array<i32>} : memref<16384xi32, #tpu.memory_space<vmem>>, vector<16xi32>,
      %mul3A_204 = arith.constant 256 : i32
      %mul3A_205 = arith.muli %while3A_39, %mul3A_204 : i32
      %add3A_206 = arith.constant 112 : i32
      %add3A_207 = arith.addi %mul3A_205, %add3A_206 : i32
      %get3A_208 = arith.index_cast %add3A_207 : i32 to index
      %get3A_209 = tpu.vector_load %arg6[%get3A_208] {strides = array<i32>} : memref<16384xi32, #tpu.memory_space<vmem>>, vector<16xi32>,
      %get3A_210 = arith.index_cast %add3A_207 : i32 to index
      %get3A_211 = tpu.vector_load %arg5[%get3A_210] {strides = array<i32>} : memref<16384xi32, #tpu.memory_space<vmem>>, vector<16xi32>,
      %mul3A_212 = arith.constant 2048 : i32
      %mul3A_213 = vector.broadcast %mul3A_212 : i32 to vector<16xi32>
      %mul3A_214 = arith.muli %get3A_211, %mul3A_213 : vector<16xi32>
      %and3A_215 = arith.constant 1023 : i32
      %and3A_216 = vector.broadcast %and3A_215 : i32 to vector<16xi32>
      %and3A_217 = arith.andi %get3A_209, %and3A_216 : vector<16xi32>
      %mul3A_218 = arith.constant 2 : i32
      %mul3A_219 = vector.broadcast %mul3A_218 : i32 to vector<16xi32>
      %mul3A_220 = arith.muli %and3A_217, %mul3A_219 : vector<16xi32>
      %add3A_221 = arith.addi %mul3A_214, %mul3A_220 : vector<16xi32>
      %shift_right_arithmetic3A_222 = arith.constant 10 : i32
      %shift_right_arithmetic3A_223 = vector.broadcast %shift_right_arithmetic3A_222 : i32 to vector<16xi32>
      %shift_right_arithmetic3A_224 = arith.shrsi %get3A_209, %shift_right_arithmetic3A_223 : vector<16xi32>
      %add3A_225 = arith.addi %add3A_221, %shift_right_arithmetic3A_224 : vector<16xi32>
      %swap3A_226 = arith.index_cast %add3A_207 : i32 to index
      %swap3A_227 = tpu.vector_load %arg5[%swap3A_226] {strides = array<i32>} : memref<16384xi32, #tpu.memory_space<vmem>>, vector<16xi32>,
      tpu.vector_store %arg5[%swap3A_226], %add3A_225 {strides = array<i32>} : memref<16384xi32, #tpu.memory_space<vmem>>, vector<16xi32>,
      %mul3A_228 = arith.constant 256 : i32
      %mul3A_229 = arith.muli %while3A_39, %mul3A_228 : i32
      %add3A_230 = arith.constant 128 : i32
      %add3A_231 = arith.addi %mul3A_229, %add3A_230 : i32
      %get3A_232 = arith.index_cast %add3A_231 : i32 to index
      %get3A_233 = tpu.vector_load %arg6[%get3A_232] {strides = array<i32>} : memref<16384xi32, #tpu.memory_space<vmem>>, vector<16xi32>,
      %get3A_234 = arith.index_cast %add3A_231 : i32 to index
      %get3A_235 = tpu.vector_load %arg5[%get3A_234] {strides = array<i32>} : memref<16384xi32, #tpu.memory_space<vmem>>, vector<16xi32>,
      %mul3A_236 = arith.constant 2048 : i32
      %mul3A_237 = vector.broadcast %mul3A_236 : i32 to vector<16xi32>
      %mul3A_238 = arith.muli %get3A_235, %mul3A_237 : vector<16xi32>
      %and3A_239 = arith.constant 1023 : i32
      %and3A_240 = vector.broadcast %and3A_239 : i32 to vector<16xi32>
      %and3A_241 = arith.andi %get3A_233, %and3A_240 : vector<16xi32>
      %mul3A_242 = arith.constant 2 : i32
      %mul3A_243 = vector.broadcast %mul3A_242 : i32 to vector<16xi32>
      %mul3A_244 = arith.muli %and3A_241, %mul3A_243 : vector<16xi32>
      %add3A_245 = arith.addi %mul3A_238, %mul3A_244 : vector<16xi32>
      %shift_right_arithmetic3A_246 = arith.constant 10 : i32
      %shift_right_arithmetic3A_247 = vector.broadcast %shift_right_arithmetic3A_246 : i32 to vector<16xi32>
      %shift_right_arithmetic3A_248 = arith.shrsi %get3A_233, %shift_right_arithmetic3A_247 : vector<16xi32>
      %add3A_249 = arith.addi %add3A_245, %shift_right_arithmetic3A_248 : vector<16xi32>
      %swap3A_250 = arith.index_cast %add3A_231 : i32 to index
      %swap3A_251 = tpu.vector_load %arg5[%swap3A_250] {strides = array<i32>} : memref<16384xi32, #tpu.memory_space<vmem>>, vector<16xi32>,
      tpu.vector_store %arg5[%swap3A_250], %add3A_249 {strides = array<i32>} : memref<16384xi32, #tpu.memory_space<vmem>>, vector<16xi32>,
      %mul3A_252 = arith.constant 256 : i32
      %mul3A_253 = arith.muli %while3A_39, %mul3A_252 : i32
      %add3A_254 = arith.constant 144 : i32
      %add3A_255 = arith.addi %mul3A_253, %add3A_254 : i32
      %get3A_256 = arith.index_cast %add3A_255 : i32 to index
      %get3A_257 = tpu.vector_load %arg6[%get3A_256] {strides = array<i32>} : memref<16384xi32, #tpu.memory_space<vmem>>, vector<16xi32>,
      %get3A_258 = arith.index_cast %add3A_255 : i32 to index
      %get3A_259 = tpu.vector_load %arg5[%get3A_258] {strides = array<i32>} : memref<16384xi32, #tpu.memory_space<vmem>>, vector<16xi32>,
      %mul3A_260 = arith.constant 2048 : i32
      %mul3A_261 = vector.broadcast %mul3A_260 : i32 to vector<16xi32>
      %mul3A_262 = arith.muli %get3A_259, %mul3A_261 : vector<16xi32>
      %and3A_263 = arith.constant 1023 : i32
      %and3A_264 = vector.broadcast %and3A_263 : i32 to vector<16xi32>
      %and3A_265 = arith.andi %get3A_257, %and3A_264 : vector<16xi32>
      %mul3A_266 = arith.constant 2 : i32
      %mul3A_267 = vector.broadcast %mul3A_266 : i32 to vector<16xi32>
      %mul3A_268 = arith.muli %and3A_265, %mul3A_267 : vector<16xi32>
      %add3A_269 = arith.addi %mul3A_262, %mul3A_268 : vector<16xi32>
      %shift_right_arithmetic3A_270 = arith.constant 10 : i32
      %shift_right_arithmetic3A_271 = vector.broadcast %shift_right_arithmetic3A_270 : i32 to vector<16xi32>
      %shift_right_arithmetic3A_272 = arith.shrsi %get3A_257, %shift_right_arithmetic3A_271 : vector<16xi32>
      %add3A_273 = arith.addi %add3A_269, %shift_right_arithmetic3A_272 : vector<16xi32>
      %swap3A_274 = arith.index_cast %add3A_255 : i32 to index
      %swap3A_275 = tpu.vector_load %arg5[%swap3A_274] {strides = array<i32>} : memref<16384xi32, #tpu.memory_space<vmem>>, vector<16xi32>,
      tpu.vector_store %arg5[%swap3A_274], %add3A_273 {strides = array<i32>} : memref<16384xi32, #tpu.memory_space<vmem>>, vector<16xi32>,
      %mul3A_276 = arith.constant 256 : i32
      %mul3A_277 = arith.muli %while3A_39, %mul3A_276 : i32
      %add3A_278 = arith.constant 160 : i32
      %add3A_279 = arith.addi %mul3A_277, %add3A_278 : i32
      %get3A_280 = arith.index_cast %add3A_279 : i32 to index
      %get3A_281 = tpu.vector_load %arg6[%get3A_280] {strides = array<i32>} : memref<16384xi32, #tpu.memory_space<vmem>>, vector<16xi32>,
      %get3A_282 = arith.index_cast %add3A_279 : i32 to index
      %get3A_283 = tpu.vector_load %arg5[%get3A_282] {strides = array<i32>} : memref<16384xi32, #tpu.memory_space<vmem>>, vector<16xi32>,
      %mul3A_284 = arith.constant 2048 : i32
      %mul3A_285 = vector.broadcast %mul3A_284 : i32 to vector<16xi32>
      %mul3A_286 = arith.muli %get3A_283, %mul3A_285 : vector<16xi32>
      %and3A_287 = arith.constant 1023 : i32
      %and3A_288 = vector.broadcast %and3A_287 : i32 to vector<16xi32>
      %and3A_289 = arith.andi %get3A_281, %and3A_288 : vector<16xi32>
      %mul3A_290 = arith.constant 2 : i32
      %mul3A_291 = vector.broadcast %mul3A_290 : i32 to vector<16xi32>
      %mul3A_292 = arith.muli %and3A_289, %mul3A_291 : vector<16xi32>
      %add3A_293 = arith.addi %mul3A_286, %mul3A_292 : vector<16xi32>
      %shift_right_arithmetic3A_294 = arith.constant 10 : i32
      %shift_right_arithmetic3A_295 = vector.broadcast %shift_right_arithmetic3A_294 : i32 to vector<16xi32>
      %shift_right_arithmetic3A_296 = arith.shrsi %get3A_281, %shift_right_arithmetic3A_295 : vector<16xi32>
      %add3A_297 = arith.addi %add3A_293, %shift_right_arithmetic3A_296 : vector<16xi32>
      %swap3A_298 = arith.index_cast %add3A_279 : i32 to index
      %swap3A_299 = tpu.vector_load %arg5[%swap3A_298] {strides = array<i32>} : memref<16384xi32, #tpu.memory_space<vmem>>, vector<16xi32>,
      tpu.vector_store %arg5[%swap3A_298], %add3A_297 {strides = array<i32>} : memref<16384xi32, #tpu.memory_space<vmem>>, vector<16xi32>,
      %mul3A_300 = arith.constant 256 : i32
      %mul3A_301 = arith.muli %while3A_39, %mul3A_300 : i32
      %add3A_302 = arith.constant 176 : i32
      %add3A_303 = arith.addi %mul3A_301, %add3A_302 : i32
      %get3A_304 = arith.index_cast %add3A_303 : i32 to index
      %get3A_305 = tpu.vector_load %arg6[%get3A_304] {strides = array<i32>} : memref<16384xi32, #tpu.memory_space<vmem>>, vector<16xi32>,
      %get3A_306 = arith.index_cast %add3A_303 : i32 to index
      %get3A_307 = tpu.vector_load %arg5[%get3A_306] {strides = array<i32>} : memref<16384xi32, #tpu.memory_space<vmem>>, vector<16xi32>,
      %mul3A_308 = arith.constant 2048 : i32
      %mul3A_309 = vector.broadcast %mul3A_308 : i32 to vector<16xi32>
      %mul3A_310 = arith.muli %get3A_307, %mul3A_309 : vector<16xi32>
      %and3A_311 = arith.constant 1023 : i32
      %and3A_312 = vector.broadcast %and3A_311 : i32 to vector<16xi32>
      %and3A_313 = arith.andi %get3A_305, %and3A_312 : vector<16xi32>
      %mul3A_314 = arith.constant 2 : i32
      %mul3A_315 = vector.broadcast %mul3A_314 : i32 to vector<16xi32>
      %mul3A_316 = arith.muli %and3A_313, %mul3A_315 : vector<16xi32>
      %add3A_317 = arith.addi %mul3A_310, %mul3A_316 : vector<16xi32>
      %shift_right_arithmetic3A_318 = arith.constant 10 : i32
      %shift_right_arithmetic3A_319 = vector.broadcast %shift_right_arithmetic3A_318 : i32 to vector<16xi32>
      %shift_right_arithmetic3A_320 = arith.shrsi %get3A_305, %shift_right_arithmetic3A_319 : vector<16xi32>
      %add3A_321 = arith.addi %add3A_317, %shift_right_arithmetic3A_320 : vector<16xi32>
      %swap3A_322 = arith.index_cast %add3A_303 : i32 to index
      %swap3A_323 = tpu.vector_load %arg5[%swap3A_322] {strides = array<i32>} : memref<16384xi32, #tpu.memory_space<vmem>>, vector<16xi32>,
      tpu.vector_store %arg5[%swap3A_322], %add3A_321 {strides = array<i32>} : memref<16384xi32, #tpu.memory_space<vmem>>, vector<16xi32>,
      %mul3A_324 = arith.constant 256 : i32
      %mul3A_325 = arith.muli %while3A_39, %mul3A_324 : i32
      %add3A_326 = arith.constant 192 : i32
      %add3A_327 = arith.addi %mul3A_325, %add3A_326 : i32
      %get3A_328 = arith.index_cast %add3A_327 : i32 to index
      %get3A_329 = tpu.vector_load %arg6[%get3A_328] {strides = array<i32>} : memref<16384xi32, #tpu.memory_space<vmem>>, vector<16xi32>,
      %get3A_330 = arith.index_cast %add3A_327 : i32 to index
      %get3A_331 = tpu.vector_load %arg5[%get3A_330] {strides = array<i32>} : memref<16384xi32, #tpu.memory_space<vmem>>, vector<16xi32>,
      %mul3A_332 = arith.constant 2048 : i32
      %mul3A_333 = vector.broadcast %mul3A_332 : i32 to vector<16xi32>
      %mul3A_334 = arith.muli %get3A_331, %mul3A_333 : vector<16xi32>
      %and3A_335 = arith.constant 1023 : i32
      %and3A_336 = vector.broadcast %and3A_335 : i32 to vector<16xi32>
      %and3A_337 = arith.andi %get3A_329, %and3A_336 : vector<16xi32>
      %mul3A_338 = arith.constant 2 : i32
      %mul3A_339 = vector.broadcast %mul3A_338 : i32 to vector<16xi32>
      %mul3A_340 = arith.muli %and3A_337, %mul3A_339 : vector<16xi32>
      %add3A_341 = arith.addi %mul3A_334, %mul3A_340 : vector<16xi32>
      %shift_right_arithmetic3A_342 = arith.constant 10 : i32
      %shift_right_arithmetic3A_343 = vector.broadcast %shift_right_arithmetic3A_342 : i32 to vector<16xi32>
      %shift_right_arithmetic3A_344 = arith.shrsi %get3A_329, %shift_right_arithmetic3A_343 : vector<16xi32>
      %add3A_345 = arith.addi %add3A_341, %shift_right_arithmetic3A_344 : vector<16xi32>
      %swap3A_346 = arith.index_cast %add3A_327 : i32 to index
      %swap3A_347 = tpu.vector_load %arg5[%swap3A_346] {strides = array<i32>} : memref<16384xi32, #tpu.memory_space<vmem>>, vector<16xi32>,
      tpu.vector_store %arg5[%swap3A_346], %add3A_345 {strides = array<i32>} : memref<16384xi32, #tpu.memory_space<vmem>>, vector<16xi32>,
      %mul3A_348 = arith.constant 256 : i32
      %mul3A_349 = arith.muli %while3A_39, %mul3A_348 : i32
      %add3A_350 = arith.constant 208 : i32
      %add3A_351 = arith.addi %mul3A_349, %add3A_350 : i32
      %get3A_352 = arith.index_cast %add3A_351 : i32 to index
      %get3A_353 = tpu.vector_load %arg6[%get3A_352] {strides = array<i32>} : memref<16384xi32, #tpu.memory_space<vmem>>, vector<16xi32>,
      %get3A_354 = arith.index_cast %add3A_351 : i32 to index
      %get3A_355 = tpu.vector_load %arg5[%get3A_354] {strides = array<i32>} : memref<16384xi32, #tpu.memory_space<vmem>>, vector<16xi32>,
      %mul3A_356 = arith.constant 2048 : i32
      %mul3A_357 = vector.broadcast %mul3A_356 : i32 to vector<16xi32>
      %mul3A_358 = arith.muli %get3A_355, %mul3A_357 : vector<16xi32>
      %and3A_359 = arith.constant 1023 : i32
      %and3A_360 = vector.broadcast %and3A_359 : i32 to vector<16xi32>
      %and3A_361 = arith.andi %get3A_353, %and3A_360 : vector<16xi32>
      %mul3A_362 = arith.constant 2 : i32
      %mul3A_363 = vector.broadcast %mul3A_362 : i32 to vector<16xi32>
      %mul3A_364 = arith.muli %and3A_361, %mul3A_363 : vector<16xi32>
      %add3A_365 = arith.addi %mul3A_358, %mul3A_364 : vector<16xi32>
      %shift_right_arithmetic3A_366 = arith.constant 10 : i32
      %shift_right_arithmetic3A_367 = vector.broadcast %shift_right_arithmetic3A_366 : i32 to vector<16xi32>
      %shift_right_arithmetic3A_368 = arith.shrsi %get3A_353, %shift_right_arithmetic3A_367 : vector<16xi32>
      %add3A_369 = arith.addi %add3A_365, %shift_right_arithmetic3A_368 : vector<16xi32>
      %swap3A_370 = arith.index_cast %add3A_351 : i32 to index
      %swap3A_371 = tpu.vector_load %arg5[%swap3A_370] {strides = array<i32>} : memref<16384xi32, #tpu.memory_space<vmem>>, vector<16xi32>,
      tpu.vector_store %arg5[%swap3A_370], %add3A_369 {strides = array<i32>} : memref<16384xi32, #tpu.memory_space<vmem>>, vector<16xi32>,
      %mul3A_372 = arith.constant 256 : i32
      %mul3A_373 = arith.muli %while3A_39, %mul3A_372 : i32
      %add3A_374 = arith.constant 224 : i32
      %add3A_375 = arith.addi %mul3A_373, %add3A_374 : i32
      %get3A_376 = arith.index_cast %add3A_375 : i32 to index
      %get3A_377 = tpu.vector_load %arg6[%get3A_376] {strides = array<i32>} : memref<16384xi32, #tpu.memory_space<vmem>>, vector<16xi32>,
      %get3A_378 = arith.index_cast %add3A_375 : i32 to index
      %get3A_379 = tpu.vector_load %arg5[%get3A_378] {strides = array<i32>} : memref<16384xi32, #tpu.memory_space<vmem>>, vector<16xi32>,
      %mul3A_380 = arith.constant 2048 : i32
      %mul3A_381 = vector.broadcast %mul3A_380 : i32 to vector<16xi32>
      %mul3A_382 = arith.muli %get3A_379, %mul3A_381 : vector<16xi32>
      %and3A_383 = arith.constant 1023 : i32
      %and3A_384 = vector.broadcast %and3A_383 : i32 to vector<16xi32>
      %and3A_385 = arith.andi %get3A_377, %and3A_384 : vector<16xi32>
      %mul3A_386 = arith.constant 2 : i32
      %mul3A_387 = vector.broadcast %mul3A_386 : i32 to vector<16xi32>
      %mul3A_388 = arith.muli %and3A_385, %mul3A_387 : vector<16xi32>
      %add3A_389 = arith.addi %mul3A_382, %mul3A_388 : vector<16xi32>
      %shift_right_arithmetic3A_390 = arith.constant 10 : i32
      %shift_right_arithmetic3A_391 = vector.broadcast %shift_right_arithmetic3A_390 : i32 to vector<16xi32>
      %shift_right_arithmetic3A_392 = arith.shrsi %get3A_377, %shift_right_arithmetic3A_391 : vector<16xi32>
      %add3A_393 = arith.addi %add3A_389, %shift_right_arithmetic3A_392 : vector<16xi32>
      %swap3A_394 = arith.index_cast %add3A_375 : i32 to index
      %swap3A_395 = tpu.vector_load %arg5[%swap3A_394] {strides = array<i32>} : memref<16384xi32, #tpu.memory_space<vmem>>, vector<16xi32>,
      tpu.vector_store %arg5[%swap3A_394], %add3A_393 {strides = array<i32>} : memref<16384xi32, #tpu.memory_space<vmem>>, vector<16xi32>,
      %mul3A_396 = arith.constant 256 : i32
      %mul3A_397 = arith.muli %while3A_39, %mul3A_396 : i32
      %add3A_398 = arith.constant 240 : i32
      %add3A_399 = arith.addi %mul3A_397, %add3A_398 : i32
      %get3A_400 = arith.index_cast %add3A_399 : i32 to index
      %get3A_401 = tpu.vector_load %arg6[%get3A_400] {strides = array<i32>} : memref<16384xi32, #tpu.memory_space<vmem>>, vector<16xi32>,
      %get3A_402 = arith.index_cast %add3A_399 : i32 to index
      %get3A_403 = tpu.vector_load %arg5[%get3A_402] {strides = array<i32>} : memref<16384xi32, #tpu.memory_space<vmem>>, vector<16xi32>,
      %mul3A_404 = arith.constant 2048 : i32
      %mul3A_405 = vector.broadcast %mul3A_404 : i32 to vector<16xi32>
      %mul3A_406 = arith.muli %get3A_403, %mul3A_405 : vector<16xi32>
      %and3A_407 = arith.constant 1023 : i32
      %and3A_408 = vector.broadcast %and3A_407 : i32 to vector<16xi32>
      %and3A_409 = arith.andi %get3A_401, %and3A_408 : vector<16xi32>
      %mul3A_410 = arith.constant 2 : i32
      %mul3A_411 = vector.broadcast %mul3A_410 : i32 to vector<16xi32>
      %mul3A_412 = arith.muli %and3A_409, %mul3A_411 : vector<16xi32>
      %add3A_413 = arith.addi %mul3A_406, %mul3A_412 : vector<16xi32>
      %shift_right_arithmetic3A_414 = arith.constant 10 : i32
      %shift_right_arithmetic3A_415 = vector.broadcast %shift_right_arithmetic3A_414 : i32 to vector<16xi32>
      %shift_right_arithmetic3A_416 = arith.shrsi %get3A_401, %shift_right_arithmetic3A_415 : vector<16xi32>
      %add3A_417 = arith.addi %add3A_413, %shift_right_arithmetic3A_416 : vector<16xi32>
      %swap3A_418 = arith.index_cast %add3A_399 : i32 to index
      %swap3A_419 = tpu.vector_load %arg5[%swap3A_418] {strides = array<i32>} : memref<16384xi32, #tpu.memory_space<vmem>>, vector<16xi32>,
      tpu.vector_store %arg5[%swap3A_418], %add3A_417 {strides = array<i32>} : memref<16384xi32, #tpu.memory_space<vmem>>, vector<16xi32>,
    }
    %while3A_10 = arith.constant 1 : i32
    scf.for %while3A_39 = %while3A_8 to %while3A_4 step %while3A_10  : i32 {
      %mul3A_40 = arith.constant 256 : i32
      %mul3A_41 = arith.muli %while3A_39, %mul3A_40 : i32
      %add3A_42 = arith.constant 0 : i32
      %add3A_43 = arith.addi %mul3A_41, %add3A_42 : i32
      %get3A = arith.index_cast %add3A_43 : i32 to index
      %get3A_44 = tpu.vector_load %arg6[%get3A] {strides = array<i32>} : memref<16384xi32, #tpu.memory_space<vmem>>, vector<16xi32>,
      %get3A_45 = arith.index_cast %add3A_43 : i32 to index
      %get3A_46 = tpu.vector_load %arg5[%get3A_45] {strides = array<i32>} : memref<16384xi32, #tpu.memory_space<vmem>>, vector<16xi32>,
      %mul3A_47 = arith.constant 2048 : i32
      %mul3A_48 = vector.broadcast %mul3A_47 : i32 to vector<16xi32>
      %mul3A_49 = arith.muli %get3A_46, %mul3A_48 : vector<16xi32>
      %and3A = arith.constant 1023 : i32
      %and3A_50 = vector.broadcast %and3A : i32 to vector<16xi32>
      %and3A_51 = arith.andi %get3A_44, %and3A_50 : vector<16xi32>
      %mul3A_52 = arith.constant 2 : i32
      %mul3A_53 = vector.broadcast %mul3A_52 : i32 to vector<16xi32>
      %mul3A_54 = arith.muli %and3A_51, %mul3A_53 : vector<16xi32>
      %add3A_55 = arith.addi %mul3A_49, %mul3A_54 : vector<16xi32>
      %shift_right_arithmetic3A = arith.constant 10 : i32
      %shift_right_arithmetic3A_56 = vector.broadcast %shift_right_arithmetic3A : i32 to vector<16xi32>
      %shift_right_arithmetic3A_57 = arith.shrsi %get3A_44, %shift_right_arithmetic3A_56 : vector<16xi32>
      %add3A_58 = arith.addi %add3A_55, %shift_right_arithmetic3A_57 : vector<16xi32>
      %swap3A = arith.index_cast %add3A_43 : i32 to index
      %swap3A_59 = tpu.vector_load %arg5[%swap3A] {strides = array<i32>} : memref<16384xi32, #tpu.memory_space<vmem>>, vector<16xi32>,
      tpu.vector_store %arg5[%swap3A], %add3A_58 {strides = array<i32>} : memref<16384xi32, #tpu.memory_space<vmem>>, vector<16xi32>,
      %mul3A_60 = arith.constant 256 : i32
      %mul3A_61 = arith.muli %while3A_39, %mul3A_60 : i32
      %add3A_62 = arith.constant 16 : i32
      %add3A_63 = arith.addi %mul3A_61, %add3A_62 : i32
      %get3A_64 = arith.index_cast %add3A_63 : i32 to index
      %get3A_65 = tpu.vector_load %arg6[%get3A_64] {strides = array<i32>} : memref<16384xi32, #tpu.memory_space<vmem>>, vector<16xi32>,
      %get3A_66 = arith.index_cast %add3A_63 : i32 to index
      %get3A_67 = tpu.vector_load %arg5[%get3A_66] {strides = array<i32>} : memref<16384xi32, #tpu.memory_space<vmem>>, vector<16xi32>,
      %mul3A_68 = arith.constant 2048 : i32
      %mul3A_69 = vector.broadcast %mul3A_68 : i32 to vector<16xi32>
      %mul3A_70 = arith.muli %get3A_67, %mul3A_69 : vector<16xi32>
      %and3A_71 = arith.constant 1023 : i32
      %and3A_72 = vector.broadcast %and3A_71 : i32 to vector<16xi32>
      %and3A_73 = arith.andi %get3A_65, %and3A_72 : vector<16xi32>
      %mul3A_74 = arith.constant 2 : i32
      %mul3A_75 = vector.broadcast %mul3A_74 : i32 to vector<16xi32>
      %mul3A_76 = arith.muli %and3A_73, %mul3A_75 : vector<16xi32>
      %add3A_77 = arith.addi %mul3A_70, %mul3A_76 : vector<16xi32>
      %shift_right_arithmetic3A_78 = arith.constant 10 : i32
      %shift_right_arithmetic3A_79 = vector.broadcast %shift_right_arithmetic3A_78 : i32 to vector<16xi32>
      %shift_right_arithmetic3A_80 = arith.shrsi %get3A_65, %shift_right_arithmetic3A_79 : vector<16xi32>
      %add3A_81 = arith.addi %add3A_77, %shift_right_arithmetic3A_80 : vector<16xi32>
      %swap3A_82 = arith.index_cast %add3A_63 : i32 to index
      %swap3A_83 = tpu.vector_load %arg5[%swap3A_82] {strides = array<i32>} : memref<16384xi32, #tpu.memory_space<vmem>>, vector<16xi32>,
      tpu.vector_store %arg5[%swap3A_82], %add3A_81 {strides = array<i32>} : memref<16384xi32, #tpu.memory_space<vmem>>, vector<16xi32>,
      %mul3A_84 = arith.constant 256 : i32
      %mul3A_85 = arith.muli %while3A_39, %mul3A_84 : i32
      %add3A_86 = arith.constant 32 : i32
      %add3A_87 = arith.addi %mul3A_85, %add3A_86 : i32
      %get3A_88 = arith.index_cast %add3A_87 : i32 to index
      %get3A_89 = tpu.vector_load %arg6[%get3A_88] {strides = array<i32>} : memref<16384xi32, #tpu.memory_space<vmem>>, vector<16xi32>,
      %get3A_90 = arith.index_cast %add3A_87 : i32 to index
      %get3A_91 = tpu.vector_load %arg5[%get3A_90] {strides = array<i32>} : memref<16384xi32, #tpu.memory_space<vmem>>, vector<16xi32>,
      %mul3A_92 = arith.constant 2048 : i32
      %mul3A_93 = vector.broadcast %mul3A_92 : i32 to vector<16xi32>
      %mul3A_94 = arith.muli %get3A_91, %mul3A_93 : vector<16xi32>
      %and3A_95 = arith.constant 1023 : i32
      %and3A_96 = vector.broadcast %and3A_95 : i32 to vector<16xi32>
      %and3A_97 = arith.andi %get3A_89, %and3A_96 : vector<16xi32>
      %mul3A_98 = arith.constant 2 : i32
      %mul3A_99 = vector.broadcast %mul3A_98 : i32 to vector<16xi32>
      %mul3A_100 = arith.muli %and3A_97, %mul3A_99 : vector<16xi32>
      %add3A_101 = arith.addi %mul3A_94, %mul3A_100 : vector<16xi32>
      %shift_right_arithmetic3A_102 = arith.constant 10 : i32
      %shift_right_arithmetic3A_103 = vector.broadcast %shift_right_arithmetic3A_102 : i32 to vector<16xi32>
      %shift_right_arithmetic3A_104 = arith.shrsi %get3A_89, %shift_right_arithmetic3A_103 : vector<16xi32>
      %add3A_105 = arith.addi %add3A_101, %shift_right_arithmetic3A_104 : vector<16xi32>
      %swap3A_106 = arith.index_cast %add3A_87 : i32 to index
      %swap3A_107 = tpu.vector_load %arg5[%swap3A_106] {strides = array<i32>} : memref<16384xi32, #tpu.memory_space<vmem>>, vector<16xi32>,
      tpu.vector_store %arg5[%swap3A_106], %add3A_105 {strides = array<i32>} : memref<16384xi32, #tpu.memory_space<vmem>>, vector<16xi32>,
      %mul3A_108 = arith.constant 256 : i32
      %mul3A_109 = arith.muli %while3A_39, %mul3A_108 : i32
      %add3A_110 = arith.constant 48 : i32
      %add3A_111 = arith.addi %mul3A_109, %add3A_110 : i32
      %get3A_112 = arith.index_cast %add3A_111 : i32 to index
      %get3A_113 = tpu.vector_load %arg6[%get3A_112] {strides = array<i32>} : memref<16384xi32, #tpu.memory_space<vmem>>, vector<16xi32>,
      %get3A_114 = arith.index_cast %add3A_111 : i32 to index
      %get3A_115 = tpu.vector_load %arg5[%get3A_114] {strides = array<i32>} : memref<16384xi32, #tpu.memory_space<vmem>>, vector<16xi32>,
      %mul3A_116 = arith.constant 2048 : i32
      %mul3A_117 = vector.broadcast %mul3A_116 : i32 to vector<16xi32>
      %mul3A_118 = arith.muli %get3A_115, %mul3A_117 : vector<16xi32>
      %and3A_119 = arith.constant 1023 : i32
      %and3A_120 = vector.broadcast %and3A_119 : i32 to vector<16xi32>
      %and3A_121 = arith.andi %get3A_113, %and3A_120 : vector<16xi32>
      %mul3A_122 = arith.constant 2 : i32
      %mul3A_123 = vector.broadcast %mul3A_122 : i32 to vector<16xi32>
      %mul3A_124 = arith.muli %and3A_121, %mul3A_123 : vector<16xi32>
      %add3A_125 = arith.addi %mul3A_118, %mul3A_124 : vector<16xi32>
      %shift_right_arithmetic3A_126 = arith.constant 10 : i32
      %shift_right_arithmetic3A_127 = vector.broadcast %shift_right_arithmetic3A_126 : i32 to vector<16xi32>
      %shift_right_arithmetic3A_128 = arith.shrsi %get3A_113, %shift_right_arithmetic3A_127 : vector<16xi32>
      %add3A_129 = arith.addi %add3A_125, %shift_right_arithmetic3A_128 : vector<16xi32>
      %swap3A_130 = arith.index_cast %add3A_111 : i32 to index
      %swap3A_131 = tpu.vector_load %arg5[%swap3A_130] {strides = array<i32>} : memref<16384xi32, #tpu.memory_space<vmem>>, vector<16xi32>,
      tpu.vector_store %arg5[%swap3A_130], %add3A_129 {strides = array<i32>} : memref<16384xi32, #tpu.memory_space<vmem>>, vector<16xi32>,
      %mul3A_132 = arith.constant 256 : i32
      %mul3A_133 = arith.muli %while3A_39, %mul3A_132 : i32
      %add3A_134 = arith.constant 64 : i32
      %add3A_135 = arith.addi %mul3A_133, %add3A_134 : i32
      %get3A_136 = arith.index_cast %add3A_135 : i32 to index
      %get3A_137 = tpu.vector_load %arg6[%get3A_136] {strides = array<i32>} : memref<16384xi32, #tpu.memory_space<vmem>>, vector<16xi32>,
      %get3A_138 = arith.index_cast %add3A_135 : i32 to index
      %get3A_139 = tpu.vector_load %arg5[%get3A_138] {strides = array<i32>} : memref<16384xi32, #tpu.memory_space<vmem>>, vector<16xi32>,
      %mul3A_140 = arith.constant 2048 : i32
      %mul3A_141 = vector.broadcast %mul3A_140 : i32 to vector<16xi32>
      %mul3A_142 = arith.muli %get3A_139, %mul3A_141 : vector<16xi32>
      %and3A_143 = arith.constant 1023 : i32
      %and3A_144 = vector.broadcast %and3A_143 : i32 to vector<16xi32>
      %and3A_145 = arith.andi %get3A_137, %and3A_144 : vector<16xi32>
      %mul3A_146 = arith.constant 2 : i32
      %mul3A_147 = vector.broadcast %mul3A_146 : i32 to vector<16xi32>
      %mul3A_148 = arith.muli %and3A_145, %mul3A_147 : vector<16xi32>
      %add3A_149 = arith.addi %mul3A_142, %mul3A_148 : vector<16xi32>
      %shift_right_arithmetic3A_150 = arith.constant 10 : i32
      %shift_right_arithmetic3A_151 = vector.broadcast %shift_right_arithmetic3A_150 : i32 to vector<16xi32>
      %shift_right_arithmetic3A_152 = arith.shrsi %get3A_137, %shift_right_arithmetic3A_151 : vector<16xi32>
      %add3A_153 = arith.addi %add3A_149, %shift_right_arithmetic3A_152 : vector<16xi32>
      %swap3A_154 = arith.index_cast %add3A_135 : i32 to index
      %swap3A_155 = tpu.vector_load %arg5[%swap3A_154] {strides = array<i32>} : memref<16384xi32, #tpu.memory_space<vmem>>, vector<16xi32>,
      tpu.vector_store %arg5[%swap3A_154], %add3A_153 {strides = array<i32>} : memref<16384xi32, #tpu.memory_space<vmem>>, vector<16xi32>,
      %mul3A_156 = arith.constant 256 : i32
      %mul3A_157 = arith.muli %while3A_39, %mul3A_156 : i32
      %add3A_158 = arith.constant 80 : i32
      %add3A_159 = arith.addi %mul3A_157, %add3A_158 : i32
      %get3A_160 = arith.index_cast %add3A_159 : i32 to index
      %get3A_161 = tpu.vector_load %arg6[%get3A_160] {strides = array<i32>} : memref<16384xi32, #tpu.memory_space<vmem>>, vector<16xi32>,
      %get3A_162 = arith.index_cast %add3A_159 : i32 to index
      %get3A_163 = tpu.vector_load %arg5[%get3A_162] {strides = array<i32>} : memref<16384xi32, #tpu.memory_space<vmem>>, vector<16xi32>,
      %mul3A_164 = arith.constant 2048 : i32
      %mul3A_165 = vector.broadcast %mul3A_164 : i32 to vector<16xi32>
      %mul3A_166 = arith.muli %get3A_163, %mul3A_165 : vector<16xi32>
      %and3A_167 = arith.constant 1023 : i32
      %and3A_168 = vector.broadcast %and3A_167 : i32 to vector<16xi32>
      %and3A_169 = arith.andi %get3A_161, %and3A_168 : vector<16xi32>
      %mul3A_170 = arith.constant 2 : i32
      %mul3A_171 = vector.broadcast %mul3A_170 : i32 to vector<16xi32>
      %mul3A_172 = arith.muli %and3A_169, %mul3A_171 : vector<16xi32>
      %add3A_173 = arith.addi %mul3A_166, %mul3A_172 : vector<16xi32>
      %shift_right_arithmetic3A_174 = arith.constant 10 : i32
      %shift_right_arithmetic3A_175 = vector.broadcast %shift_right_arithmetic3A_174 : i32 to vector<16xi32>
      %shift_right_arithmetic3A_176 = arith.shrsi %get3A_161, %shift_right_arithmetic3A_175 : vector<16xi32>
      %add3A_177 = arith.addi %add3A_173, %shift_right_arithmetic3A_176 : vector<16xi32>
      %swap3A_178 = arith.index_cast %add3A_159 : i32 to index
      %swap3A_179 = tpu.vector_load %arg5[%swap3A_178] {strides = array<i32>} : memref<16384xi32, #tpu.memory_space<vmem>>, vector<16xi32>,
      tpu.vector_store %arg5[%swap3A_178], %add3A_177 {strides = array<i32>} : memref<16384xi32, #tpu.memory_space<vmem>>, vector<16xi32>,
      %mul3A_180 = arith.constant 256 : i32
      %mul3A_181 = arith.muli %while3A_39, %mul3A_180 : i32
      %add3A_182 = arith.constant 96 : i32
      %add3A_183 = arith.addi %mul3A_181, %add3A_182 : i32
      %get3A_184 = arith.index_cast %add3A_183 : i32 to index
      %get3A_185 = tpu.vector_load %arg6[%get3A_184] {strides = array<i32>} : memref<16384xi32, #tpu.memory_space<vmem>>, vector<16xi32>,
      %get3A_186 = arith.index_cast %add3A_183 : i32 to index
      %get3A_187 = tpu.vector_load %arg5[%get3A_186] {strides = array<i32>} : memref<16384xi32, #tpu.memory_space<vmem>>, vector<16xi32>,
      %mul3A_188 = arith.constant 2048 : i32
      %mul3A_189 = vector.broadcast %mul3A_188 : i32 to vector<16xi32>
      %mul3A_190 = arith.muli %get3A_187, %mul3A_189 : vector<16xi32>
      %and3A_191 = arith.constant 1023 : i32
      %and3A_192 = vector.broadcast %and3A_191 : i32 to vector<16xi32>
      %and3A_193 = arith.andi %get3A_185, %and3A_192 : vector<16xi32>
      %mul3A_194 = arith.constant 2 : i32
      %mul3A_195 = vector.broadcast %mul3A_194 : i32 to vector<16xi32>
      %mul3A_196 = arith.muli %and3A_193, %mul3A_195 : vector<16xi32>
      %add3A_197 = arith.addi %mul3A_190, %mul3A_196 : vector<16xi32>
      %shift_right_arithmetic3A_198 = arith.constant 10 : i32
      %shift_right_arithmetic3A_199 = vector.broadcast %shift_right_arithmetic3A_198 : i32 to vector<16xi32>
      %shift_right_arithmetic3A_200 = arith.shrsi %get3A_185, %shift_right_arithmetic3A_199 : vector<16xi32>
      %add3A_201 = arith.addi %add3A_197, %shift_right_arithmetic3A_200 : vector<16xi32>
      %swap3A_202 = arith.index_cast %add3A_183 : i32 to index
      %swap3A_203 = tpu.vector_load %arg5[%swap3A_202] {strides = array<i32>} : memref<16384xi32, #tpu.memory_space<vmem>>, vector<16xi32>,
      tpu.vector_store %arg5[%swap3A_202], %add3A_201 {strides = array<i32>} : memref<16384xi32, #tpu.memory_space<vmem>>, vector<16xi32>,
      %mul3A_204 = arith.constant 256 : i32
      %mul3A_205 = arith.muli %while3A_39, %mul3A_204 : i32
      %add3A_206 = arith.constant 112 : i32
      %add3A_207 = arith.addi %mul3A_205, %add3A_206 : i32
      %get3A_208 = arith.index_cast %add3A_207 : i32 to index
      %get3A_209 = tpu.vector_load %arg6[%get3A_208] {strides = array<i32>} : memref<16384xi32, #tpu.memory_space<vmem>>, vector<16xi32>,
      %get3A_210 = arith.index_cast %add3A_207 : i32 to index
      %get3A_211 = tpu.vector_load %arg5[%get3A_210] {strides = array<i32>} : memref<16384xi32, #tpu.memory_space<vmem>>, vector<16xi32>,
      %mul3A_212 = arith.constant 2048 : i32
      %mul3A_213 = vector.broadcast %mul3A_212 : i32 to vector<16xi32>
      %mul3A_214 = arith.muli %get3A_211, %mul3A_213 : vector<16xi32>
      %and3A_215 = arith.constant 1023 : i32
      %and3A_216 = vector.broadcast %and3A_215 : i32 to vector<16xi32>
      %and3A_217 = arith.andi %get3A_209, %and3A_216 : vector<16xi32>
      %mul3A_218 = arith.constant 2 : i32
      %mul3A_219 = vector.broadcast %mul3A_218 : i32 to vector<16xi32>
      %mul3A_220 = arith.muli %and3A_217, %mul3A_219 : vector<16xi32>
      %add3A_221 = arith.addi %mul3A_214, %mul3A_220 : vector<16xi32>
      %shift_right_arithmetic3A_222 = arith.constant 10 : i32
      %shift_right_arithmetic3A_223 = vector.broadcast %shift_right_arithmetic3A_222 : i32 to vector<16xi32>
      %shift_right_arithmetic3A_224 = arith.shrsi %get3A_209, %shift_right_arithmetic3A_223 : vector<16xi32>
      %add3A_225 = arith.addi %add3A_221, %shift_right_arithmetic3A_224 : vector<16xi32>
      %swap3A_226 = arith.index_cast %add3A_207 : i32 to index
      %swap3A_227 = tpu.vector_load %arg5[%swap3A_226] {strides = array<i32>} : memref<16384xi32, #tpu.memory_space<vmem>>, vector<16xi32>,
      tpu.vector_store %arg5[%swap3A_226], %add3A_225 {strides = array<i32>} : memref<16384xi32, #tpu.memory_space<vmem>>, vector<16xi32>,
      %mul3A_228 = arith.constant 256 : i32
      %mul3A_229 = arith.muli %while3A_39, %mul3A_228 : i32
      %add3A_230 = arith.constant 128 : i32
      %add3A_231 = arith.addi %mul3A_229, %add3A_230 : i32
      %get3A_232 = arith.index_cast %add3A_231 : i32 to index
      %get3A_233 = tpu.vector_load %arg6[%get3A_232] {strides = array<i32>} : memref<16384xi32, #tpu.memory_space<vmem>>, vector<16xi32>,
      %get3A_234 = arith.index_cast %add3A_231 : i32 to index
      %get3A_235 = tpu.vector_load %arg5[%get3A_234] {strides = array<i32>} : memref<16384xi32, #tpu.memory_space<vmem>>, vector<16xi32>,
      %mul3A_236 = arith.constant 2048 : i32
      %mul3A_237 = vector.broadcast %mul3A_236 : i32 to vector<16xi32>
      %mul3A_238 = arith.muli %get3A_235, %mul3A_237 : vector<16xi32>
      %and3A_239 = arith.constant 1023 : i32
      %and3A_240 = vector.broadcast %and3A_239 : i32 to vector<16xi32>
      %and3A_241 = arith.andi %get3A_233, %and3A_240 : vector<16xi32>
      %mul3A_242 = arith.constant 2 : i32
      %mul3A_243 = vector.broadcast %mul3A_242 : i32 to vector<16xi32>
      %mul3A_244 = arith.muli %and3A_241, %mul3A_243 : vector<16xi32>
      %add3A_245 = arith.addi %mul3A_238, %mul3A_244 : vector<16xi32>
      %shift_right_arithmetic3A_246 = arith.constant 10 : i32
      %shift_right_arithmetic3A_247 = vector.broadcast %shift_right_arithmetic3A_246 : i32 to vector<16xi32>
      %shift_right_arithmetic3A_248 = arith.shrsi %get3A_233, %shift_right_arithmetic3A_247 : vector<16xi32>
      %add3A_249 = arith.addi %add3A_245, %shift_right_arithmetic3A_248 : vector<16xi32>
      %swap3A_250 = arith.index_cast %add3A_231 : i32 to index
      %swap3A_251 = tpu.vector_load %arg5[%swap3A_250] {strides = array<i32>} : memref<16384xi32, #tpu.memory_space<vmem>>, vector<16xi32>,
      tpu.vector_store %arg5[%swap3A_250], %add3A_249 {strides = array<i32>} : memref<16384xi32, #tpu.memory_space<vmem>>, vector<16xi32>,
      %mul3A_252 = arith.constant 256 : i32
      %mul3A_253 = arith.muli %while3A_39, %mul3A_252 : i32
      %add3A_254 = arith.constant 144 : i32
      %add3A_255 = arith.addi %mul3A_253, %add3A_254 : i32
      %get3A_256 = arith.index_cast %add3A_255 : i32 to index
      %get3A_257 = tpu.vector_load %arg6[%get3A_256] {strides = array<i32>} : memref<16384xi32, #tpu.memory_space<vmem>>, vector<16xi32>,
      %get3A_258 = arith.index_cast %add3A_255 : i32 to index
      %get3A_259 = tpu.vector_load %arg5[%get3A_258] {strides = array<i32>} : memref<16384xi32, #tpu.memory_space<vmem>>, vector<16xi32>,
      %mul3A_260 = arith.constant 2048 : i32
      %mul3A_261 = vector.broadcast %mul3A_260 : i32 to vector<16xi32>
      %mul3A_262 = arith.muli %get3A_259, %mul3A_261 : vector<16xi32>
      %and3A_263 = arith.constant 1023 : i32
      %and3A_264 = vector.broadcast %and3A_263 : i32 to vector<16xi32>
      %and3A_265 = arith.andi %get3A_257, %and3A_264 : vector<16xi32>
      %mul3A_266 = arith.constant 2 : i32
      %mul3A_267 = vector.broadcast %mul3A_266 : i32 to vector<16xi32>
      %mul3A_268 = arith.muli %and3A_265, %mul3A_267 : vector<16xi32>
      %add3A_269 = arith.addi %mul3A_262, %mul3A_268 : vector<16xi32>
      %shift_right_arithmetic3A_270 = arith.constant 10 : i32
      %shift_right_arithmetic3A_271 = vector.broadcast %shift_right_arithmetic3A_270 : i32 to vector<16xi32>
      %shift_right_arithmetic3A_272 = arith.shrsi %get3A_257, %shift_right_arithmetic3A_271 : vector<16xi32>
      %add3A_273 = arith.addi %add3A_269, %shift_right_arithmetic3A_272 : vector<16xi32>
      %swap3A_274 = arith.index_cast %add3A_255 : i32 to index
      %swap3A_275 = tpu.vector_load %arg5[%swap3A_274] {strides = array<i32>} : memref<16384xi32, #tpu.memory_space<vmem>>, vector<16xi32>,
      tpu.vector_store %arg5[%swap3A_274], %add3A_273 {strides = array<i32>} : memref<16384xi32, #tpu.memory_space<vmem>>, vector<16xi32>,
      %mul3A_276 = arith.constant 256 : i32
      %mul3A_277 = arith.muli %while3A_39, %mul3A_276 : i32
      %add3A_278 = arith.constant 160 : i32
      %add3A_279 = arith.addi %mul3A_277, %add3A_278 : i32
      %get3A_280 = arith.index_cast %add3A_279 : i32 to index
      %get3A_281 = tpu.vector_load %arg6[%get3A_280] {strides = array<i32>} : memref<16384xi32, #tpu.memory_space<vmem>>, vector<16xi32>,
      %get3A_282 = arith.index_cast %add3A_279 : i32 to index
      %get3A_283 = tpu.vector_load %arg5[%get3A_282] {strides = array<i32>} : memref<16384xi32, #tpu.memory_space<vmem>>, vector<16xi32>,
      %mul3A_284 = arith.constant 2048 : i32
      %mul3A_285 = vector.broadcast %mul3A_284 : i32 to vector<16xi32>
      %mul3A_286 = arith.muli %get3A_283, %mul3A_285 : vector<16xi32>
      %and3A_287 = arith.constant 1023 : i32
      %and3A_288 = vector.broadcast %and3A_287 : i32 to vector<16xi32>
      %and3A_289 = arith.andi %get3A_281, %and3A_288 : vector<16xi32>
      %mul3A_290 = arith.constant 2 : i32
      %mul3A_291 = vector.broadcast %mul3A_290 : i32 to vector<16xi32>
      %mul3A_292 = arith.muli %and3A_289, %mul3A_291 : vector<16xi32>
      %add3A_293 = arith.addi %mul3A_286, %mul3A_292 : vector<16xi32>
      %shift_right_arithmetic3A_294 = arith.constant 10 : i32
      %shift_right_arithmetic3A_295 = vector.broadcast %shift_right_arithmetic3A_294 : i32 to vector<16xi32>
      %shift_right_arithmetic3A_296 = arith.shrsi %get3A_281, %shift_right_arithmetic3A_295 : vector<16xi32>
      %add3A_297 = arith.addi %add3A_293, %shift_right_arithmetic3A_296 : vector<16xi32>
      %swap3A_298 = arith.index_cast %add3A_279 : i32 to index
      %swap3A_299 = tpu.vector_load %arg5[%swap3A_298] {strides = array<i32>} : memref<16384xi32, #tpu.memory_space<vmem>>, vector<16xi32>,
      tpu.vector_store %arg5[%swap3A_298], %add3A_297 {strides = array<i32>} : memref<16384xi32, #tpu.memory_space<vmem>>, vector<16xi32>,
      %mul3A_300 = arith.constant 256 : i32
      %mul3A_301 = arith.muli %while3A_39, %mul3A_300 : i32
      %add3A_302 = arith.constant 176 : i32
      %add3A_303 = arith.addi %mul3A_301, %add3A_302 : i32
      %get3A_304 = arith.index_cast %add3A_303 : i32 to index
      %get3A_305 = tpu.vector_load %arg6[%get3A_304] {strides = array<i32>} : memref<16384xi32, #tpu.memory_space<vmem>>, vector<16xi32>,
      %get3A_306 = arith.index_cast %add3A_303 : i32 to index
      %get3A_307 = tpu.vector_load %arg5[%get3A_306] {strides = array<i32>} : memref<16384xi32, #tpu.memory_space<vmem>>, vector<16xi32>,
      %mul3A_308 = arith.constant 2048 : i32
      %mul3A_309 = vector.broadcast %mul3A_308 : i32 to vector<16xi32>
      %mul3A_310 = arith.muli %get3A_307, %mul3A_309 : vector<16xi32>
      %and3A_311 = arith.constant 1023 : i32
      %and3A_312 = vector.broadcast %and3A_311 : i32 to vector<16xi32>
      %and3A_313 = arith.andi %get3A_305, %and3A_312 : vector<16xi32>
      %mul3A_314 = arith.constant 2 : i32
      %mul3A_315 = vector.broadcast %mul3A_314 : i32 to vector<16xi32>
      %mul3A_316 = arith.muli %and3A_313, %mul3A_315 : vector<16xi32>
      %add3A_317 = arith.addi %mul3A_310, %mul3A_316 : vector<16xi32>
      %shift_right_arithmetic3A_318 = arith.constant 10 : i32
      %shift_right_arithmetic3A_319 = vector.broadcast %shift_right_arithmetic3A_318 : i32 to vector<16xi32>
      %shift_right_arithmetic3A_320 = arith.shrsi %get3A_305, %shift_right_arithmetic3A_319 : vector<16xi32>
      %add3A_321 = arith.addi %add3A_317, %shift_right_arithmetic3A_320 : vector<16xi32>
      %swap3A_322 = arith.index_cast %add3A_303 : i32 to index
      %swap3A_323 = tpu.vector_load %arg5[%swap3A_322] {strides = array<i32>} : memref<16384xi32, #tpu.memory_space<vmem>>, vector<16xi32>,
      tpu.vector_store %arg5[%swap3A_322], %add3A_321 {strides = array<i32>} : memref<16384xi32, #tpu.memory_space<vmem>>, vector<16xi32>,
      %mul3A_324 = arith.constant 256 : i32
      %mul3A_325 = arith.muli %while3A_39, %mul3A_324 : i32
      %add3A_326 = arith.constant 192 : i32
      %add3A_327 = arith.addi %mul3A_325, %add3A_326 : i32
      %get3A_328 = arith.index_cast %add3A_327 : i32 to index
      %get3A_329 = tpu.vector_load %arg6[%get3A_328] {strides = array<i32>} : memref<16384xi32, #tpu.memory_space<vmem>>, vector<16xi32>,
      %get3A_330 = arith.index_cast %add3A_327 : i32 to index
      %get3A_331 = tpu.vector_load %arg5[%get3A_330] {strides = array<i32>} : memref<16384xi32, #tpu.memory_space<vmem>>, vector<16xi32>,
      %mul3A_332 = arith.constant 2048 : i32
      %mul3A_333 = vector.broadcast %mul3A_332 : i32 to vector<16xi32>
      %mul3A_334 = arith.muli %get3A_331, %mul3A_333 : vector<16xi32>
      %and3A_335 = arith.constant 1023 : i32
      %and3A_336 = vector.broadcast %and3A_335 : i32 to vector<16xi32>
      %and3A_337 = arith.andi %get3A_329, %and3A_336 : vector<16xi32>
      %mul3A_338 = arith.constant 2 : i32
      %mul3A_339 = vector.broadcast %mul3A_338 : i32 to vector<16xi32>
      %mul3A_340 = arith.muli %and3A_337, %mul3A_339 : vector<16xi32>
      %add3A_341 = arith.addi %mul3A_334, %mul3A_340 : vector<16xi32>
      %shift_right_arithmetic3A_342 = arith.constant 10 : i32
      %shift_right_arithmetic3A_343 = vector.broadcast %shift_right_arithmetic3A_342 : i32 to vector<16xi32>
      %shift_right_arithmetic3A_344 = arith.shrsi %get3A_329, %shift_right_arithmetic3A_343 : vector<16xi32>
      %add3A_345 = arith.addi %add3A_341, %shift_right_arithmetic3A_344 : vector<16xi32>
      %swap3A_346 = arith.index_cast %add3A_327 : i32 to index
      %swap3A_347 = tpu.vector_load %arg5[%swap3A_346] {strides = array<i32>} : memref<16384xi32, #tpu.memory_space<vmem>>, vector<16xi32>,
      tpu.vector_store %arg5[%swap3A_346], %add3A_345 {strides = array<i32>} : memref<16384xi32, #tpu.memory_space<vmem>>, vector<16xi32>,
      %mul3A_348 = arith.constant 256 : i32
      %mul3A_349 = arith.muli %while3A_39, %mul3A_348 : i32
      %add3A_350 = arith.constant 208 : i32
      %add3A_351 = arith.addi %mul3A_349, %add3A_350 : i32
      %get3A_352 = arith.index_cast %add3A_351 : i32 to index
      %get3A_353 = tpu.vector_load %arg6[%get3A_352] {strides = array<i32>} : memref<16384xi32, #tpu.memory_space<vmem>>, vector<16xi32>,
      %get3A_354 = arith.index_cast %add3A_351 : i32 to index
      %get3A_355 = tpu.vector_load %arg5[%get3A_354] {strides = array<i32>} : memref<16384xi32, #tpu.memory_space<vmem>>, vector<16xi32>,
      %mul3A_356 = arith.constant 2048 : i32
      %mul3A_357 = vector.broadcast %mul3A_356 : i32 to vector<16xi32>
      %mul3A_358 = arith.muli %get3A_355, %mul3A_357 : vector<16xi32>
      %and3A_359 = arith.constant 1023 : i32
      %and3A_360 = vector.broadcast %and3A_359 : i32 to vector<16xi32>
      %and3A_361 = arith.andi %get3A_353, %and3A_360 : vector<16xi32>
      %mul3A_362 = arith.constant 2 : i32
      %mul3A_363 = vector.broadcast %mul3A_362 : i32 to vector<16xi32>
      %mul3A_364 = arith.muli %and3A_361, %mul3A_363 : vector<16xi32>
      %add3A_365 = arith.addi %mul3A_358, %mul3A_364 : vector<16xi32>
      %shift_right_arithmetic3A_366 = arith.constant 10 : i32
      %shift_right_arithmetic3A_367 = vector.broadcast %shift_right_arithmetic3A_366 : i32 to vector<16xi32>
      %shift_right_arithmetic3A_368 = arith.shrsi %get3A_353, %shift_right_arithmetic3A_367 : vector<16xi32>
      %add3A_369 = arith.addi %add3A_365, %shift_right_arithmetic3A_368 : vector<16xi32>
      %swap3A_370 = arith.index_cast %add3A_351 : i32 to index
      %swap3A_371 = tpu.vector_load %arg5[%swap3A_370] {strides = array<i32>} : memref<16384xi32, #tpu.memory_space<vmem>>, vector<16xi32>,
      tpu.vector_store %arg5[%swap3A_370], %add3A_369 {strides = array<i32>} : memref<16384xi32, #tpu.memory_space<vmem>>, vector<16xi32>,
      %mul3A_372 = arith.constant 256 : i32
      %mul3A_373 = arith.muli %while3A_39, %mul3A_372 : i32
      %add3A_374 = arith.constant 224 : i32
      %add3A_375 = arith.addi %mul3A_373, %add3A_374 : i32
      %get3A_376 = arith.index_cast %add3A_375 : i32 to index
      %get3A_377 = tpu.vector_load %arg6[%get3A_376] {strides = array<i32>} : memref<16384xi32, #tpu.memory_space<vmem>>, vector<16xi32>,
      %get3A_378 = arith.index_cast %add3A_375 : i32 to index
      %get3A_379 = tpu.vector_load %arg5[%get3A_378] {strides = array<i32>} : memref<16384xi32, #tpu.memory_space<vmem>>, vector<16xi32>,
      %mul3A_380 = arith.constant 2048 : i32
      %mul3A_381 = vector.broadcast %mul3A_380 : i32 to vector<16xi32>
      %mul3A_382 = arith.muli %get3A_379, %mul3A_381 : vector<16xi32>
      %and3A_383 = arith.constant 1023 : i32
      %and3A_384 = vector.broadcast %and3A_383 : i32 to vector<16xi32>
      %and3A_385 = arith.andi %get3A_377, %and3A_384 : vector<16xi32>
      %mul3A_386 = arith.constant 2 : i32
      %mul3A_387 = vector.broadcast %mul3A_386 : i32 to vector<16xi32>
      %mul3A_388 = arith.muli %and3A_385, %mul3A_387 : vector<16xi32>
      %add3A_389 = arith.addi %mul3A_382, %mul3A_388 : vector<16xi32>
      %shift_right_arithmetic3A_390 = arith.constant 10 : i32
      %shift_right_arithmetic3A_391 = vector.broadcast %shift_right_arithmetic3A_390 : i32 to vector<16xi32>
      %shift_right_arithmetic3A_392 = arith.shrsi %get3A_377, %shift_right_arithmetic3A_391 : vector<16xi32>
      %add3A_393 = arith.addi %add3A_389, %shift_right_arithmetic3A_392 : vector<16xi32>
      %swap3A_394 = arith.index_cast %add3A_375 : i32 to index
      %swap3A_395 = tpu.vector_load %arg5[%swap3A_394] {strides = array<i32>} : memref<16384xi32, #tpu.memory_space<vmem>>, vector<16xi32>,
      tpu.vector_store %arg5[%swap3A_394], %add3A_393 {strides = array<i32>} : memref<16384xi32, #tpu.memory_space<vmem>>, vector<16xi32>,
      %mul3A_396 = arith.constant 256 : i32
      %mul3A_397 = arith.muli %while3A_39, %mul3A_396 : i32
      %add3A_398 = arith.constant 240 : i32
      %add3A_399 = arith.addi %mul3A_397, %add3A_398 : i32
      %get3A_400 = arith.index_cast %add3A_399 : i32 to index
      %get3A_401 = tpu.vector_load %arg6[%get3A_400] {strides = array<i32>} : memref<16384xi32, #tpu.memory_space<vmem>>, vector<16xi32>,
      %get3A_402 = arith.index_cast %add3A_399 : i32 to index
      %get3A_403 = tpu.vector_load %arg5[%get3A_402] {strides = array<i32>} : memref<16384xi32, #tpu.memory_space<vmem>>, vector<16xi32>,
      %mul3A_404 = arith.constant 2048 : i32
      %mul3A_405 = vector.broadcast %mul3A_404 : i32 to vector<16xi32>
      %mul3A_406 = arith.muli %get3A_403, %mul3A_405 : vector<16xi32>
      %and3A_407 = arith.constant 1023 : i32
      %and3A_408 = vector.broadcast %and3A_407 : i32 to vector<16xi32>
      %and3A_409 = arith.andi %get3A_401, %and3A_408 : vector<16xi32>
      %mul3A_410 = arith.constant 2 : i32
      %mul3A_411 = vector.broadcast %mul3A_410 : i32 to vector<16xi32>
      %mul3A_412 = arith.muli %and3A_409, %mul3A_411 : vector<16xi32>
      %add3A_413 = arith.addi %mul3A_406, %mul3A_412 : vector<16xi32>
      %shift_right_arithmetic3A_414 = arith.constant 10 : i32
      %shift_right_arithmetic3A_415 = vector.broadcast %shift_right_arithmetic3A_414 : i32 to vector<16xi32>
      %shift_right_arithmetic3A_416 = arith.shrsi %get3A_401, %shift_right_arithmetic3A_415 : vector<16xi32>
      %add3A_417 = arith.addi %add3A_413, %shift_right_arithmetic3A_416 : vector<16xi32>
      %swap3A_418 = arith.index_cast %add3A_399 : i32 to index
      %swap3A_419 = tpu.vector_load %arg5[%swap3A_418] {strides = array<i32>} : memref<16384xi32, #tpu.memory_space<vmem>>, vector<16xi32>,
      tpu.vector_store %arg5[%swap3A_418], %add3A_417 {strides = array<i32>} : memref<16384xi32, #tpu.memory_space<vmem>>, vector<16xi32>,
    }
    %while3A_11 = arith.constant 0 : i32
    %while3A_12 = arith.constant 256 : i32
    %while3A_13 = arith.subi %while3A_12, %while3A_11 : i32
    %while3A_14 = arith.addi %while3A_11, %while3A_13 : i32
    %while3A_15 = arith.constant 1 : i32
    %while3A_16 = arith.divsi %while3A_13, %while3A_15 : i32
    %while3A_17 = arith.muli %while3A_16, %while3A_15 : i32
    %while3A_18 = arith.addi %while3A_11, %while3A_17 : i32
    %while3A_19 = arith.constant 1 : i32
    scf.for %while3A_39 = %while3A_11 to %while3A_18 step %while3A_19  : i32 {
      %mul3A_40 = arith.constant 256 : i32
      %mul3A_41 = arith.muli %while3A_39, %mul3A_40 : i32
      %add3A_42 = arith.constant 0 : i32
      %add3A_43 = arith.addi %mul3A_41, %add3A_42 : i32
      %swap3A = arith.index_cast %add3A_43 : i32 to index
      %swap3A_44 = tpu.vector_load %arg7[%swap3A] {strides = array<i32>} : memref<65536xi32, #tpu.memory_space<vmem>>, vector<16xi32>,
      tpu.vector_store %arg7[%swap3A], %broadcast_in_dim3A_1 {strides = array<i32>} : memref<65536xi32, #tpu.memory_space<vmem>>, vector<16xi32>,
      %mul3A_45 = arith.constant 256 : i32
      %mul3A_46 = arith.muli %while3A_39, %mul3A_45 : i32
      %add3A_47 = arith.constant 16 : i32
      %add3A_48 = arith.addi %mul3A_46, %add3A_47 : i32
      %swap3A_49 = arith.index_cast %add3A_48 : i32 to index
      %swap3A_50 = tpu.vector_load %arg7[%swap3A_49] {strides = array<i32>} : memref<65536xi32, #tpu.memory_space<vmem>>, vector<16xi32>,
      tpu.vector_store %arg7[%swap3A_49], %broadcast_in_dim3A_1 {strides = array<i32>} : memref<65536xi32, #tpu.memory_space<vmem>>, vector<16xi32>,
      %mul3A_51 = arith.constant 256 : i32
      %mul3A_52 = arith.muli %while3A_39, %mul3A_51 : i32
      %add3A_53 = arith.constant 32 : i32
      %add3A_54 = arith.addi %mul3A_52, %add3A_53 : i32
      %swap3A_55 = arith.index_cast %add3A_54 : i32 to index
      %swap3A_56 = tpu.vector_load %arg7[%swap3A_55] {strides = array<i32>} : memref<65536xi32, #tpu.memory_space<vmem>>, vector<16xi32>,
      tpu.vector_store %arg7[%swap3A_55], %broadcast_in_dim3A_1 {strides = array<i32>} : memref<65536xi32, #tpu.memory_space<vmem>>, vector<16xi32>,
      %mul3A_57 = arith.constant 256 : i32
      %mul3A_58 = arith.muli %while3A_39, %mul3A_57 : i32
      %add3A_59 = arith.constant 48 : i32
      %add3A_60 = arith.addi %mul3A_58, %add3A_59 : i32
      %swap3A_61 = arith.index_cast %add3A_60 : i32 to index
      %swap3A_62 = tpu.vector_load %arg7[%swap3A_61] {strides = array<i32>} : memref<65536xi32, #tpu.memory_space<vmem>>, vector<16xi32>,
      tpu.vector_store %arg7[%swap3A_61], %broadcast_in_dim3A_1 {strides = array<i32>} : memref<65536xi32, #tpu.memory_space<vmem>>, vector<16xi32>,
      %mul3A_63 = arith.constant 256 : i32
      %mul3A_64 = arith.muli %while3A_39, %mul3A_63 : i32
      %add3A_65 = arith.constant 64 : i32
      %add3A_66 = arith.addi %mul3A_64, %add3A_65 : i32
      %swap3A_67 = arith.index_cast %add3A_66 : i32 to index
      %swap3A_68 = tpu.vector_load %arg7[%swap3A_67] {strides = array<i32>} : memref<65536xi32, #tpu.memory_space<vmem>>, vector<16xi32>,
      tpu.vector_store %arg7[%swap3A_67], %broadcast_in_dim3A_1 {strides = array<i32>} : memref<65536xi32, #tpu.memory_space<vmem>>, vector<16xi32>,
      %mul3A_69 = arith.constant 256 : i32
      %mul3A_70 = arith.muli %while3A_39, %mul3A_69 : i32
      %add3A_71 = arith.constant 80 : i32
      %add3A_72 = arith.addi %mul3A_70, %add3A_71 : i32
      %swap3A_73 = arith.index_cast %add3A_72 : i32 to index
      %swap3A_74 = tpu.vector_load %arg7[%swap3A_73] {strides = array<i32>} : memref<65536xi32, #tpu.memory_space<vmem>>, vector<16xi32>,
      tpu.vector_store %arg7[%swap3A_73], %broadcast_in_dim3A_1 {strides = array<i32>} : memref<65536xi32, #tpu.memory_space<vmem>>, vector<16xi32>,
      %mul3A_75 = arith.constant 256 : i32
      %mul3A_76 = arith.muli %while3A_39, %mul3A_75 : i32
      %add3A_77 = arith.constant 96 : i32
      %add3A_78 = arith.addi %mul3A_76, %add3A_77 : i32
      %swap3A_79 = arith.index_cast %add3A_78 : i32 to index
      %swap3A_80 = tpu.vector_load %arg7[%swap3A_79] {strides = array<i32>} : memref<65536xi32, #tpu.memory_space<vmem>>, vector<16xi32>,
      tpu.vector_store %arg7[%swap3A_79], %broadcast_in_dim3A_1 {strides = array<i32>} : memref<65536xi32, #tpu.memory_space<vmem>>, vector<16xi32>,
      %mul3A_81 = arith.constant 256 : i32
      %mul3A_82 = arith.muli %while3A_39, %mul3A_81 : i32
      %add3A_83 = arith.constant 112 : i32
      %add3A_84 = arith.addi %mul3A_82, %add3A_83 : i32
      %swap3A_85 = arith.index_cast %add3A_84 : i32 to index
      %swap3A_86 = tpu.vector_load %arg7[%swap3A_85] {strides = array<i32>} : memref<65536xi32, #tpu.memory_space<vmem>>, vector<16xi32>,
      tpu.vector_store %arg7[%swap3A_85], %broadcast_in_dim3A_1 {strides = array<i32>} : memref<65536xi32, #tpu.memory_space<vmem>>, vector<16xi32>,
      %mul3A_87 = arith.constant 256 : i32
      %mul3A_88 = arith.muli %while3A_39, %mul3A_87 : i32
      %add3A_89 = arith.constant 128 : i32
      %add3A_90 = arith.addi %mul3A_88, %add3A_89 : i32
      %swap3A_91 = arith.index_cast %add3A_90 : i32 to index
      %swap3A_92 = tpu.vector_load %arg7[%swap3A_91] {strides = array<i32>} : memref<65536xi32, #tpu.memory_space<vmem>>, vector<16xi32>,
      tpu.vector_store %arg7[%swap3A_91], %broadcast_in_dim3A_1 {strides = array<i32>} : memref<65536xi32, #tpu.memory_space<vmem>>, vector<16xi32>,
      %mul3A_93 = arith.constant 256 : i32
      %mul3A_94 = arith.muli %while3A_39, %mul3A_93 : i32
      %add3A_95 = arith.constant 144 : i32
      %add3A_96 = arith.addi %mul3A_94, %add3A_95 : i32
      %swap3A_97 = arith.index_cast %add3A_96 : i32 to index
      %swap3A_98 = tpu.vector_load %arg7[%swap3A_97] {strides = array<i32>} : memref<65536xi32, #tpu.memory_space<vmem>>, vector<16xi32>,
      tpu.vector_store %arg7[%swap3A_97], %broadcast_in_dim3A_1 {strides = array<i32>} : memref<65536xi32, #tpu.memory_space<vmem>>, vector<16xi32>,
      %mul3A_99 = arith.constant 256 : i32
      %mul3A_100 = arith.muli %while3A_39, %mul3A_99 : i32
      %add3A_101 = arith.constant 160 : i32
      %add3A_102 = arith.addi %mul3A_100, %add3A_101 : i32
      %swap3A_103 = arith.index_cast %add3A_102 : i32 to index
      %swap3A_104 = tpu.vector_load %arg7[%swap3A_103] {strides = array<i32>} : memref<65536xi32, #tpu.memory_space<vmem>>, vector<16xi32>,
      tpu.vector_store %arg7[%swap3A_103], %broadcast_in_dim3A_1 {strides = array<i32>} : memref<65536xi32, #tpu.memory_space<vmem>>, vector<16xi32>,
      %mul3A_105 = arith.constant 256 : i32
      %mul3A_106 = arith.muli %while3A_39, %mul3A_105 : i32
      %add3A_107 = arith.constant 176 : i32
      %add3A_108 = arith.addi %mul3A_106, %add3A_107 : i32
      %swap3A_109 = arith.index_cast %add3A_108 : i32 to index
      %swap3A_110 = tpu.vector_load %arg7[%swap3A_109] {strides = array<i32>} : memref<65536xi32, #tpu.memory_space<vmem>>, vector<16xi32>,
      tpu.vector_store %arg7[%swap3A_109], %broadcast_in_dim3A_1 {strides = array<i32>} : memref<65536xi32, #tpu.memory_space<vmem>>, vector<16xi32>,
      %mul3A_111 = arith.constant 256 : i32
      %mul3A_112 = arith.muli %while3A_39, %mul3A_111 : i32
      %add3A_113 = arith.constant 192 : i32
      %add3A_114 = arith.addi %mul3A_112, %add3A_113 : i32
      %swap3A_115 = arith.index_cast %add3A_114 : i32 to index
      %swap3A_116 = tpu.vector_load %arg7[%swap3A_115] {strides = array<i32>} : memref<65536xi32, #tpu.memory_space<vmem>>, vector<16xi32>,
      tpu.vector_store %arg7[%swap3A_115], %broadcast_in_dim3A_1 {strides = array<i32>} : memref<65536xi32, #tpu.memory_space<vmem>>, vector<16xi32>,
      %mul3A_117 = arith.constant 256 : i32
      %mul3A_118 = arith.muli %while3A_39, %mul3A_117 : i32
      %add3A_119 = arith.constant 208 : i32
      %add3A_120 = arith.addi %mul3A_118, %add3A_119 : i32
      %swap3A_121 = arith.index_cast %add3A_120 : i32 to index
      %swap3A_122 = tpu.vector_load %arg7[%swap3A_121] {strides = array<i32>} : memref<65536xi32, #tpu.memory_space<vmem>>, vector<16xi32>,
      tpu.vector_store %arg7[%swap3A_121], %broadcast_in_dim3A_1 {strides = array<i32>} : memref<65536xi32, #tpu.memory_space<vmem>>, vector<16xi32>,
      %mul3A_123 = arith.constant 256 : i32
      %mul3A_124 = arith.muli %while3A_39, %mul3A_123 : i32
      %add3A_125 = arith.constant 224 : i32
      %add3A_126 = arith.addi %mul3A_124, %add3A_125 : i32
      %swap3A_127 = arith.index_cast %add3A_126 : i32 to index
      %swap3A_128 = tpu.vector_load %arg7[%swap3A_127] {strides = array<i32>} : memref<65536xi32, #tpu.memory_space<vmem>>, vector<16xi32>,
      tpu.vector_store %arg7[%swap3A_127], %broadcast_in_dim3A_1 {strides = array<i32>} : memref<65536xi32, #tpu.memory_space<vmem>>, vector<16xi32>,
      %mul3A_129 = arith.constant 256 : i32
      %mul3A_130 = arith.muli %while3A_39, %mul3A_129 : i32
      %add3A_131 = arith.constant 240 : i32
      %add3A_132 = arith.addi %mul3A_130, %add3A_131 : i32
      %swap3A_133 = arith.index_cast %add3A_132 : i32 to index
      %swap3A_134 = tpu.vector_load %arg7[%swap3A_133] {strides = array<i32>} : memref<65536xi32, #tpu.memory_space<vmem>>, vector<16xi32>,
      tpu.vector_store %arg7[%swap3A_133], %broadcast_in_dim3A_1 {strides = array<i32>} : memref<65536xi32, #tpu.memory_space<vmem>>, vector<16xi32>,
    }
    %while3A_20 = arith.constant 1 : i32
    scf.for %while3A_39 = %while3A_18 to %while3A_14 step %while3A_20  : i32 {
      %mul3A_40 = arith.constant 256 : i32
      %mul3A_41 = arith.muli %while3A_39, %mul3A_40 : i32
      %add3A_42 = arith.constant 0 : i32
      %add3A_43 = arith.addi %mul3A_41, %add3A_42 : i32
      %swap3A = arith.index_cast %add3A_43 : i32 to index
      %swap3A_44 = tpu.vector_load %arg7[%swap3A] {strides = array<i32>} : memref<65536xi32, #tpu.memory_space<vmem>>, vector<16xi32>,
      tpu.vector_store %arg7[%swap3A], %broadcast_in_dim3A_1 {strides = array<i32>} : memref<65536xi32, #tpu.memory_space<vmem>>, vector<16xi32>,
      %mul3A_45 = arith.constant 256 : i32
      %mul3A_46 = arith.muli %while3A_39, %mul3A_45 : i32
      %add3A_47 = arith.constant 16 : i32
      %add3A_48 = arith.addi %mul3A_46, %add3A_47 : i32
      %swap3A_49 = arith.index_cast %add3A_48 : i32 to index
      %swap3A_50 = tpu.vector_load %arg7[%swap3A_49] {strides = array<i32>} : memref<65536xi32, #tpu.memory_space<vmem>>, vector<16xi32>,
      tpu.vector_store %arg7[%swap3A_49], %broadcast_in_dim3A_1 {strides = array<i32>} : memref<65536xi32, #tpu.memory_space<vmem>>, vector<16xi32>,
      %mul3A_51 = arith.constant 256 : i32
      %mul3A_52 = arith.muli %while3A_39, %mul3A_51 : i32
      %add3A_53 = arith.constant 32 : i32
      %add3A_54 = arith.addi %mul3A_52, %add3A_53 : i32
      %swap3A_55 = arith.index_cast %add3A_54 : i32 to index
      %swap3A_56 = tpu.vector_load %arg7[%swap3A_55] {strides = array<i32>} : memref<65536xi32, #tpu.memory_space<vmem>>, vector<16xi32>,
      tpu.vector_store %arg7[%swap3A_55], %broadcast_in_dim3A_1 {strides = array<i32>} : memref<65536xi32, #tpu.memory_space<vmem>>, vector<16xi32>,
      %mul3A_57 = arith.constant 256 : i32
      %mul3A_58 = arith.muli %while3A_39, %mul3A_57 : i32
      %add3A_59 = arith.constant 48 : i32
      %add3A_60 = arith.addi %mul3A_58, %add3A_59 : i32
      %swap3A_61 = arith.index_cast %add3A_60 : i32 to index
      %swap3A_62 = tpu.vector_load %arg7[%swap3A_61] {strides = array<i32>} : memref<65536xi32, #tpu.memory_space<vmem>>, vector<16xi32>,
      tpu.vector_store %arg7[%swap3A_61], %broadcast_in_dim3A_1 {strides = array<i32>} : memref<65536xi32, #tpu.memory_space<vmem>>, vector<16xi32>,
      %mul3A_63 = arith.constant 256 : i32
      %mul3A_64 = arith.muli %while3A_39, %mul3A_63 : i32
      %add3A_65 = arith.constant 64 : i32
      %add3A_66 = arith.addi %mul3A_64, %add3A_65 : i32
      %swap3A_67 = arith.index_cast %add3A_66 : i32 to index
      %swap3A_68 = tpu.vector_load %arg7[%swap3A_67] {strides = array<i32>} : memref<65536xi32, #tpu.memory_space<vmem>>, vector<16xi32>,
      tpu.vector_store %arg7[%swap3A_67], %broadcast_in_dim3A_1 {strides = array<i32>} : memref<65536xi32, #tpu.memory_space<vmem>>, vector<16xi32>,
      %mul3A_69 = arith.constant 256 : i32
      %mul3A_70 = arith.muli %while3A_39, %mul3A_69 : i32
      %add3A_71 = arith.constant 80 : i32
      %add3A_72 = arith.addi %mul3A_70, %add3A_71 : i32
      %swap3A_73 = arith.index_cast %add3A_72 : i32 to index
      %swap3A_74 = tpu.vector_load %arg7[%swap3A_73] {strides = array<i32>} : memref<65536xi32, #tpu.memory_space<vmem>>, vector<16xi32>,
      tpu.vector_store %arg7[%swap3A_73], %broadcast_in_dim3A_1 {strides = array<i32>} : memref<65536xi32, #tpu.memory_space<vmem>>, vector<16xi32>,
      %mul3A_75 = arith.constant 256 : i32
      %mul3A_76 = arith.muli %while3A_39, %mul3A_75 : i32
      %add3A_77 = arith.constant 96 : i32
      %add3A_78 = arith.addi %mul3A_76, %add3A_77 : i32
      %swap3A_79 = arith.index_cast %add3A_78 : i32 to index
      %swap3A_80 = tpu.vector_load %arg7[%swap3A_79] {strides = array<i32>} : memref<65536xi32, #tpu.memory_space<vmem>>, vector<16xi32>,
      tpu.vector_store %arg7[%swap3A_79], %broadcast_in_dim3A_1 {strides = array<i32>} : memref<65536xi32, #tpu.memory_space<vmem>>, vector<16xi32>,
      %mul3A_81 = arith.constant 256 : i32
      %mul3A_82 = arith.muli %while3A_39, %mul3A_81 : i32
      %add3A_83 = arith.constant 112 : i32
      %add3A_84 = arith.addi %mul3A_82, %add3A_83 : i32
      %swap3A_85 = arith.index_cast %add3A_84 : i32 to index
      %swap3A_86 = tpu.vector_load %arg7[%swap3A_85] {strides = array<i32>} : memref<65536xi32, #tpu.memory_space<vmem>>, vector<16xi32>,
      tpu.vector_store %arg7[%swap3A_85], %broadcast_in_dim3A_1 {strides = array<i32>} : memref<65536xi32, #tpu.memory_space<vmem>>, vector<16xi32>,
      %mul3A_87 = arith.constant 256 : i32
      %mul3A_88 = arith.muli %while3A_39, %mul3A_87 : i32
      %add3A_89 = arith.constant 128 : i32
      %add3A_90 = arith.addi %mul3A_88, %add3A_89 : i32
      %swap3A_91 = arith.index_cast %add3A_90 : i32 to index
      %swap3A_92 = tpu.vector_load %arg7[%swap3A_91] {strides = array<i32>} : memref<65536xi32, #tpu.memory_space<vmem>>, vector<16xi32>,
      tpu.vector_store %arg7[%swap3A_91], %broadcast_in_dim3A_1 {strides = array<i32>} : memref<65536xi32, #tpu.memory_space<vmem>>, vector<16xi32>,
      %mul3A_93 = arith.constant 256 : i32
      %mul3A_94 = arith.muli %while3A_39, %mul3A_93 : i32
      %add3A_95 = arith.constant 144 : i32
      %add3A_96 = arith.addi %mul3A_94, %add3A_95 : i32
      %swap3A_97 = arith.index_cast %add3A_96 : i32 to index
      %swap3A_98 = tpu.vector_load %arg7[%swap3A_97] {strides = array<i32>} : memref<65536xi32, #tpu.memory_space<vmem>>, vector<16xi32>,
      tpu.vector_store %arg7[%swap3A_97], %broadcast_in_dim3A_1 {strides = array<i32>} : memref<65536xi32, #tpu.memory_space<vmem>>, vector<16xi32>,
      %mul3A_99 = arith.constant 256 : i32
      %mul3A_100 = arith.muli %while3A_39, %mul3A_99 : i32
      %add3A_101 = arith.constant 160 : i32
      %add3A_102 = arith.addi %mul3A_100, %add3A_101 : i32
      %swap3A_103 = arith.index_cast %add3A_102 : i32 to index
      %swap3A_104 = tpu.vector_load %arg7[%swap3A_103] {strides = array<i32>} : memref<65536xi32, #tpu.memory_space<vmem>>, vector<16xi32>,
      tpu.vector_store %arg7[%swap3A_103], %broadcast_in_dim3A_1 {strides = array<i32>} : memref<65536xi32, #tpu.memory_space<vmem>>, vector<16xi32>,
      %mul3A_105 = arith.constant 256 : i32
      %mul3A_106 = arith.muli %while3A_39, %mul3A_105 : i32
      %add3A_107 = arith.constant 176 : i32
      %add3A_108 = arith.addi %mul3A_106, %add3A_107 : i32
      %swap3A_109 = arith.index_cast %add3A_108 : i32 to index
      %swap3A_110 = tpu.vector_load %arg7[%swap3A_109] {strides = array<i32>} : memref<65536xi32, #tpu.memory_space<vmem>>, vector<16xi32>,
      tpu.vector_store %arg7[%swap3A_109], %broadcast_in_dim3A_1 {strides = array<i32>} : memref<65536xi32, #tpu.memory_space<vmem>>, vector<16xi32>,
      %mul3A_111 = arith.constant 256 : i32
      %mul3A_112 = arith.muli %while3A_39, %mul3A_111 : i32
      %add3A_113 = arith.constant 192 : i32
      %add3A_114 = arith.addi %mul3A_112, %add3A_113 : i32
      %swap3A_115 = arith.index_cast %add3A_114 : i32 to index
      %swap3A_116 = tpu.vector_load %arg7[%swap3A_115] {strides = array<i32>} : memref<65536xi32, #tpu.memory_space<vmem>>, vector<16xi32>,
      tpu.vector_store %arg7[%swap3A_115], %broadcast_in_dim3A_1 {strides = array<i32>} : memref<65536xi32, #tpu.memory_space<vmem>>, vector<16xi32>,
      %mul3A_117 = arith.constant 256 : i32
      %mul3A_118 = arith.muli %while3A_39, %mul3A_117 : i32
      %add3A_119 = arith.constant 208 : i32
      %add3A_120 = arith.addi %mul3A_118, %add3A_119 : i32
      %swap3A_121 = arith.index_cast %add3A_120 : i32 to index
      %swap3A_122 = tpu.vector_load %arg7[%swap3A_121] {strides = array<i32>} : memref<65536xi32, #tpu.memory_space<vmem>>, vector<16xi32>,
      tpu.vector_store %arg7[%swap3A_121], %broadcast_in_dim3A_1 {strides = array<i32>} : memref<65536xi32, #tpu.memory_space<vmem>>, vector<16xi32>,
      %mul3A_123 = arith.constant 256 : i32
      %mul3A_124 = arith.muli %while3A_39, %mul3A_123 : i32
      %add3A_125 = arith.constant 224 : i32
      %add3A_126 = arith.addi %mul3A_124, %add3A_125 : i32
      %swap3A_127 = arith.index_cast %add3A_126 : i32 to index
      %swap3A_128 = tpu.vector_load %arg7[%swap3A_127] {strides = array<i32>} : memref<65536xi32, #tpu.memory_space<vmem>>, vector<16xi32>,
      tpu.vector_store %arg7[%swap3A_127], %broadcast_in_dim3A_1 {strides = array<i32>} : memref<65536xi32, #tpu.memory_space<vmem>>, vector<16xi32>,
      %mul3A_129 = arith.constant 256 : i32
      %mul3A_130 = arith.muli %while3A_39, %mul3A_129 : i32
      %add3A_131 = arith.constant 240 : i32
      %add3A_132 = arith.addi %mul3A_130, %add3A_131 : i32
      %swap3A_133 = arith.index_cast %add3A_132 : i32 to index
      %swap3A_134 = tpu.vector_load %arg7[%swap3A_133] {strides = array<i32>} : memref<65536xi32, #tpu.memory_space<vmem>>, vector<16xi32>,
      tpu.vector_store %arg7[%swap3A_133], %broadcast_in_dim3A_1 {strides = array<i32>} : memref<65536xi32, #tpu.memory_space<vmem>>, vector<16xi32>,
    }
    %mul3A_21 = arith.constant 131072 : i32
    %mul3A_22 = arith.muli %add3A, %mul3A_21 : i32
    %broadcast_in_dim3A_23 = arith.constant 1 : i32
    %broadcast_in_dim3A_24 = vector.broadcast %broadcast_in_dim3A_23 : i32 to vector<16xi32>
    %broadcast_in_dim3A_25 = arith.constant 65536 : i32
    %broadcast_in_dim3A_26 = vector.broadcast %broadcast_in_dim3A_25 : i32 to vector<16xi32>
    %while3A_27 = arith.constant 0 : i32
    %while3A_28 = arith.constant 64 : i32
    %while3A_29 = arith.subi %while3A_28, %while3A_27 : i32
    %while3A_30 = arith.addi %while3A_27, %while3A_29 : i32
    %while3A_31 = arith.constant 1 : i32
    %while3A_32 = arith.divsi %while3A_29, %while3A_31 : i32
    %while3A_33 = arith.muli %while3A_32, %while3A_31 : i32
    %while3A_34 = arith.addi %while3A_27, %while3A_33 : i32
    %while3A_35 = arith.constant 1 : i32
    scf.for %while3A_39 = %while3A_27 to %while3A_34 step %while3A_35  : i32 {
      %mul3A_40 = arith.constant 256 : i32
      %mul3A_41 = arith.muli %while3A_39, %mul3A_40 : i32
      %add3A_42 = arith.constant 0 : i32
      %add3A_43 = arith.addi %mul3A_41, %add3A_42 : i32
      %get3A = arith.index_cast %add3A_43 : i32 to index
      %get3A_44 = tpu.vector_load %arg5[%get3A] {strides = array<i32>} : memref<16384xi32, #tpu.memory_space<vmem>>, vector<16xi32>,
      %sub3A = vector.broadcast %mul3A_22 : i32 to vector<16xi32>
      %sub3A_45 = arith.subi %get3A_44, %sub3A : vector<16xi32>
      %bitcast3A = vector.bitcast %sub3A_45 : vector<16xi32> to vector<16xi32>
      %lt3A = arith.constant 131072 : i32
      %lt3A_46 = vector.broadcast %lt3A : i32 to vector<16xi32>
      %lt3A_47 = arith.cmpi ult, %bitcast3A, %lt3A_46 : vector<16xi32>
      %and3A = arith.constant 1 : i32
      %and3A_48 = vector.broadcast %and3A : i32 to vector<16xi32>
      %and3A_49 = arith.andi %sub3A_45, %and3A_48 : vector<16xi32>
      %eq3A = arith.constant 1 : i32
      %eq3A_50 = vector.broadcast %eq3A : i32 to vector<16xi32>
      %eq3A_51 = arith.cmpi eq, %and3A_49, %eq3A_50 : vector<16xi32>
      %shift_right_arithmetic3A = arith.constant 1 : i32
      %shift_right_arithmetic3A_52 = vector.broadcast %shift_right_arithmetic3A : i32 to vector<16xi32>
      %shift_right_arithmetic3A_53 = arith.shrsi %sub3A_45, %shift_right_arithmetic3A_52 : vector<16xi32>
      %jit3A = arith.constant 0 : i32
      %broadcast_in_dim3A_54 = vector.broadcast %jit3A : i32 to vector<16xi32>
      %select_n3A = arith.select %lt3A_47, %shift_right_arithmetic3A_53, %broadcast_in_dim3A_54 : vector<16xi1>, vector<16xi32>
      %not3A = arith.constant dense<true> : vector<16xi1>
      %not3A_55 = arith.xori %eq3A_51, %not3A : vector<16xi1>
      %and3A_56 = arith.andi %lt3A_47, %not3A_55 : vector<16xi1>
      %and3A_57 = arith.andi %lt3A_47, %eq3A_51 : vector<16xi1>
      tpu.vector_store_idx %arg7[%select_n3A], %broadcast_in_dim3A_24 masked %and3A_56 {add = true} : memref<65536xi32, #tpu.memory_space<vmem>>[vector<16xi32>], vector<16xi32>, vector<16xi1>
      tpu.vector_store_idx %arg7[%select_n3A], %broadcast_in_dim3A_26 masked %and3A_57 {add = true} : memref<65536xi32, #tpu.memory_space<vmem>>[vector<16xi32>], vector<16xi32>, vector<16xi1>
      %mul3A_58 = arith.constant 256 : i32
      %mul3A_59 = arith.muli %while3A_39, %mul3A_58 : i32
      %add3A_60 = arith.constant 16 : i32
      %add3A_61 = arith.addi %mul3A_59, %add3A_60 : i32
      %get3A_62 = arith.index_cast %add3A_61 : i32 to index
      %get3A_63 = tpu.vector_load %arg5[%get3A_62] {strides = array<i32>} : memref<16384xi32, #tpu.memory_space<vmem>>, vector<16xi32>,
      %sub3A_64 = vector.broadcast %mul3A_22 : i32 to vector<16xi32>
      %sub3A_65 = arith.subi %get3A_63, %sub3A_64 : vector<16xi32>
      %bitcast3A_66 = vector.bitcast %sub3A_65 : vector<16xi32> to vector<16xi32>
      %lt3A_67 = arith.constant 131072 : i32
      %lt3A_68 = vector.broadcast %lt3A_67 : i32 to vector<16xi32>
      %lt3A_69 = arith.cmpi ult, %bitcast3A_66, %lt3A_68 : vector<16xi32>
      %and3A_70 = arith.constant 1 : i32
      %and3A_71 = vector.broadcast %and3A_70 : i32 to vector<16xi32>
      %and3A_72 = arith.andi %sub3A_65, %and3A_71 : vector<16xi32>
      %eq3A_73 = arith.constant 1 : i32
      %eq3A_74 = vector.broadcast %eq3A_73 : i32 to vector<16xi32>
      %eq3A_75 = arith.cmpi eq, %and3A_72, %eq3A_74 : vector<16xi32>
      %shift_right_arithmetic3A_76 = arith.constant 1 : i32
      %shift_right_arithmetic3A_77 = vector.broadcast %shift_right_arithmetic3A_76 : i32 to vector<16xi32>
      %shift_right_arithmetic3A_78 = arith.shrsi %sub3A_65, %shift_right_arithmetic3A_77 : vector<16xi32>
      %jit3A_79 = arith.constant 0 : i32
      %broadcast_in_dim3A_80 = vector.broadcast %jit3A_79 : i32 to vector<16xi32>
      %select_n3A_81 = arith.select %lt3A_69, %shift_right_arithmetic3A_78, %broadcast_in_dim3A_80 : vector<16xi1>, vector<16xi32>
      %not3A_82 = arith.constant dense<true> : vector<16xi1>
      %not3A_83 = arith.xori %eq3A_75, %not3A_82 : vector<16xi1>
      %and3A_84 = arith.andi %lt3A_69, %not3A_83 : vector<16xi1>
      %and3A_85 = arith.andi %lt3A_69, %eq3A_75 : vector<16xi1>
      tpu.vector_store_idx %arg7[%select_n3A_81], %broadcast_in_dim3A_24 masked %and3A_84 {add = true} : memref<65536xi32, #tpu.memory_space<vmem>>[vector<16xi32>], vector<16xi32>, vector<16xi1>
      tpu.vector_store_idx %arg7[%select_n3A_81], %broadcast_in_dim3A_26 masked %and3A_85 {add = true} : memref<65536xi32, #tpu.memory_space<vmem>>[vector<16xi32>], vector<16xi32>, vector<16xi1>
      %mul3A_86 = arith.constant 256 : i32
      %mul3A_87 = arith.muli %while3A_39, %mul3A_86 : i32
      %add3A_88 = arith.constant 32 : i32
      %add3A_89 = arith.addi %mul3A_87, %add3A_88 : i32
      %get3A_90 = arith.index_cast %add3A_89 : i32 to index
      %get3A_91 = tpu.vector_load %arg5[%get3A_90] {strides = array<i32>} : memref<16384xi32, #tpu.memory_space<vmem>>, vector<16xi32>,
      %sub3A_92 = vector.broadcast %mul3A_22 : i32 to vector<16xi32>
      %sub3A_93 = arith.subi %get3A_91, %sub3A_92 : vector<16xi32>
      %bitcast3A_94 = vector.bitcast %sub3A_93 : vector<16xi32> to vector<16xi32>
      %lt3A_95 = arith.constant 131072 : i32
      %lt3A_96 = vector.broadcast %lt3A_95 : i32 to vector<16xi32>
      %lt3A_97 = arith.cmpi ult, %bitcast3A_94, %lt3A_96 : vector<16xi32>
      %and3A_98 = arith.constant 1 : i32
      %and3A_99 = vector.broadcast %and3A_98 : i32 to vector<16xi32>
      %and3A_100 = arith.andi %sub3A_93, %and3A_99 : vector<16xi32>
      %eq3A_101 = arith.constant 1 : i32
      %eq3A_102 = vector.broadcast %eq3A_101 : i32 to vector<16xi32>
      %eq3A_103 = arith.cmpi eq, %and3A_100, %eq3A_102 : vector<16xi32>
      %shift_right_arithmetic3A_104 = arith.constant 1 : i32
      %shift_right_arithmetic3A_105 = vector.broadcast %shift_right_arithmetic3A_104 : i32 to vector<16xi32>
      %shift_right_arithmetic3A_106 = arith.shrsi %sub3A_93, %shift_right_arithmetic3A_105 : vector<16xi32>
      %jit3A_107 = arith.constant 0 : i32
      %broadcast_in_dim3A_108 = vector.broadcast %jit3A_107 : i32 to vector<16xi32>
      %select_n3A_109 = arith.select %lt3A_97, %shift_right_arithmetic3A_106, %broadcast_in_dim3A_108 : vector<16xi1>, vector<16xi32>
      %not3A_110 = arith.constant dense<true> : vector<16xi1>
      %not3A_111 = arith.xori %eq3A_103, %not3A_110 : vector<16xi1>
      %and3A_112 = arith.andi %lt3A_97, %not3A_111 : vector<16xi1>
      %and3A_113 = arith.andi %lt3A_97, %eq3A_103 : vector<16xi1>
      tpu.vector_store_idx %arg7[%select_n3A_109], %broadcast_in_dim3A_24 masked %and3A_112 {add = true} : memref<65536xi32, #tpu.memory_space<vmem>>[vector<16xi32>], vector<16xi32>, vector<16xi1>
      tpu.vector_store_idx %arg7[%select_n3A_109], %broadcast_in_dim3A_26 masked %and3A_113 {add = true} : memref<65536xi32, #tpu.memory_space<vmem>>[vector<16xi32>], vector<16xi32>, vector<16xi1>
      %mul3A_114 = arith.constant 256 : i32
      %mul3A_115 = arith.muli %while3A_39, %mul3A_114 : i32
      %add3A_116 = arith.constant 48 : i32
      %add3A_117 = arith.addi %mul3A_115, %add3A_116 : i32
      %get3A_118 = arith.index_cast %add3A_117 : i32 to index
      %get3A_119 = tpu.vector_load %arg5[%get3A_118] {strides = array<i32>} : memref<16384xi32, #tpu.memory_space<vmem>>, vector<16xi32>,
      %sub3A_120 = vector.broadcast %mul3A_22 : i32 to vector<16xi32>
      %sub3A_121 = arith.subi %get3A_119, %sub3A_120 : vector<16xi32>
      %bitcast3A_122 = vector.bitcast %sub3A_121 : vector<16xi32> to vector<16xi32>
      %lt3A_123 = arith.constant 131072 : i32
      %lt3A_124 = vector.broadcast %lt3A_123 : i32 to vector<16xi32>
      %lt3A_125 = arith.cmpi ult, %bitcast3A_122, %lt3A_124 : vector<16xi32>
      %and3A_126 = arith.constant 1 : i32
      %and3A_127 = vector.broadcast %and3A_126 : i32 to vector<16xi32>
      %and3A_128 = arith.andi %sub3A_121, %and3A_127 : vector<16xi32>
      %eq3A_129 = arith.constant 1 : i32
      %eq3A_130 = vector.broadcast %eq3A_129 : i32 to vector<16xi32>
      %eq3A_131 = arith.cmpi eq, %and3A_128, %eq3A_130 : vector<16xi32>
      %shift_right_arithmetic3A_132 = arith.constant 1 : i32
      %shift_right_arithmetic3A_133 = vector.broadcast %shift_right_arithmetic3A_132 : i32 to vector<16xi32>
      %shift_right_arithmetic3A_134 = arith.shrsi %sub3A_121, %shift_right_arithmetic3A_133 : vector<16xi32>
      %jit3A_135 = arith.constant 0 : i32
      %broadcast_in_dim3A_136 = vector.broadcast %jit3A_135 : i32 to vector<16xi32>
      %select_n3A_137 = arith.select %lt3A_125, %shift_right_arithmetic3A_134, %broadcast_in_dim3A_136 : vector<16xi1>, vector<16xi32>
      %not3A_138 = arith.constant dense<true> : vector<16xi1>
      %not3A_139 = arith.xori %eq3A_131, %not3A_138 : vector<16xi1>
      %and3A_140 = arith.andi %lt3A_125, %not3A_139 : vector<16xi1>
      %and3A_141 = arith.andi %lt3A_125, %eq3A_131 : vector<16xi1>
      tpu.vector_store_idx %arg7[%select_n3A_137], %broadcast_in_dim3A_24 masked %and3A_140 {add = true} : memref<65536xi32, #tpu.memory_space<vmem>>[vector<16xi32>], vector<16xi32>, vector<16xi1>
      tpu.vector_store_idx %arg7[%select_n3A_137], %broadcast_in_dim3A_26 masked %and3A_141 {add = true} : memref<65536xi32, #tpu.memory_space<vmem>>[vector<16xi32>], vector<16xi32>, vector<16xi1>
      %mul3A_142 = arith.constant 256 : i32
      %mul3A_143 = arith.muli %while3A_39, %mul3A_142 : i32
      %add3A_144 = arith.constant 64 : i32
      %add3A_145 = arith.addi %mul3A_143, %add3A_144 : i32
      %get3A_146 = arith.index_cast %add3A_145 : i32 to index
      %get3A_147 = tpu.vector_load %arg5[%get3A_146] {strides = array<i32>} : memref<16384xi32, #tpu.memory_space<vmem>>, vector<16xi32>,
      %sub3A_148 = vector.broadcast %mul3A_22 : i32 to vector<16xi32>
      %sub3A_149 = arith.subi %get3A_147, %sub3A_148 : vector<16xi32>
      %bitcast3A_150 = vector.bitcast %sub3A_149 : vector<16xi32> to vector<16xi32>
      %lt3A_151 = arith.constant 131072 : i32
      %lt3A_152 = vector.broadcast %lt3A_151 : i32 to vector<16xi32>
      %lt3A_153 = arith.cmpi ult, %bitcast3A_150, %lt3A_152 : vector<16xi32>
      %and3A_154 = arith.constant 1 : i32
      %and3A_155 = vector.broadcast %and3A_154 : i32 to vector<16xi32>
      %and3A_156 = arith.andi %sub3A_149, %and3A_155 : vector<16xi32>
      %eq3A_157 = arith.constant 1 : i32
      %eq3A_158 = vector.broadcast %eq3A_157 : i32 to vector<16xi32>
      %eq3A_159 = arith.cmpi eq, %and3A_156, %eq3A_158 : vector<16xi32>
      %shift_right_arithmetic3A_160 = arith.constant 1 : i32
      %shift_right_arithmetic3A_161 = vector.broadcast %shift_right_arithmetic3A_160 : i32 to vector<16xi32>
      %shift_right_arithmetic3A_162 = arith.shrsi %sub3A_149, %shift_right_arithmetic3A_161 : vector<16xi32>
      %jit3A_163 = arith.constant 0 : i32
      %broadcast_in_dim3A_164 = vector.broadcast %jit3A_163 : i32 to vector<16xi32>
      %select_n3A_165 = arith.select %lt3A_153, %shift_right_arithmetic3A_162, %broadcast_in_dim3A_164 : vector<16xi1>, vector<16xi32>
      %not3A_166 = arith.constant dense<true> : vector<16xi1>
      %not3A_167 = arith.xori %eq3A_159, %not3A_166 : vector<16xi1>
      %and3A_168 = arith.andi %lt3A_153, %not3A_167 : vector<16xi1>
      %and3A_169 = arith.andi %lt3A_153, %eq3A_159 : vector<16xi1>
      tpu.vector_store_idx %arg7[%select_n3A_165], %broadcast_in_dim3A_24 masked %and3A_168 {add = true} : memref<65536xi32, #tpu.memory_space<vmem>>[vector<16xi32>], vector<16xi32>, vector<16xi1>
      tpu.vector_store_idx %arg7[%select_n3A_165], %broadcast_in_dim3A_26 masked %and3A_169 {add = true} : memref<65536xi32, #tpu.memory_space<vmem>>[vector<16xi32>], vector<16xi32>, vector<16xi1>
      %mul3A_170 = arith.constant 256 : i32
      %mul3A_171 = arith.muli %while3A_39, %mul3A_170 : i32
      %add3A_172 = arith.constant 80 : i32
      %add3A_173 = arith.addi %mul3A_171, %add3A_172 : i32
      %get3A_174 = arith.index_cast %add3A_173 : i32 to index
      %get3A_175 = tpu.vector_load %arg5[%get3A_174] {strides = array<i32>} : memref<16384xi32, #tpu.memory_space<vmem>>, vector<16xi32>,
      %sub3A_176 = vector.broadcast %mul3A_22 : i32 to vector<16xi32>
      %sub3A_177 = arith.subi %get3A_175, %sub3A_176 : vector<16xi32>
      %bitcast3A_178 = vector.bitcast %sub3A_177 : vector<16xi32> to vector<16xi32>
      %lt3A_179 = arith.constant 131072 : i32
      %lt3A_180 = vector.broadcast %lt3A_179 : i32 to vector<16xi32>
      %lt3A_181 = arith.cmpi ult, %bitcast3A_178, %lt3A_180 : vector<16xi32>
      %and3A_182 = arith.constant 1 : i32
      %and3A_183 = vector.broadcast %and3A_182 : i32 to vector<16xi32>
      %and3A_184 = arith.andi %sub3A_177, %and3A_183 : vector<16xi32>
      %eq3A_185 = arith.constant 1 : i32
      %eq3A_186 = vector.broadcast %eq3A_185 : i32 to vector<16xi32>
      %eq3A_187 = arith.cmpi eq, %and3A_184, %eq3A_186 : vector<16xi32>
      %shift_right_arithmetic3A_188 = arith.constant 1 : i32
      %shift_right_arithmetic3A_189 = vector.broadcast %shift_right_arithmetic3A_188 : i32 to vector<16xi32>
      %shift_right_arithmetic3A_190 = arith.shrsi %sub3A_177, %shift_right_arithmetic3A_189 : vector<16xi32>
      %jit3A_191 = arith.constant 0 : i32
      %broadcast_in_dim3A_192 = vector.broadcast %jit3A_191 : i32 to vector<16xi32>
      %select_n3A_193 = arith.select %lt3A_181, %shift_right_arithmetic3A_190, %broadcast_in_dim3A_192 : vector<16xi1>, vector<16xi32>
      %not3A_194 = arith.constant dense<true> : vector<16xi1>
      %not3A_195 = arith.xori %eq3A_187, %not3A_194 : vector<16xi1>
      %and3A_196 = arith.andi %lt3A_181, %not3A_195 : vector<16xi1>
      %and3A_197 = arith.andi %lt3A_181, %eq3A_187 : vector<16xi1>
      tpu.vector_store_idx %arg7[%select_n3A_193], %broadcast_in_dim3A_24 masked %and3A_196 {add = true} : memref<65536xi32, #tpu.memory_space<vmem>>[vector<16xi32>], vector<16xi32>, vector<16xi1>
      tpu.vector_store_idx %arg7[%select_n3A_193], %broadcast_in_dim3A_26 masked %and3A_197 {add = true} : memref<65536xi32, #tpu.memory_space<vmem>>[vector<16xi32>], vector<16xi32>, vector<16xi1>
      %mul3A_198 = arith.constant 256 : i32
      %mul3A_199 = arith.muli %while3A_39, %mul3A_198 : i32
      %add3A_200 = arith.constant 96 : i32
      %add3A_201 = arith.addi %mul3A_199, %add3A_200 : i32
      %get3A_202 = arith.index_cast %add3A_201 : i32 to index
      %get3A_203 = tpu.vector_load %arg5[%get3A_202] {strides = array<i32>} : memref<16384xi32, #tpu.memory_space<vmem>>, vector<16xi32>,
      %sub3A_204 = vector.broadcast %mul3A_22 : i32 to vector<16xi32>
      %sub3A_205 = arith.subi %get3A_203, %sub3A_204 : vector<16xi32>
      %bitcast3A_206 = vector.bitcast %sub3A_205 : vector<16xi32> to vector<16xi32>
      %lt3A_207 = arith.constant 131072 : i32
      %lt3A_208 = vector.broadcast %lt3A_207 : i32 to vector<16xi32>
      %lt3A_209 = arith.cmpi ult, %bitcast3A_206, %lt3A_208 : vector<16xi32>
      %and3A_210 = arith.constant 1 : i32
      %and3A_211 = vector.broadcast %and3A_210 : i32 to vector<16xi32>
      %and3A_212 = arith.andi %sub3A_205, %and3A_211 : vector<16xi32>
      %eq3A_213 = arith.constant 1 : i32
      %eq3A_214 = vector.broadcast %eq3A_213 : i32 to vector<16xi32>
      %eq3A_215 = arith.cmpi eq, %and3A_212, %eq3A_214 : vector<16xi32>
      %shift_right_arithmetic3A_216 = arith.constant 1 : i32
      %shift_right_arithmetic3A_217 = vector.broadcast %shift_right_arithmetic3A_216 : i32 to vector<16xi32>
      %shift_right_arithmetic3A_218 = arith.shrsi %sub3A_205, %shift_right_arithmetic3A_217 : vector<16xi32>
      %jit3A_219 = arith.constant 0 : i32
      %broadcast_in_dim3A_220 = vector.broadcast %jit3A_219 : i32 to vector<16xi32>
      %select_n3A_221 = arith.select %lt3A_209, %shift_right_arithmetic3A_218, %broadcast_in_dim3A_220 : vector<16xi1>, vector<16xi32>
      %not3A_222 = arith.constant dense<true> : vector<16xi1>
      %not3A_223 = arith.xori %eq3A_215, %not3A_222 : vector<16xi1>
      %and3A_224 = arith.andi %lt3A_209, %not3A_223 : vector<16xi1>
      %and3A_225 = arith.andi %lt3A_209, %eq3A_215 : vector<16xi1>
      tpu.vector_store_idx %arg7[%select_n3A_221], %broadcast_in_dim3A_24 masked %and3A_224 {add = true} : memref<65536xi32, #tpu.memory_space<vmem>>[vector<16xi32>], vector<16xi32>, vector<16xi1>
      tpu.vector_store_idx %arg7[%select_n3A_221], %broadcast_in_dim3A_26 masked %and3A_225 {add = true} : memref<65536xi32, #tpu.memory_space<vmem>>[vector<16xi32>], vector<16xi32>, vector<16xi1>
      %mul3A_226 = arith.constant 256 : i32
      %mul3A_227 = arith.muli %while3A_39, %mul3A_226 : i32
      %add3A_228 = arith.constant 112 : i32
      %add3A_229 = arith.addi %mul3A_227, %add3A_228 : i32
      %get3A_230 = arith.index_cast %add3A_229 : i32 to index
      %get3A_231 = tpu.vector_load %arg5[%get3A_230] {strides = array<i32>} : memref<16384xi32, #tpu.memory_space<vmem>>, vector<16xi32>,
      %sub3A_232 = vector.broadcast %mul3A_22 : i32 to vector<16xi32>
      %sub3A_233 = arith.subi %get3A_231, %sub3A_232 : vector<16xi32>
      %bitcast3A_234 = vector.bitcast %sub3A_233 : vector<16xi32> to vector<16xi32>
      %lt3A_235 = arith.constant 131072 : i32
      %lt3A_236 = vector.broadcast %lt3A_235 : i32 to vector<16xi32>
      %lt3A_237 = arith.cmpi ult, %bitcast3A_234, %lt3A_236 : vector<16xi32>
      %and3A_238 = arith.constant 1 : i32
      %and3A_239 = vector.broadcast %and3A_238 : i32 to vector<16xi32>
      %and3A_240 = arith.andi %sub3A_233, %and3A_239 : vector<16xi32>
      %eq3A_241 = arith.constant 1 : i32
      %eq3A_242 = vector.broadcast %eq3A_241 : i32 to vector<16xi32>
      %eq3A_243 = arith.cmpi eq, %and3A_240, %eq3A_242 : vector<16xi32>
      %shift_right_arithmetic3A_244 = arith.constant 1 : i32
      %shift_right_arithmetic3A_245 = vector.broadcast %shift_right_arithmetic3A_244 : i32 to vector<16xi32>
      %shift_right_arithmetic3A_246 = arith.shrsi %sub3A_233, %shift_right_arithmetic3A_245 : vector<16xi32>
      %jit3A_247 = arith.constant 0 : i32
      %broadcast_in_dim3A_248 = vector.broadcast %jit3A_247 : i32 to vector<16xi32>
      %select_n3A_249 = arith.select %lt3A_237, %shift_right_arithmetic3A_246, %broadcast_in_dim3A_248 : vector<16xi1>, vector<16xi32>
      %not3A_250 = arith.constant dense<true> : vector<16xi1>
      %not3A_251 = arith.xori %eq3A_243, %not3A_250 : vector<16xi1>
      %and3A_252 = arith.andi %lt3A_237, %not3A_251 : vector<16xi1>
      %and3A_253 = arith.andi %lt3A_237, %eq3A_243 : vector<16xi1>
      tpu.vector_store_idx %arg7[%select_n3A_249], %broadcast_in_dim3A_24 masked %and3A_252 {add = true} : memref<65536xi32, #tpu.memory_space<vmem>>[vector<16xi32>], vector<16xi32>, vector<16xi1>
      tpu.vector_store_idx %arg7[%select_n3A_249], %broadcast_in_dim3A_26 masked %and3A_253 {add = true} : memref<65536xi32, #tpu.memory_space<vmem>>[vector<16xi32>], vector<16xi32>, vector<16xi1>
      %mul3A_254 = arith.constant 256 : i32
      %mul3A_255 = arith.muli %while3A_39, %mul3A_254 : i32
      %add3A_256 = arith.constant 128 : i32
      %add3A_257 = arith.addi %mul3A_255, %add3A_256 : i32
      %get3A_258 = arith.index_cast %add3A_257 : i32 to index
      %get3A_259 = tpu.vector_load %arg5[%get3A_258] {strides = array<i32>} : memref<16384xi32, #tpu.memory_space<vmem>>, vector<16xi32>,
      %sub3A_260 = vector.broadcast %mul3A_22 : i32 to vector<16xi32>
      %sub3A_261 = arith.subi %get3A_259, %sub3A_260 : vector<16xi32>
      %bitcast3A_262 = vector.bitcast %sub3A_261 : vector<16xi32> to vector<16xi32>
      %lt3A_263 = arith.constant 131072 : i32
      %lt3A_264 = vector.broadcast %lt3A_263 : i32 to vector<16xi32>
      %lt3A_265 = arith.cmpi ult, %bitcast3A_262, %lt3A_264 : vector<16xi32>
      %and3A_266 = arith.constant 1 : i32
      %and3A_267 = vector.broadcast %and3A_266 : i32 to vector<16xi32>
      %and3A_268 = arith.andi %sub3A_261, %and3A_267 : vector<16xi32>
      %eq3A_269 = arith.constant 1 : i32
      %eq3A_270 = vector.broadcast %eq3A_269 : i32 to vector<16xi32>
      %eq3A_271 = arith.cmpi eq, %and3A_268, %eq3A_270 : vector<16xi32>
      %shift_right_arithmetic3A_272 = arith.constant 1 : i32
      %shift_right_arithmetic3A_273 = vector.broadcast %shift_right_arithmetic3A_272 : i32 to vector<16xi32>
      %shift_right_arithmetic3A_274 = arith.shrsi %sub3A_261, %shift_right_arithmetic3A_273 : vector<16xi32>
      %jit3A_275 = arith.constant 0 : i32
      %broadcast_in_dim3A_276 = vector.broadcast %jit3A_275 : i32 to vector<16xi32>
      %select_n3A_277 = arith.select %lt3A_265, %shift_right_arithmetic3A_274, %broadcast_in_dim3A_276 : vector<16xi1>, vector<16xi32>
      %not3A_278 = arith.constant dense<true> : vector<16xi1>
      %not3A_279 = arith.xori %eq3A_271, %not3A_278 : vector<16xi1>
      %and3A_280 = arith.andi %lt3A_265, %not3A_279 : vector<16xi1>
      %and3A_281 = arith.andi %lt3A_265, %eq3A_271 : vector<16xi1>
      tpu.vector_store_idx %arg7[%select_n3A_277], %broadcast_in_dim3A_24 masked %and3A_280 {add = true} : memref<65536xi32, #tpu.memory_space<vmem>>[vector<16xi32>], vector<16xi32>, vector<16xi1>
      tpu.vector_store_idx %arg7[%select_n3A_277], %broadcast_in_dim3A_26 masked %and3A_281 {add = true} : memref<65536xi32, #tpu.memory_space<vmem>>[vector<16xi32>], vector<16xi32>, vector<16xi1>
      %mul3A_282 = arith.constant 256 : i32
      %mul3A_283 = arith.muli %while3A_39, %mul3A_282 : i32
      %add3A_284 = arith.constant 144 : i32
      %add3A_285 = arith.addi %mul3A_283, %add3A_284 : i32
      %get3A_286 = arith.index_cast %add3A_285 : i32 to index
      %get3A_287 = tpu.vector_load %arg5[%get3A_286] {strides = array<i32>} : memref<16384xi32, #tpu.memory_space<vmem>>, vector<16xi32>,
      %sub3A_288 = vector.broadcast %mul3A_22 : i32 to vector<16xi32>
      %sub3A_289 = arith.subi %get3A_287, %sub3A_288 : vector<16xi32>
      %bitcast3A_290 = vector.bitcast %sub3A_289 : vector<16xi32> to vector<16xi32>
      %lt3A_291 = arith.constant 131072 : i32
      %lt3A_292 = vector.broadcast %lt3A_291 : i32 to vector<16xi32>
      %lt3A_293 = arith.cmpi ult, %bitcast3A_290, %lt3A_292 : vector<16xi32>
      %and3A_294 = arith.constant 1 : i32
      %and3A_295 = vector.broadcast %and3A_294 : i32 to vector<16xi32>
      %and3A_296 = arith.andi %sub3A_289, %and3A_295 : vector<16xi32>
      %eq3A_297 = arith.constant 1 : i32
      %eq3A_298 = vector.broadcast %eq3A_297 : i32 to vector<16xi32>
      %eq3A_299 = arith.cmpi eq, %and3A_296, %eq3A_298 : vector<16xi32>
      %shift_right_arithmetic3A_300 = arith.constant 1 : i32
      %shift_right_arithmetic3A_301 = vector.broadcast %shift_right_arithmetic3A_300 : i32 to vector<16xi32>
      %shift_right_arithmetic3A_302 = arith.shrsi %sub3A_289, %shift_right_arithmetic3A_301 : vector<16xi32>
      %jit3A_303 = arith.constant 0 : i32
      %broadcast_in_dim3A_304 = vector.broadcast %jit3A_303 : i32 to vector<16xi32>
      %select_n3A_305 = arith.select %lt3A_293, %shift_right_arithmetic3A_302, %broadcast_in_dim3A_304 : vector<16xi1>, vector<16xi32>
      %not3A_306 = arith.constant dense<true> : vector<16xi1>
      %not3A_307 = arith.xori %eq3A_299, %not3A_306 : vector<16xi1>
      %and3A_308 = arith.andi %lt3A_293, %not3A_307 : vector<16xi1>
      %and3A_309 = arith.andi %lt3A_293, %eq3A_299 : vector<16xi1>
      tpu.vector_store_idx %arg7[%select_n3A_305], %broadcast_in_dim3A_24 masked %and3A_308 {add = true} : memref<65536xi32, #tpu.memory_space<vmem>>[vector<16xi32>], vector<16xi32>, vector<16xi1>
      tpu.vector_store_idx %arg7[%select_n3A_305], %broadcast_in_dim3A_26 masked %and3A_309 {add = true} : memref<65536xi32, #tpu.memory_space<vmem>>[vector<16xi32>], vector<16xi32>, vector<16xi1>
      %mul3A_310 = arith.constant 256 : i32
      %mul3A_311 = arith.muli %while3A_39, %mul3A_310 : i32
      %add3A_312 = arith.constant 160 : i32
      %add3A_313 = arith.addi %mul3A_311, %add3A_312 : i32
      %get3A_314 = arith.index_cast %add3A_313 : i32 to index
      %get3A_315 = tpu.vector_load %arg5[%get3A_314] {strides = array<i32>} : memref<16384xi32, #tpu.memory_space<vmem>>, vector<16xi32>,
      %sub3A_316 = vector.broadcast %mul3A_22 : i32 to vector<16xi32>
      %sub3A_317 = arith.subi %get3A_315, %sub3A_316 : vector<16xi32>
      %bitcast3A_318 = vector.bitcast %sub3A_317 : vector<16xi32> to vector<16xi32>
      %lt3A_319 = arith.constant 131072 : i32
      %lt3A_320 = vector.broadcast %lt3A_319 : i32 to vector<16xi32>
      %lt3A_321 = arith.cmpi ult, %bitcast3A_318, %lt3A_320 : vector<16xi32>
      %and3A_322 = arith.constant 1 : i32
      %and3A_323 = vector.broadcast %and3A_322 : i32 to vector<16xi32>
      %and3A_324 = arith.andi %sub3A_317, %and3A_323 : vector<16xi32>
      %eq3A_325 = arith.constant 1 : i32
      %eq3A_326 = vector.broadcast %eq3A_325 : i32 to vector<16xi32>
      %eq3A_327 = arith.cmpi eq, %and3A_324, %eq3A_326 : vector<16xi32>
      %shift_right_arithmetic3A_328 = arith.constant 1 : i32
      %shift_right_arithmetic3A_329 = vector.broadcast %shift_right_arithmetic3A_328 : i32 to vector<16xi32>
      %shift_right_arithmetic3A_330 = arith.shrsi %sub3A_317, %shift_right_arithmetic3A_329 : vector<16xi32>
      %jit3A_331 = arith.constant 0 : i32
      %broadcast_in_dim3A_332 = vector.broadcast %jit3A_331 : i32 to vector<16xi32>
      %select_n3A_333 = arith.select %lt3A_321, %shift_right_arithmetic3A_330, %broadcast_in_dim3A_332 : vector<16xi1>, vector<16xi32>
      %not3A_334 = arith.constant dense<true> : vector<16xi1>
      %not3A_335 = arith.xori %eq3A_327, %not3A_334 : vector<16xi1>
      %and3A_336 = arith.andi %lt3A_321, %not3A_335 : vector<16xi1>
      %and3A_337 = arith.andi %lt3A_321, %eq3A_327 : vector<16xi1>
      tpu.vector_store_idx %arg7[%select_n3A_333], %broadcast_in_dim3A_24 masked %and3A_336 {add = true} : memref<65536xi32, #tpu.memory_space<vmem>>[vector<16xi32>], vector<16xi32>, vector<16xi1>
      tpu.vector_store_idx %arg7[%select_n3A_333], %broadcast_in_dim3A_26 masked %and3A_337 {add = true} : memref<65536xi32, #tpu.memory_space<vmem>>[vector<16xi32>], vector<16xi32>, vector<16xi1>
      %mul3A_338 = arith.constant 256 : i32
      %mul3A_339 = arith.muli %while3A_39, %mul3A_338 : i32
      %add3A_340 = arith.constant 176 : i32
      %add3A_341 = arith.addi %mul3A_339, %add3A_340 : i32
      %get3A_342 = arith.index_cast %add3A_341 : i32 to index
      %get3A_343 = tpu.vector_load %arg5[%get3A_342] {strides = array<i32>} : memref<16384xi32, #tpu.memory_space<vmem>>, vector<16xi32>,
      %sub3A_344 = vector.broadcast %mul3A_22 : i32 to vector<16xi32>
      %sub3A_345 = arith.subi %get3A_343, %sub3A_344 : vector<16xi32>
      %bitcast3A_346 = vector.bitcast %sub3A_345 : vector<16xi32> to vector<16xi32>
      %lt3A_347 = arith.constant 131072 : i32
      %lt3A_348 = vector.broadcast %lt3A_347 : i32 to vector<16xi32>
      %lt3A_349 = arith.cmpi ult, %bitcast3A_346, %lt3A_348 : vector<16xi32>
      %and3A_350 = arith.constant 1 : i32
      %and3A_351 = vector.broadcast %and3A_350 : i32 to vector<16xi32>
      %and3A_352 = arith.andi %sub3A_345, %and3A_351 : vector<16xi32>
      %eq3A_353 = arith.constant 1 : i32
      %eq3A_354 = vector.broadcast %eq3A_353 : i32 to vector<16xi32>
      %eq3A_355 = arith.cmpi eq, %and3A_352, %eq3A_354 : vector<16xi32>
      %shift_right_arithmetic3A_356 = arith.constant 1 : i32
      %shift_right_arithmetic3A_357 = vector.broadcast %shift_right_arithmetic3A_356 : i32 to vector<16xi32>
      %shift_right_arithmetic3A_358 = arith.shrsi %sub3A_345, %shift_right_arithmetic3A_357 : vector<16xi32>
      %jit3A_359 = arith.constant 0 : i32
      %broadcast_in_dim3A_360 = vector.broadcast %jit3A_359 : i32 to vector<16xi32>
      %select_n3A_361 = arith.select %lt3A_349, %shift_right_arithmetic3A_358, %broadcast_in_dim3A_360 : vector<16xi1>, vector<16xi32>
      %not3A_362 = arith.constant dense<true> : vector<16xi1>
      %not3A_363 = arith.xori %eq3A_355, %not3A_362 : vector<16xi1>
      %and3A_364 = arith.andi %lt3A_349, %not3A_363 : vector<16xi1>
      %and3A_365 = arith.andi %lt3A_349, %eq3A_355 : vector<16xi1>
      tpu.vector_store_idx %arg7[%select_n3A_361], %broadcast_in_dim3A_24 masked %and3A_364 {add = true} : memref<65536xi32, #tpu.memory_space<vmem>>[vector<16xi32>], vector<16xi32>, vector<16xi1>
      tpu.vector_store_idx %arg7[%select_n3A_361], %broadcast_in_dim3A_26 masked %and3A_365 {add = true} : memref<65536xi32, #tpu.memory_space<vmem>>[vector<16xi32>], vector<16xi32>, vector<16xi1>
      %mul3A_366 = arith.constant 256 : i32
      %mul3A_367 = arith.muli %while3A_39, %mul3A_366 : i32
      %add3A_368 = arith.constant 192 : i32
      %add3A_369 = arith.addi %mul3A_367, %add3A_368 : i32
      %get3A_370 = arith.index_cast %add3A_369 : i32 to index
      %get3A_371 = tpu.vector_load %arg5[%get3A_370] {strides = array<i32>} : memref<16384xi32, #tpu.memory_space<vmem>>, vector<16xi32>,
      %sub3A_372 = vector.broadcast %mul3A_22 : i32 to vector<16xi32>
      %sub3A_373 = arith.subi %get3A_371, %sub3A_372 : vector<16xi32>
      %bitcast3A_374 = vector.bitcast %sub3A_373 : vector<16xi32> to vector<16xi32>
      %lt3A_375 = arith.constant 131072 : i32
      %lt3A_376 = vector.broadcast %lt3A_375 : i32 to vector<16xi32>
      %lt3A_377 = arith.cmpi ult, %bitcast3A_374, %lt3A_376 : vector<16xi32>
      %and3A_378 = arith.constant 1 : i32
      %and3A_379 = vector.broadcast %and3A_378 : i32 to vector<16xi32>
      %and3A_380 = arith.andi %sub3A_373, %and3A_379 : vector<16xi32>
      %eq3A_381 = arith.constant 1 : i32
      %eq3A_382 = vector.broadcast %eq3A_381 : i32 to vector<16xi32>
      %eq3A_383 = arith.cmpi eq, %and3A_380, %eq3A_382 : vector<16xi32>
      %shift_right_arithmetic3A_384 = arith.constant 1 : i32
      %shift_right_arithmetic3A_385 = vector.broadcast %shift_right_arithmetic3A_384 : i32 to vector<16xi32>
      %shift_right_arithmetic3A_386 = arith.shrsi %sub3A_373, %shift_right_arithmetic3A_385 : vector<16xi32>
      %jit3A_387 = arith.constant 0 : i32
      %broadcast_in_dim3A_388 = vector.broadcast %jit3A_387 : i32 to vector<16xi32>
      %select_n3A_389 = arith.select %lt3A_377, %shift_right_arithmetic3A_386, %broadcast_in_dim3A_388 : vector<16xi1>, vector<16xi32>
      %not3A_390 = arith.constant dense<true> : vector<16xi1>
      %not3A_391 = arith.xori %eq3A_383, %not3A_390 : vector<16xi1>
      %and3A_392 = arith.andi %lt3A_377, %not3A_391 : vector<16xi1>
      %and3A_393 = arith.andi %lt3A_377, %eq3A_383 : vector<16xi1>
      tpu.vector_store_idx %arg7[%select_n3A_389], %broadcast_in_dim3A_24 masked %and3A_392 {add = true} : memref<65536xi32, #tpu.memory_space<vmem>>[vector<16xi32>], vector<16xi32>, vector<16xi1>
      tpu.vector_store_idx %arg7[%select_n3A_389], %broadcast_in_dim3A_26 masked %and3A_393 {add = true} : memref<65536xi32, #tpu.memory_space<vmem>>[vector<16xi32>], vector<16xi32>, vector<16xi1>
      %mul3A_394 = arith.constant 256 : i32
      %mul3A_395 = arith.muli %while3A_39, %mul3A_394 : i32
      %add3A_396 = arith.constant 208 : i32
      %add3A_397 = arith.addi %mul3A_395, %add3A_396 : i32
      %get3A_398 = arith.index_cast %add3A_397 : i32 to index
      %get3A_399 = tpu.vector_load %arg5[%get3A_398] {strides = array<i32>} : memref<16384xi32, #tpu.memory_space<vmem>>, vector<16xi32>,
      %sub3A_400 = vector.broadcast %mul3A_22 : i32 to vector<16xi32>
      %sub3A_401 = arith.subi %get3A_399, %sub3A_400 : vector<16xi32>
      %bitcast3A_402 = vector.bitcast %sub3A_401 : vector<16xi32> to vector<16xi32>
      %lt3A_403 = arith.constant 131072 : i32
      %lt3A_404 = vector.broadcast %lt3A_403 : i32 to vector<16xi32>
      %lt3A_405 = arith.cmpi ult, %bitcast3A_402, %lt3A_404 : vector<16xi32>
      %and3A_406 = arith.constant 1 : i32
      %and3A_407 = vector.broadcast %and3A_406 : i32 to vector<16xi32>
      %and3A_408 = arith.andi %sub3A_401, %and3A_407 : vector<16xi32>
      %eq3A_409 = arith.constant 1 : i32
      %eq3A_410 = vector.broadcast %eq3A_409 : i32 to vector<16xi32>
      %eq3A_411 = arith.cmpi eq, %and3A_408, %eq3A_410 : vector<16xi32>
      %shift_right_arithmetic3A_412 = arith.constant 1 : i32
      %shift_right_arithmetic3A_413 = vector.broadcast %shift_right_arithmetic3A_412 : i32 to vector<16xi32>
      %shift_right_arithmetic3A_414 = arith.shrsi %sub3A_401, %shift_right_arithmetic3A_413 : vector<16xi32>
      %jit3A_415 = arith.constant 0 : i32
      %broadcast_in_dim3A_416 = vector.broadcast %jit3A_415 : i32 to vector<16xi32>
      %select_n3A_417 = arith.select %lt3A_405, %shift_right_arithmetic3A_414, %broadcast_in_dim3A_416 : vector<16xi1>, vector<16xi32>
      %not3A_418 = arith.constant dense<true> : vector<16xi1>
      %not3A_419 = arith.xori %eq3A_411, %not3A_418 : vector<16xi1>
      %and3A_420 = arith.andi %lt3A_405, %not3A_419 : vector<16xi1>
      %and3A_421 = arith.andi %lt3A_405, %eq3A_411 : vector<16xi1>
      tpu.vector_store_idx %arg7[%select_n3A_417], %broadcast_in_dim3A_24 masked %and3A_420 {add = true} : memref<65536xi32, #tpu.memory_space<vmem>>[vector<16xi32>], vector<16xi32>, vector<16xi1>
      tpu.vector_store_idx %arg7[%select_n3A_417], %broadcast_in_dim3A_26 masked %and3A_421 {add = true} : memref<65536xi32, #tpu.memory_space<vmem>>[vector<16xi32>], vector<16xi32>, vector<16xi1>
      %mul3A_422 = arith.constant 256 : i32
      %mul3A_423 = arith.muli %while3A_39, %mul3A_422 : i32
      %add3A_424 = arith.constant 224 : i32
      %add3A_425 = arith.addi %mul3A_423, %add3A_424 : i32
      %get3A_426 = arith.index_cast %add3A_425 : i32 to index
      %get3A_427 = tpu.vector_load %arg5[%get3A_426] {strides = array<i32>} : memref<16384xi32, #tpu.memory_space<vmem>>, vector<16xi32>,
      %sub3A_428 = vector.broadcast %mul3A_22 : i32 to vector<16xi32>
      %sub3A_429 = arith.subi %get3A_427, %sub3A_428 : vector<16xi32>
      %bitcast3A_430 = vector.bitcast %sub3A_429 : vector<16xi32> to vector<16xi32>
      %lt3A_431 = arith.constant 131072 : i32
      %lt3A_432 = vector.broadcast %lt3A_431 : i32 to vector<16xi32>
      %lt3A_433 = arith.cmpi ult, %bitcast3A_430, %lt3A_432 : vector<16xi32>
      %and3A_434 = arith.constant 1 : i32
      %and3A_435 = vector.broadcast %and3A_434 : i32 to vector<16xi32>
      %and3A_436 = arith.andi %sub3A_429, %and3A_435 : vector<16xi32>
      %eq3A_437 = arith.constant 1 : i32
      %eq3A_438 = vector.broadcast %eq3A_437 : i32 to vector<16xi32>
      %eq3A_439 = arith.cmpi eq, %and3A_436, %eq3A_438 : vector<16xi32>
      %shift_right_arithmetic3A_440 = arith.constant 1 : i32
      %shift_right_arithmetic3A_441 = vector.broadcast %shift_right_arithmetic3A_440 : i32 to vector<16xi32>
      %shift_right_arithmetic3A_442 = arith.shrsi %sub3A_429, %shift_right_arithmetic3A_441 : vector<16xi32>
      %jit3A_443 = arith.constant 0 : i32
      %broadcast_in_dim3A_444 = vector.broadcast %jit3A_443 : i32 to vector<16xi32>
      %select_n3A_445 = arith.select %lt3A_433, %shift_right_arithmetic3A_442, %broadcast_in_dim3A_444 : vector<16xi1>, vector<16xi32>
      %not3A_446 = arith.constant dense<true> : vector<16xi1>
      %not3A_447 = arith.xori %eq3A_439, %not3A_446 : vector<16xi1>
      %and3A_448 = arith.andi %lt3A_433, %not3A_447 : vector<16xi1>
      %and3A_449 = arith.andi %lt3A_433, %eq3A_439 : vector<16xi1>
      tpu.vector_store_idx %arg7[%select_n3A_445], %broadcast_in_dim3A_24 masked %and3A_448 {add = true} : memref<65536xi32, #tpu.memory_space<vmem>>[vector<16xi32>], vector<16xi32>, vector<16xi1>
      tpu.vector_store_idx %arg7[%select_n3A_445], %broadcast_in_dim3A_26 masked %and3A_449 {add = true} : memref<65536xi32, #tpu.memory_space<vmem>>[vector<16xi32>], vector<16xi32>, vector<16xi1>
      %mul3A_450 = arith.constant 256 : i32
      %mul3A_451 = arith.muli %while3A_39, %mul3A_450 : i32
      %add3A_452 = arith.constant 240 : i32
      %add3A_453 = arith.addi %mul3A_451, %add3A_452 : i32
      %get3A_454 = arith.index_cast %add3A_453 : i32 to index
      %get3A_455 = tpu.vector_load %arg5[%get3A_454] {strides = array<i32>} : memref<16384xi32, #tpu.memory_space<vmem>>, vector<16xi32>,
      %sub3A_456 = vector.broadcast %mul3A_22 : i32 to vector<16xi32>
      %sub3A_457 = arith.subi %get3A_455, %sub3A_456 : vector<16xi32>
      %bitcast3A_458 = vector.bitcast %sub3A_457 : vector<16xi32> to vector<16xi32>
      %lt3A_459 = arith.constant 131072 : i32
      %lt3A_460 = vector.broadcast %lt3A_459 : i32 to vector<16xi32>
      %lt3A_461 = arith.cmpi ult, %bitcast3A_458, %lt3A_460 : vector<16xi32>
      %and3A_462 = arith.constant 1 : i32
      %and3A_463 = vector.broadcast %and3A_462 : i32 to vector<16xi32>
      %and3A_464 = arith.andi %sub3A_457, %and3A_463 : vector<16xi32>
      %eq3A_465 = arith.constant 1 : i32
      %eq3A_466 = vector.broadcast %eq3A_465 : i32 to vector<16xi32>
      %eq3A_467 = arith.cmpi eq, %and3A_464, %eq3A_466 : vector<16xi32>
      %shift_right_arithmetic3A_468 = arith.constant 1 : i32
      %shift_right_arithmetic3A_469 = vector.broadcast %shift_right_arithmetic3A_468 : i32 to vector<16xi32>
      %shift_right_arithmetic3A_470 = arith.shrsi %sub3A_457, %shift_right_arithmetic3A_469 : vector<16xi32>
      %jit3A_471 = arith.constant 0 : i32
      %broadcast_in_dim3A_472 = vector.broadcast %jit3A_471 : i32 to vector<16xi32>
      %select_n3A_473 = arith.select %lt3A_461, %shift_right_arithmetic3A_470, %broadcast_in_dim3A_472 : vector<16xi1>, vector<16xi32>
      %not3A_474 = arith.constant dense<true> : vector<16xi1>
      %not3A_475 = arith.xori %eq3A_467, %not3A_474 : vector<16xi1>
      %and3A_476 = arith.andi %lt3A_461, %not3A_475 : vector<16xi1>
      %and3A_477 = arith.andi %lt3A_461, %eq3A_467 : vector<16xi1>
      tpu.vector_store_idx %arg7[%select_n3A_473], %broadcast_in_dim3A_24 masked %and3A_476 {add = true} : memref<65536xi32, #tpu.memory_space<vmem>>[vector<16xi32>], vector<16xi32>, vector<16xi1>
      tpu.vector_store_idx %arg7[%select_n3A_473], %broadcast_in_dim3A_26 masked %and3A_477 {add = true} : memref<65536xi32, #tpu.memory_space<vmem>>[vector<16xi32>], vector<16xi32>, vector<16xi1>
    }
    %while3A_36 = arith.constant 1 : i32
    scf.for %while3A_39 = %while3A_34 to %while3A_30 step %while3A_36  : i32 {
      %mul3A_40 = arith.constant 256 : i32
      %mul3A_41 = arith.muli %while3A_39, %mul3A_40 : i32
      %add3A_42 = arith.constant 0 : i32
      %add3A_43 = arith.addi %mul3A_41, %add3A_42 : i32
      %get3A = arith.index_cast %add3A_43 : i32 to index
      %get3A_44 = tpu.vector_load %arg5[%get3A] {strides = array<i32>} : memref<16384xi32, #tpu.memory_space<vmem>>, vector<16xi32>,
      %sub3A = vector.broadcast %mul3A_22 : i32 to vector<16xi32>
      %sub3A_45 = arith.subi %get3A_44, %sub3A : vector<16xi32>
      %bitcast3A = vector.bitcast %sub3A_45 : vector<16xi32> to vector<16xi32>
      %lt3A = arith.constant 131072 : i32
      %lt3A_46 = vector.broadcast %lt3A : i32 to vector<16xi32>
      %lt3A_47 = arith.cmpi ult, %bitcast3A, %lt3A_46 : vector<16xi32>
      %and3A = arith.constant 1 : i32
      %and3A_48 = vector.broadcast %and3A : i32 to vector<16xi32>
      %and3A_49 = arith.andi %sub3A_45, %and3A_48 : vector<16xi32>
      %eq3A = arith.constant 1 : i32
      %eq3A_50 = vector.broadcast %eq3A : i32 to vector<16xi32>
      %eq3A_51 = arith.cmpi eq, %and3A_49, %eq3A_50 : vector<16xi32>
      %shift_right_arithmetic3A = arith.constant 1 : i32
      %shift_right_arithmetic3A_52 = vector.broadcast %shift_right_arithmetic3A : i32 to vector<16xi32>
      %shift_right_arithmetic3A_53 = arith.shrsi %sub3A_45, %shift_right_arithmetic3A_52 : vector<16xi32>
      %jit3A = arith.constant 0 : i32
      %broadcast_in_dim3A_54 = vector.broadcast %jit3A : i32 to vector<16xi32>
      %select_n3A = arith.select %lt3A_47, %shift_right_arithmetic3A_53, %broadcast_in_dim3A_54 : vector<16xi1>, vector<16xi32>
      %not3A = arith.constant dense<true> : vector<16xi1>
      %not3A_55 = arith.xori %eq3A_51, %not3A : vector<16xi1>
      %and3A_56 = arith.andi %lt3A_47, %not3A_55 : vector<16xi1>
      %and3A_57 = arith.andi %lt3A_47, %eq3A_51 : vector<16xi1>
      tpu.vector_store_idx %arg7[%select_n3A], %broadcast_in_dim3A_24 masked %and3A_56 {add = true} : memref<65536xi32, #tpu.memory_space<vmem>>[vector<16xi32>], vector<16xi32>, vector<16xi1>
      tpu.vector_store_idx %arg7[%select_n3A], %broadcast_in_dim3A_26 masked %and3A_57 {add = true} : memref<65536xi32, #tpu.memory_space<vmem>>[vector<16xi32>], vector<16xi32>, vector<16xi1>
      %mul3A_58 = arith.constant 256 : i32
      %mul3A_59 = arith.muli %while3A_39, %mul3A_58 : i32
      %add3A_60 = arith.constant 16 : i32
      %add3A_61 = arith.addi %mul3A_59, %add3A_60 : i32
      %get3A_62 = arith.index_cast %add3A_61 : i32 to index
      %get3A_63 = tpu.vector_load %arg5[%get3A_62] {strides = array<i32>} : memref<16384xi32, #tpu.memory_space<vmem>>, vector<16xi32>,
      %sub3A_64 = vector.broadcast %mul3A_22 : i32 to vector<16xi32>
      %sub3A_65 = arith.subi %get3A_63, %sub3A_64 : vector<16xi32>
      %bitcast3A_66 = vector.bitcast %sub3A_65 : vector<16xi32> to vector<16xi32>
      %lt3A_67 = arith.constant 131072 : i32
      %lt3A_68 = vector.broadcast %lt3A_67 : i32 to vector<16xi32>
      %lt3A_69 = arith.cmpi ult, %bitcast3A_66, %lt3A_68 : vector<16xi32>
      %and3A_70 = arith.constant 1 : i32
      %and3A_71 = vector.broadcast %and3A_70 : i32 to vector<16xi32>
      %and3A_72 = arith.andi %sub3A_65, %and3A_71 : vector<16xi32>
      %eq3A_73 = arith.constant 1 : i32
      %eq3A_74 = vector.broadcast %eq3A_73 : i32 to vector<16xi32>
      %eq3A_75 = arith.cmpi eq, %and3A_72, %eq3A_74 : vector<16xi32>
      %shift_right_arithmetic3A_76 = arith.constant 1 : i32
      %shift_right_arithmetic3A_77 = vector.broadcast %shift_right_arithmetic3A_76 : i32 to vector<16xi32>
      %shift_right_arithmetic3A_78 = arith.shrsi %sub3A_65, %shift_right_arithmetic3A_77 : vector<16xi32>
      %jit3A_79 = arith.constant 0 : i32
      %broadcast_in_dim3A_80 = vector.broadcast %jit3A_79 : i32 to vector<16xi32>
      %select_n3A_81 = arith.select %lt3A_69, %shift_right_arithmetic3A_78, %broadcast_in_dim3A_80 : vector<16xi1>, vector<16xi32>
      %not3A_82 = arith.constant dense<true> : vector<16xi1>
      %not3A_83 = arith.xori %eq3A_75, %not3A_82 : vector<16xi1>
      %and3A_84 = arith.andi %lt3A_69, %not3A_83 : vector<16xi1>
      %and3A_85 = arith.andi %lt3A_69, %eq3A_75 : vector<16xi1>
      tpu.vector_store_idx %arg7[%select_n3A_81], %broadcast_in_dim3A_24 masked %and3A_84 {add = true} : memref<65536xi32, #tpu.memory_space<vmem>>[vector<16xi32>], vector<16xi32>, vector<16xi1>
      tpu.vector_store_idx %arg7[%select_n3A_81], %broadcast_in_dim3A_26 masked %and3A_85 {add = true} : memref<65536xi32, #tpu.memory_space<vmem>>[vector<16xi32>], vector<16xi32>, vector<16xi1>
      %mul3A_86 = arith.constant 256 : i32
      %mul3A_87 = arith.muli %while3A_39, %mul3A_86 : i32
      %add3A_88 = arith.constant 32 : i32
      %add3A_89 = arith.addi %mul3A_87, %add3A_88 : i32
      %get3A_90 = arith.index_cast %add3A_89 : i32 to index
      %get3A_91 = tpu.vector_load %arg5[%get3A_90] {strides = array<i32>} : memref<16384xi32, #tpu.memory_space<vmem>>, vector<16xi32>,
      %sub3A_92 = vector.broadcast %mul3A_22 : i32 to vector<16xi32>
      %sub3A_93 = arith.subi %get3A_91, %sub3A_92 : vector<16xi32>
      %bitcast3A_94 = vector.bitcast %sub3A_93 : vector<16xi32> to vector<16xi32>
      %lt3A_95 = arith.constant 131072 : i32
      %lt3A_96 = vector.broadcast %lt3A_95 : i32 to vector<16xi32>
      %lt3A_97 = arith.cmpi ult, %bitcast3A_94, %lt3A_96 : vector<16xi32>
      %and3A_98 = arith.constant 1 : i32
      %and3A_99 = vector.broadcast %and3A_98 : i32 to vector<16xi32>
      %and3A_100 = arith.andi %sub3A_93, %and3A_99 : vector<16xi32>
      %eq3A_101 = arith.constant 1 : i32
      %eq3A_102 = vector.broadcast %eq3A_101 : i32 to vector<16xi32>
      %eq3A_103 = arith.cmpi eq, %and3A_100, %eq3A_102 : vector<16xi32>
      %shift_right_arithmetic3A_104 = arith.constant 1 : i32
      %shift_right_arithmetic3A_105 = vector.broadcast %shift_right_arithmetic3A_104 : i32 to vector<16xi32>
      %shift_right_arithmetic3A_106 = arith.shrsi %sub3A_93, %shift_right_arithmetic3A_105 : vector<16xi32>
      %jit3A_107 = arith.constant 0 : i32
      %broadcast_in_dim3A_108 = vector.broadcast %jit3A_107 : i32 to vector<16xi32>
      %select_n3A_109 = arith.select %lt3A_97, %shift_right_arithmetic3A_106, %broadcast_in_dim3A_108 : vector<16xi1>, vector<16xi32>
      %not3A_110 = arith.constant dense<true> : vector<16xi1>
      %not3A_111 = arith.xori %eq3A_103, %not3A_110 : vector<16xi1>
      %and3A_112 = arith.andi %lt3A_97, %not3A_111 : vector<16xi1>
      %and3A_113 = arith.andi %lt3A_97, %eq3A_103 : vector<16xi1>
      tpu.vector_store_idx %arg7[%select_n3A_109], %broadcast_in_dim3A_24 masked %and3A_112 {add = true} : memref<65536xi32, #tpu.memory_space<vmem>>[vector<16xi32>], vector<16xi32>, vector<16xi1>
      tpu.vector_store_idx %arg7[%select_n3A_109], %broadcast_in_dim3A_26 masked %and3A_113 {add = true} : memref<65536xi32, #tpu.memory_space<vmem>>[vector<16xi32>], vector<16xi32>, vector<16xi1>
      %mul3A_114 = arith.constant 256 : i32
      %mul3A_115 = arith.muli %while3A_39, %mul3A_114 : i32
      %add3A_116 = arith.constant 48 : i32
      %add3A_117 = arith.addi %mul3A_115, %add3A_116 : i32
      %get3A_118 = arith.index_cast %add3A_117 : i32 to index
      %get3A_119 = tpu.vector_load %arg5[%get3A_118] {strides = array<i32>} : memref<16384xi32, #tpu.memory_space<vmem>>, vector<16xi32>,
      %sub3A_120 = vector.broadcast %mul3A_22 : i32 to vector<16xi32>
      %sub3A_121 = arith.subi %get3A_119, %sub3A_120 : vector<16xi32>
      %bitcast3A_122 = vector.bitcast %sub3A_121 : vector<16xi32> to vector<16xi32>
      %lt3A_123 = arith.constant 131072 : i32
      %lt3A_124 = vector.broadcast %lt3A_123 : i32 to vector<16xi32>
      %lt3A_125 = arith.cmpi ult, %bitcast3A_122, %lt3A_124 : vector<16xi32>
      %and3A_126 = arith.constant 1 : i32
      %and3A_127 = vector.broadcast %and3A_126 : i32 to vector<16xi32>
      %and3A_128 = arith.andi %sub3A_121, %and3A_127 : vector<16xi32>
      %eq3A_129 = arith.constant 1 : i32
      %eq3A_130 = vector.broadcast %eq3A_129 : i32 to vector<16xi32>
      %eq3A_131 = arith.cmpi eq, %and3A_128, %eq3A_130 : vector<16xi32>
      %shift_right_arithmetic3A_132 = arith.constant 1 : i32
      %shift_right_arithmetic3A_133 = vector.broadcast %shift_right_arithmetic3A_132 : i32 to vector<16xi32>
      %shift_right_arithmetic3A_134 = arith.shrsi %sub3A_121, %shift_right_arithmetic3A_133 : vector<16xi32>
      %jit3A_135 = arith.constant 0 : i32
      %broadcast_in_dim3A_136 = vector.broadcast %jit3A_135 : i32 to vector<16xi32>
      %select_n3A_137 = arith.select %lt3A_125, %shift_right_arithmetic3A_134, %broadcast_in_dim3A_136 : vector<16xi1>, vector<16xi32>
      %not3A_138 = arith.constant dense<true> : vector<16xi1>
      %not3A_139 = arith.xori %eq3A_131, %not3A_138 : vector<16xi1>
      %and3A_140 = arith.andi %lt3A_125, %not3A_139 : vector<16xi1>
      %and3A_141 = arith.andi %lt3A_125, %eq3A_131 : vector<16xi1>
      tpu.vector_store_idx %arg7[%select_n3A_137], %broadcast_in_dim3A_24 masked %and3A_140 {add = true} : memref<65536xi32, #tpu.memory_space<vmem>>[vector<16xi32>], vector<16xi32>, vector<16xi1>
      tpu.vector_store_idx %arg7[%select_n3A_137], %broadcast_in_dim3A_26 masked %and3A_141 {add = true} : memref<65536xi32, #tpu.memory_space<vmem>>[vector<16xi32>], vector<16xi32>, vector<16xi1>
      %mul3A_142 = arith.constant 256 : i32
      %mul3A_143 = arith.muli %while3A_39, %mul3A_142 : i32
      %add3A_144 = arith.constant 64 : i32
      %add3A_145 = arith.addi %mul3A_143, %add3A_144 : i32
      %get3A_146 = arith.index_cast %add3A_145 : i32 to index
      %get3A_147 = tpu.vector_load %arg5[%get3A_146] {strides = array<i32>} : memref<16384xi32, #tpu.memory_space<vmem>>, vector<16xi32>,
      %sub3A_148 = vector.broadcast %mul3A_22 : i32 to vector<16xi32>
      %sub3A_149 = arith.subi %get3A_147, %sub3A_148 : vector<16xi32>
      %bitcast3A_150 = vector.bitcast %sub3A_149 : vector<16xi32> to vector<16xi32>
      %lt3A_151 = arith.constant 131072 : i32
      %lt3A_152 = vector.broadcast %lt3A_151 : i32 to vector<16xi32>
      %lt3A_153 = arith.cmpi ult, %bitcast3A_150, %lt3A_152 : vector<16xi32>
      %and3A_154 = arith.constant 1 : i32
      %and3A_155 = vector.broadcast %and3A_154 : i32 to vector<16xi32>
      %and3A_156 = arith.andi %sub3A_149, %and3A_155 : vector<16xi32>
      %eq3A_157 = arith.constant 1 : i32
      %eq3A_158 = vector.broadcast %eq3A_157 : i32 to vector<16xi32>
      %eq3A_159 = arith.cmpi eq, %and3A_156, %eq3A_158 : vector<16xi32>
      %shift_right_arithmetic3A_160 = arith.constant 1 : i32
      %shift_right_arithmetic3A_161 = vector.broadcast %shift_right_arithmetic3A_160 : i32 to vector<16xi32>
      %shift_right_arithmetic3A_162 = arith.shrsi %sub3A_149, %shift_right_arithmetic3A_161 : vector<16xi32>
      %jit3A_163 = arith.constant 0 : i32
      %broadcast_in_dim3A_164 = vector.broadcast %jit3A_163 : i32 to vector<16xi32>
      %select_n3A_165 = arith.select %lt3A_153, %shift_right_arithmetic3A_162, %broadcast_in_dim3A_164 : vector<16xi1>, vector<16xi32>
      %not3A_166 = arith.constant dense<true> : vector<16xi1>
      %not3A_167 = arith.xori %eq3A_159, %not3A_166 : vector<16xi1>
      %and3A_168 = arith.andi %lt3A_153, %not3A_167 : vector<16xi1>
      %and3A_169 = arith.andi %lt3A_153, %eq3A_159 : vector<16xi1>
      tpu.vector_store_idx %arg7[%select_n3A_165], %broadcast_in_dim3A_24 masked %and3A_168 {add = true} : memref<65536xi32, #tpu.memory_space<vmem>>[vector<16xi32>], vector<16xi32>, vector<16xi1>
      tpu.vector_store_idx %arg7[%select_n3A_165], %broadcast_in_dim3A_26 masked %and3A_169 {add = true} : memref<65536xi32, #tpu.memory_space<vmem>>[vector<16xi32>], vector<16xi32>, vector<16xi1>
      %mul3A_170 = arith.constant 256 : i32
      %mul3A_171 = arith.muli %while3A_39, %mul3A_170 : i32
      %add3A_172 = arith.constant 80 : i32
      %add3A_173 = arith.addi %mul3A_171, %add3A_172 : i32
      %get3A_174 = arith.index_cast %add3A_173 : i32 to index
      %get3A_175 = tpu.vector_load %arg5[%get3A_174] {strides = array<i32>} : memref<16384xi32, #tpu.memory_space<vmem>>, vector<16xi32>,
      %sub3A_176 = vector.broadcast %mul3A_22 : i32 to vector<16xi32>
      %sub3A_177 = arith.subi %get3A_175, %sub3A_176 : vector<16xi32>
      %bitcast3A_178 = vector.bitcast %sub3A_177 : vector<16xi32> to vector<16xi32>
      %lt3A_179 = arith.constant 131072 : i32
      %lt3A_180 = vector.broadcast %lt3A_179 : i32 to vector<16xi32>
      %lt3A_181 = arith.cmpi ult, %bitcast3A_178, %lt3A_180 : vector<16xi32>
      %and3A_182 = arith.constant 1 : i32
      %and3A_183 = vector.broadcast %and3A_182 : i32 to vector<16xi32>
      %and3A_184 = arith.andi %sub3A_177, %and3A_183 : vector<16xi32>
      %eq3A_185 = arith.constant 1 : i32
      %eq3A_186 = vector.broadcast %eq3A_185 : i32 to vector<16xi32>
      %eq3A_187 = arith.cmpi eq, %and3A_184, %eq3A_186 : vector<16xi32>
      %shift_right_arithmetic3A_188 = arith.constant 1 : i32
      %shift_right_arithmetic3A_189 = vector.broadcast %shift_right_arithmetic3A_188 : i32 to vector<16xi32>
      %shift_right_arithmetic3A_190 = arith.shrsi %sub3A_177, %shift_right_arithmetic3A_189 : vector<16xi32>
      %jit3A_191 = arith.constant 0 : i32
      %broadcast_in_dim3A_192 = vector.broadcast %jit3A_191 : i32 to vector<16xi32>
      %select_n3A_193 = arith.select %lt3A_181, %shift_right_arithmetic3A_190, %broadcast_in_dim3A_192 : vector<16xi1>, vector<16xi32>
      %not3A_194 = arith.constant dense<true> : vector<16xi1>
      %not3A_195 = arith.xori %eq3A_187, %not3A_194 : vector<16xi1>
      %and3A_196 = arith.andi %lt3A_181, %not3A_195 : vector<16xi1>
      %and3A_197 = arith.andi %lt3A_181, %eq3A_187 : vector<16xi1>
      tpu.vector_store_idx %arg7[%select_n3A_193], %broadcast_in_dim3A_24 masked %and3A_196 {add = true} : memref<65536xi32, #tpu.memory_space<vmem>>[vector<16xi32>], vector<16xi32>, vector<16xi1>
      tpu.vector_store_idx %arg7[%select_n3A_193], %broadcast_in_dim3A_26 masked %and3A_197 {add = true} : memref<65536xi32, #tpu.memory_space<vmem>>[vector<16xi32>], vector<16xi32>, vector<16xi1>
      %mul3A_198 = arith.constant 256 : i32
      %mul3A_199 = arith.muli %while3A_39, %mul3A_198 : i32
      %add3A_200 = arith.constant 96 : i32
      %add3A_201 = arith.addi %mul3A_199, %add3A_200 : i32
      %get3A_202 = arith.index_cast %add3A_201 : i32 to index
      %get3A_203 = tpu.vector_load %arg5[%get3A_202] {strides = array<i32>} : memref<16384xi32, #tpu.memory_space<vmem>>, vector<16xi32>,
      %sub3A_204 = vector.broadcast %mul3A_22 : i32 to vector<16xi32>
      %sub3A_205 = arith.subi %get3A_203, %sub3A_204 : vector<16xi32>
      %bitcast3A_206 = vector.bitcast %sub3A_205 : vector<16xi32> to vector<16xi32>
      %lt3A_207 = arith.constant 131072 : i32
      %lt3A_208 = vector.broadcast %lt3A_207 : i32 to vector<16xi32>
      %lt3A_209 = arith.cmpi ult, %bitcast3A_206, %lt3A_208 : vector<16xi32>
      %and3A_210 = arith.constant 1 : i32
      %and3A_211 = vector.broadcast %and3A_210 : i32 to vector<16xi32>
      %and3A_212 = arith.andi %sub3A_205, %and3A_211 : vector<16xi32>
      %eq3A_213 = arith.constant 1 : i32
      %eq3A_214 = vector.broadcast %eq3A_213 : i32 to vector<16xi32>
      %eq3A_215 = arith.cmpi eq, %and3A_212, %eq3A_214 : vector<16xi32>
      %shift_right_arithmetic3A_216 = arith.constant 1 : i32
      %shift_right_arithmetic3A_217 = vector.broadcast %shift_right_arithmetic3A_216 : i32 to vector<16xi32>
      %shift_right_arithmetic3A_218 = arith.shrsi %sub3A_205, %shift_right_arithmetic3A_217 : vector<16xi32>
      %jit3A_219 = arith.constant 0 : i32
      %broadcast_in_dim3A_220 = vector.broadcast %jit3A_219 : i32 to vector<16xi32>
      %select_n3A_221 = arith.select %lt3A_209, %shift_right_arithmetic3A_218, %broadcast_in_dim3A_220 : vector<16xi1>, vector<16xi32>
      %not3A_222 = arith.constant dense<true> : vector<16xi1>
      %not3A_223 = arith.xori %eq3A_215, %not3A_222 : vector<16xi1>
      %and3A_224 = arith.andi %lt3A_209, %not3A_223 : vector<16xi1>
      %and3A_225 = arith.andi %lt3A_209, %eq3A_215 : vector<16xi1>
      tpu.vector_store_idx %arg7[%select_n3A_221], %broadcast_in_dim3A_24 masked %and3A_224 {add = true} : memref<65536xi32, #tpu.memory_space<vmem>>[vector<16xi32>], vector<16xi32>, vector<16xi1>
      tpu.vector_store_idx %arg7[%select_n3A_221], %broadcast_in_dim3A_26 masked %and3A_225 {add = true} : memref<65536xi32, #tpu.memory_space<vmem>>[vector<16xi32>], vector<16xi32>, vector<16xi1>
      %mul3A_226 = arith.constant 256 : i32
      %mul3A_227 = arith.muli %while3A_39, %mul3A_226 : i32
      %add3A_228 = arith.constant 112 : i32
      %add3A_229 = arith.addi %mul3A_227, %add3A_228 : i32
      %get3A_230 = arith.index_cast %add3A_229 : i32 to index
      %get3A_231 = tpu.vector_load %arg5[%get3A_230] {strides = array<i32>} : memref<16384xi32, #tpu.memory_space<vmem>>, vector<16xi32>,
      %sub3A_232 = vector.broadcast %mul3A_22 : i32 to vector<16xi32>
      %sub3A_233 = arith.subi %get3A_231, %sub3A_232 : vector<16xi32>
      %bitcast3A_234 = vector.bitcast %sub3A_233 : vector<16xi32> to vector<16xi32>
      %lt3A_235 = arith.constant 131072 : i32
      %lt3A_236 = vector.broadcast %lt3A_235 : i32 to vector<16xi32>
      %lt3A_237 = arith.cmpi ult, %bitcast3A_234, %lt3A_236 : vector<16xi32>
      %and3A_238 = arith.constant 1 : i32
      %and3A_239 = vector.broadcast %and3A_238 : i32 to vector<16xi32>
      %and3A_240 = arith.andi %sub3A_233, %and3A_239 : vector<16xi32>
      %eq3A_241 = arith.constant 1 : i32
      %eq3A_242 = vector.broadcast %eq3A_241 : i32 to vector<16xi32>
      %eq3A_243 = arith.cmpi eq, %and3A_240, %eq3A_242 : vector<16xi32>
      %shift_right_arithmetic3A_244 = arith.constant 1 : i32
      %shift_right_arithmetic3A_245 = vector.broadcast %shift_right_arithmetic3A_244 : i32 to vector<16xi32>
      %shift_right_arithmetic3A_246 = arith.shrsi %sub3A_233, %shift_right_arithmetic3A_245 : vector<16xi32>
      %jit3A_247 = arith.constant 0 : i32
      %broadcast_in_dim3A_248 = vector.broadcast %jit3A_247 : i32 to vector<16xi32>
      %select_n3A_249 = arith.select %lt3A_237, %shift_right_arithmetic3A_246, %broadcast_in_dim3A_248 : vector<16xi1>, vector<16xi32>
      %not3A_250 = arith.constant dense<true> : vector<16xi1>
      %not3A_251 = arith.xori %eq3A_243, %not3A_250 : vector<16xi1>
      %and3A_252 = arith.andi %lt3A_237, %not3A_251 : vector<16xi1>
      %and3A_253 = arith.andi %lt3A_237, %eq3A_243 : vector<16xi1>
      tpu.vector_store_idx %arg7[%select_n3A_249], %broadcast_in_dim3A_24 masked %and3A_252 {add = true} : memref<65536xi32, #tpu.memory_space<vmem>>[vector<16xi32>], vector<16xi32>, vector<16xi1>
      tpu.vector_store_idx %arg7[%select_n3A_249], %broadcast_in_dim3A_26 masked %and3A_253 {add = true} : memref<65536xi32, #tpu.memory_space<vmem>>[vector<16xi32>], vector<16xi32>, vector<16xi1>
      %mul3A_254 = arith.constant 256 : i32
      %mul3A_255 = arith.muli %while3A_39, %mul3A_254 : i32
      %add3A_256 = arith.constant 128 : i32
      %add3A_257 = arith.addi %mul3A_255, %add3A_256 : i32
      %get3A_258 = arith.index_cast %add3A_257 : i32 to index
      %get3A_259 = tpu.vector_load %arg5[%get3A_258] {strides = array<i32>} : memref<16384xi32, #tpu.memory_space<vmem>>, vector<16xi32>,
      %sub3A_260 = vector.broadcast %mul3A_22 : i32 to vector<16xi32>
      %sub3A_261 = arith.subi %get3A_259, %sub3A_260 : vector<16xi32>
      %bitcast3A_262 = vector.bitcast %sub3A_261 : vector<16xi32> to vector<16xi32>
      %lt3A_263 = arith.constant 131072 : i32
      %lt3A_264 = vector.broadcast %lt3A_263 : i32 to vector<16xi32>
      %lt3A_265 = arith.cmpi ult, %bitcast3A_262, %lt3A_264 : vector<16xi32>
      %and3A_266 = arith.constant 1 : i32
      %and3A_267 = vector.broadcast %and3A_266 : i32 to vector<16xi32>
      %and3A_268 = arith.andi %sub3A_261, %and3A_267 : vector<16xi32>
      %eq3A_269 = arith.constant 1 : i32
      %eq3A_270 = vector.broadcast %eq3A_269 : i32 to vector<16xi32>
      %eq3A_271 = arith.cmpi eq, %and3A_268, %eq3A_270 : vector<16xi32>
      %shift_right_arithmetic3A_272 = arith.constant 1 : i32
      %shift_right_arithmetic3A_273 = vector.broadcast %shift_right_arithmetic3A_272 : i32 to vector<16xi32>
      %shift_right_arithmetic3A_274 = arith.shrsi %sub3A_261, %shift_right_arithmetic3A_273 : vector<16xi32>
      %jit3A_275 = arith.constant 0 : i32
      %broadcast_in_dim3A_276 = vector.broadcast %jit3A_275 : i32 to vector<16xi32>
      %select_n3A_277 = arith.select %lt3A_265, %shift_right_arithmetic3A_274, %broadcast_in_dim3A_276 : vector<16xi1>, vector<16xi32>
      %not3A_278 = arith.constant dense<true> : vector<16xi1>
      %not3A_279 = arith.xori %eq3A_271, %not3A_278 : vector<16xi1>
      %and3A_280 = arith.andi %lt3A_265, %not3A_279 : vector<16xi1>
      %and3A_281 = arith.andi %lt3A_265, %eq3A_271 : vector<16xi1>
      tpu.vector_store_idx %arg7[%select_n3A_277], %broadcast_in_dim3A_24 masked %and3A_280 {add = true} : memref<65536xi32, #tpu.memory_space<vmem>>[vector<16xi32>], vector<16xi32>, vector<16xi1>
      tpu.vector_store_idx %arg7[%select_n3A_277], %broadcast_in_dim3A_26 masked %and3A_281 {add = true} : memref<65536xi32, #tpu.memory_space<vmem>>[vector<16xi32>], vector<16xi32>, vector<16xi1>
      %mul3A_282 = arith.constant 256 : i32
      %mul3A_283 = arith.muli %while3A_39, %mul3A_282 : i32
      %add3A_284 = arith.constant 144 : i32
      %add3A_285 = arith.addi %mul3A_283, %add3A_284 : i32
      %get3A_286 = arith.index_cast %add3A_285 : i32 to index
      %get3A_287 = tpu.vector_load %arg5[%get3A_286] {strides = array<i32>} : memref<16384xi32, #tpu.memory_space<vmem>>, vector<16xi32>,
      %sub3A_288 = vector.broadcast %mul3A_22 : i32 to vector<16xi32>
      %sub3A_289 = arith.subi %get3A_287, %sub3A_288 : vector<16xi32>
      %bitcast3A_290 = vector.bitcast %sub3A_289 : vector<16xi32> to vector<16xi32>
      %lt3A_291 = arith.constant 131072 : i32
      %lt3A_292 = vector.broadcast %lt3A_291 : i32 to vector<16xi32>
      %lt3A_293 = arith.cmpi ult, %bitcast3A_290, %lt3A_292 : vector<16xi32>
      %and3A_294 = arith.constant 1 : i32
      %and3A_295 = vector.broadcast %and3A_294 : i32 to vector<16xi32>
      %and3A_296 = arith.andi %sub3A_289, %and3A_295 : vector<16xi32>
      %eq3A_297 = arith.constant 1 : i32
      %eq3A_298 = vector.broadcast %eq3A_297 : i32 to vector<16xi32>
      %eq3A_299 = arith.cmpi eq, %and3A_296, %eq3A_298 : vector<16xi32>
      %shift_right_arithmetic3A_300 = arith.constant 1 : i32
      %shift_right_arithmetic3A_301 = vector.broadcast %shift_right_arithmetic3A_300 : i32 to vector<16xi32>
      %shift_right_arithmetic3A_302 = arith.shrsi %sub3A_289, %shift_right_arithmetic3A_301 : vector<16xi32>
      %jit3A_303 = arith.constant 0 : i32
      %broadcast_in_dim3A_304 = vector.broadcast %jit3A_303 : i32 to vector<16xi32>
      %select_n3A_305 = arith.select %lt3A_293, %shift_right_arithmetic3A_302, %broadcast_in_dim3A_304 : vector<16xi1>, vector<16xi32>
      %not3A_306 = arith.constant dense<true> : vector<16xi1>
      %not3A_307 = arith.xori %eq3A_299, %not3A_306 : vector<16xi1>
      %and3A_308 = arith.andi %lt3A_293, %not3A_307 : vector<16xi1>
      %and3A_309 = arith.andi %lt3A_293, %eq3A_299 : vector<16xi1>
      tpu.vector_store_idx %arg7[%select_n3A_305], %broadcast_in_dim3A_24 masked %and3A_308 {add = true} : memref<65536xi32, #tpu.memory_space<vmem>>[vector<16xi32>], vector<16xi32>, vector<16xi1>
      tpu.vector_store_idx %arg7[%select_n3A_305], %broadcast_in_dim3A_26 masked %and3A_309 {add = true} : memref<65536xi32, #tpu.memory_space<vmem>>[vector<16xi32>], vector<16xi32>, vector<16xi1>
      %mul3A_310 = arith.constant 256 : i32
      %mul3A_311 = arith.muli %while3A_39, %mul3A_310 : i32
      %add3A_312 = arith.constant 160 : i32
      %add3A_313 = arith.addi %mul3A_311, %add3A_312 : i32
      %get3A_314 = arith.index_cast %add3A_313 : i32 to index
      %get3A_315 = tpu.vector_load %arg5[%get3A_314] {strides = array<i32>} : memref<16384xi32, #tpu.memory_space<vmem>>, vector<16xi32>,
      %sub3A_316 = vector.broadcast %mul3A_22 : i32 to vector<16xi32>
      %sub3A_317 = arith.subi %get3A_315, %sub3A_316 : vector<16xi32>
      %bitcast3A_318 = vector.bitcast %sub3A_317 : vector<16xi32> to vector<16xi32>
      %lt3A_319 = arith.constant 131072 : i32
      %lt3A_320 = vector.broadcast %lt3A_319 : i32 to vector<16xi32>
      %lt3A_321 = arith.cmpi ult, %bitcast3A_318, %lt3A_320 : vector<16xi32>
      %and3A_322 = arith.constant 1 : i32
      %and3A_323 = vector.broadcast %and3A_322 : i32 to vector<16xi32>
      %and3A_324 = arith.andi %sub3A_317, %and3A_323 : vector<16xi32>
      %eq3A_325 = arith.constant 1 : i32
      %eq3A_326 = vector.broadcast %eq3A_325 : i32 to vector<16xi32>
      %eq3A_327 = arith.cmpi eq, %and3A_324, %eq3A_326 : vector<16xi32>
      %shift_right_arithmetic3A_328 = arith.constant 1 : i32
      %shift_right_arithmetic3A_329 = vector.broadcast %shift_right_arithmetic3A_328 : i32 to vector<16xi32>
      %shift_right_arithmetic3A_330 = arith.shrsi %sub3A_317, %shift_right_arithmetic3A_329 : vector<16xi32>
      %jit3A_331 = arith.constant 0 : i32
      %broadcast_in_dim3A_332 = vector.broadcast %jit3A_331 : i32 to vector<16xi32>
      %select_n3A_333 = arith.select %lt3A_321, %shift_right_arithmetic3A_330, %broadcast_in_dim3A_332 : vector<16xi1>, vector<16xi32>
      %not3A_334 = arith.constant dense<true> : vector<16xi1>
      %not3A_335 = arith.xori %eq3A_327, %not3A_334 : vector<16xi1>
      %and3A_336 = arith.andi %lt3A_321, %not3A_335 : vector<16xi1>
      %and3A_337 = arith.andi %lt3A_321, %eq3A_327 : vector<16xi1>
      tpu.vector_store_idx %arg7[%select_n3A_333], %broadcast_in_dim3A_24 masked %and3A_336 {add = true} : memref<65536xi32, #tpu.memory_space<vmem>>[vector<16xi32>], vector<16xi32>, vector<16xi1>
      tpu.vector_store_idx %arg7[%select_n3A_333], %broadcast_in_dim3A_26 masked %and3A_337 {add = true} : memref<65536xi32, #tpu.memory_space<vmem>>[vector<16xi32>], vector<16xi32>, vector<16xi1>
      %mul3A_338 = arith.constant 256 : i32
      %mul3A_339 = arith.muli %while3A_39, %mul3A_338 : i32
      %add3A_340 = arith.constant 176 : i32
      %add3A_341 = arith.addi %mul3A_339, %add3A_340 : i32
      %get3A_342 = arith.index_cast %add3A_341 : i32 to index
      %get3A_343 = tpu.vector_load %arg5[%get3A_342] {strides = array<i32>} : memref<16384xi32, #tpu.memory_space<vmem>>, vector<16xi32>,
      %sub3A_344 = vector.broadcast %mul3A_22 : i32 to vector<16xi32>
      %sub3A_345 = arith.subi %get3A_343, %sub3A_344 : vector<16xi32>
      %bitcast3A_346 = vector.bitcast %sub3A_345 : vector<16xi32> to vector<16xi32>
      %lt3A_347 = arith.constant 131072 : i32
      %lt3A_348 = vector.broadcast %lt3A_347 : i32 to vector<16xi32>
      %lt3A_349 = arith.cmpi ult, %bitcast3A_346, %lt3A_348 : vector<16xi32>
      %and3A_350 = arith.constant 1 : i32
      %and3A_351 = vector.broadcast %and3A_350 : i32 to vector<16xi32>
      %and3A_352 = arith.andi %sub3A_345, %and3A_351 : vector<16xi32>
      %eq3A_353 = arith.constant 1 : i32
      %eq3A_354 = vector.broadcast %eq3A_353 : i32 to vector<16xi32>
      %eq3A_355 = arith.cmpi eq, %and3A_352, %eq3A_354 : vector<16xi32>
      %shift_right_arithmetic3A_356 = arith.constant 1 : i32
      %shift_right_arithmetic3A_357 = vector.broadcast %shift_right_arithmetic3A_356 : i32 to vector<16xi32>
      %shift_right_arithmetic3A_358 = arith.shrsi %sub3A_345, %shift_right_arithmetic3A_357 : vector<16xi32>
      %jit3A_359 = arith.constant 0 : i32
      %broadcast_in_dim3A_360 = vector.broadcast %jit3A_359 : i32 to vector<16xi32>
      %select_n3A_361 = arith.select %lt3A_349, %shift_right_arithmetic3A_358, %broadcast_in_dim3A_360 : vector<16xi1>, vector<16xi32>
      %not3A_362 = arith.constant dense<true> : vector<16xi1>
      %not3A_363 = arith.xori %eq3A_355, %not3A_362 : vector<16xi1>
      %and3A_364 = arith.andi %lt3A_349, %not3A_363 : vector<16xi1>
      %and3A_365 = arith.andi %lt3A_349, %eq3A_355 : vector<16xi1>
      tpu.vector_store_idx %arg7[%select_n3A_361], %broadcast_in_dim3A_24 masked %and3A_364 {add = true} : memref<65536xi32, #tpu.memory_space<vmem>>[vector<16xi32>], vector<16xi32>, vector<16xi1>
      tpu.vector_store_idx %arg7[%select_n3A_361], %broadcast_in_dim3A_26 masked %and3A_365 {add = true} : memref<65536xi32, #tpu.memory_space<vmem>>[vector<16xi32>], vector<16xi32>, vector<16xi1>
      %mul3A_366 = arith.constant 256 : i32
      %mul3A_367 = arith.muli %while3A_39, %mul3A_366 : i32
      %add3A_368 = arith.constant 192 : i32
      %add3A_369 = arith.addi %mul3A_367, %add3A_368 : i32
      %get3A_370 = arith.index_cast %add3A_369 : i32 to index
      %get3A_371 = tpu.vector_load %arg5[%get3A_370] {strides = array<i32>} : memref<16384xi32, #tpu.memory_space<vmem>>, vector<16xi32>,
      %sub3A_372 = vector.broadcast %mul3A_22 : i32 to vector<16xi32>
      %sub3A_373 = arith.subi %get3A_371, %sub3A_372 : vector<16xi32>
      %bitcast3A_374 = vector.bitcast %sub3A_373 : vector<16xi32> to vector<16xi32>
      %lt3A_375 = arith.constant 131072 : i32
      %lt3A_376 = vector.broadcast %lt3A_375 : i32 to vector<16xi32>
      %lt3A_377 = arith.cmpi ult, %bitcast3A_374, %lt3A_376 : vector<16xi32>
      %and3A_378 = arith.constant 1 : i32
      %and3A_379 = vector.broadcast %and3A_378 : i32 to vector<16xi32>
      %and3A_380 = arith.andi %sub3A_373, %and3A_379 : vector<16xi32>
      %eq3A_381 = arith.constant 1 : i32
      %eq3A_382 = vector.broadcast %eq3A_381 : i32 to vector<16xi32>
      %eq3A_383 = arith.cmpi eq, %and3A_380, %eq3A_382 : vector<16xi32>
      %shift_right_arithmetic3A_384 = arith.constant 1 : i32
      %shift_right_arithmetic3A_385 = vector.broadcast %shift_right_arithmetic3A_384 : i32 to vector<16xi32>
      %shift_right_arithmetic3A_386 = arith.shrsi %sub3A_373, %shift_right_arithmetic3A_385 : vector<16xi32>
      %jit3A_387 = arith.constant 0 : i32
      %broadcast_in_dim3A_388 = vector.broadcast %jit3A_387 : i32 to vector<16xi32>
      %select_n3A_389 = arith.select %lt3A_377, %shift_right_arithmetic3A_386, %broadcast_in_dim3A_388 : vector<16xi1>, vector<16xi32>
      %not3A_390 = arith.constant dense<true> : vector<16xi1>
      %not3A_391 = arith.xori %eq3A_383, %not3A_390 : vector<16xi1>
      %and3A_392 = arith.andi %lt3A_377, %not3A_391 : vector<16xi1>
      %and3A_393 = arith.andi %lt3A_377, %eq3A_383 : vector<16xi1>
      tpu.vector_store_idx %arg7[%select_n3A_389], %broadcast_in_dim3A_24 masked %and3A_392 {add = true} : memref<65536xi32, #tpu.memory_space<vmem>>[vector<16xi32>], vector<16xi32>, vector<16xi1>
      tpu.vector_store_idx %arg7[%select_n3A_389], %broadcast_in_dim3A_26 masked %and3A_393 {add = true} : memref<65536xi32, #tpu.memory_space<vmem>>[vector<16xi32>], vector<16xi32>, vector<16xi1>
      %mul3A_394 = arith.constant 256 : i32
      %mul3A_395 = arith.muli %while3A_39, %mul3A_394 : i32
      %add3A_396 = arith.constant 208 : i32
      %add3A_397 = arith.addi %mul3A_395, %add3A_396 : i32
      %get3A_398 = arith.index_cast %add3A_397 : i32 to index
      %get3A_399 = tpu.vector_load %arg5[%get3A_398] {strides = array<i32>} : memref<16384xi32, #tpu.memory_space<vmem>>, vector<16xi32>,
      %sub3A_400 = vector.broadcast %mul3A_22 : i32 to vector<16xi32>
      %sub3A_401 = arith.subi %get3A_399, %sub3A_400 : vector<16xi32>
      %bitcast3A_402 = vector.bitcast %sub3A_401 : vector<16xi32> to vector<16xi32>
      %lt3A_403 = arith.constant 131072 : i32
      %lt3A_404 = vector.broadcast %lt3A_403 : i32 to vector<16xi32>
      %lt3A_405 = arith.cmpi ult, %bitcast3A_402, %lt3A_404 : vector<16xi32>
      %and3A_406 = arith.constant 1 : i32
      %and3A_407 = vector.broadcast %and3A_406 : i32 to vector<16xi32>
      %and3A_408 = arith.andi %sub3A_401, %and3A_407 : vector<16xi32>
      %eq3A_409 = arith.constant 1 : i32
      %eq3A_410 = vector.broadcast %eq3A_409 : i32 to vector<16xi32>
      %eq3A_411 = arith.cmpi eq, %and3A_408, %eq3A_410 : vector<16xi32>
      %shift_right_arithmetic3A_412 = arith.constant 1 : i32
      %shift_right_arithmetic3A_413 = vector.broadcast %shift_right_arithmetic3A_412 : i32 to vector<16xi32>
      %shift_right_arithmetic3A_414 = arith.shrsi %sub3A_401, %shift_right_arithmetic3A_413 : vector<16xi32>
      %jit3A_415 = arith.constant 0 : i32
      %broadcast_in_dim3A_416 = vector.broadcast %jit3A_415 : i32 to vector<16xi32>
      %select_n3A_417 = arith.select %lt3A_405, %shift_right_arithmetic3A_414, %broadcast_in_dim3A_416 : vector<16xi1>, vector<16xi32>
      %not3A_418 = arith.constant dense<true> : vector<16xi1>
      %not3A_419 = arith.xori %eq3A_411, %not3A_418 : vector<16xi1>
      %and3A_420 = arith.andi %lt3A_405, %not3A_419 : vector<16xi1>
      %and3A_421 = arith.andi %lt3A_405, %eq3A_411 : vector<16xi1>
      tpu.vector_store_idx %arg7[%select_n3A_417], %broadcast_in_dim3A_24 masked %and3A_420 {add = true} : memref<65536xi32, #tpu.memory_space<vmem>>[vector<16xi32>], vector<16xi32>, vector<16xi1>
      tpu.vector_store_idx %arg7[%select_n3A_417], %broadcast_in_dim3A_26 masked %and3A_421 {add = true} : memref<65536xi32, #tpu.memory_space<vmem>>[vector<16xi32>], vector<16xi32>, vector<16xi1>
      %mul3A_422 = arith.constant 256 : i32
      %mul3A_423 = arith.muli %while3A_39, %mul3A_422 : i32
      %add3A_424 = arith.constant 224 : i32
      %add3A_425 = arith.addi %mul3A_423, %add3A_424 : i32
      %get3A_426 = arith.index_cast %add3A_425 : i32 to index
      %get3A_427 = tpu.vector_load %arg5[%get3A_426] {strides = array<i32>} : memref<16384xi32, #tpu.memory_space<vmem>>, vector<16xi32>,
      %sub3A_428 = vector.broadcast %mul3A_22 : i32 to vector<16xi32>
      %sub3A_429 = arith.subi %get3A_427, %sub3A_428 : vector<16xi32>
      %bitcast3A_430 = vector.bitcast %sub3A_429 : vector<16xi32> to vector<16xi32>
      %lt3A_431 = arith.constant 131072 : i32
      %lt3A_432 = vector.broadcast %lt3A_431 : i32 to vector<16xi32>
      %lt3A_433 = arith.cmpi ult, %bitcast3A_430, %lt3A_432 : vector<16xi32>
      %and3A_434 = arith.constant 1 : i32
      %and3A_435 = vector.broadcast %and3A_434 : i32 to vector<16xi32>
      %and3A_436 = arith.andi %sub3A_429, %and3A_435 : vector<16xi32>
      %eq3A_437 = arith.constant 1 : i32
      %eq3A_438 = vector.broadcast %eq3A_437 : i32 to vector<16xi32>
      %eq3A_439 = arith.cmpi eq, %and3A_436, %eq3A_438 : vector<16xi32>
      %shift_right_arithmetic3A_440 = arith.constant 1 : i32
      %shift_right_arithmetic3A_441 = vector.broadcast %shift_right_arithmetic3A_440 : i32 to vector<16xi32>
      %shift_right_arithmetic3A_442 = arith.shrsi %sub3A_429, %shift_right_arithmetic3A_441 : vector<16xi32>
      %jit3A_443 = arith.constant 0 : i32
      %broadcast_in_dim3A_444 = vector.broadcast %jit3A_443 : i32 to vector<16xi32>
      %select_n3A_445 = arith.select %lt3A_433, %shift_right_arithmetic3A_442, %broadcast_in_dim3A_444 : vector<16xi1>, vector<16xi32>
      %not3A_446 = arith.constant dense<true> : vector<16xi1>
      %not3A_447 = arith.xori %eq3A_439, %not3A_446 : vector<16xi1>
      %and3A_448 = arith.andi %lt3A_433, %not3A_447 : vector<16xi1>
      %and3A_449 = arith.andi %lt3A_433, %eq3A_439 : vector<16xi1>
      tpu.vector_store_idx %arg7[%select_n3A_445], %broadcast_in_dim3A_24 masked %and3A_448 {add = true} : memref<65536xi32, #tpu.memory_space<vmem>>[vector<16xi32>], vector<16xi32>, vector<16xi1>
      tpu.vector_store_idx %arg7[%select_n3A_445], %broadcast_in_dim3A_26 masked %and3A_449 {add = true} : memref<65536xi32, #tpu.memory_space<vmem>>[vector<16xi32>], vector<16xi32>, vector<16xi1>
      %mul3A_450 = arith.constant 256 : i32
      %mul3A_451 = arith.muli %while3A_39, %mul3A_450 : i32
      %add3A_452 = arith.constant 240 : i32
      %add3A_453 = arith.addi %mul3A_451, %add3A_452 : i32
      %get3A_454 = arith.index_cast %add3A_453 : i32 to index
      %get3A_455 = tpu.vector_load %arg5[%get3A_454] {strides = array<i32>} : memref<16384xi32, #tpu.memory_space<vmem>>, vector<16xi32>,
      %sub3A_456 = vector.broadcast %mul3A_22 : i32 to vector<16xi32>
      %sub3A_457 = arith.subi %get3A_455, %sub3A_456 : vector<16xi32>
      %bitcast3A_458 = vector.bitcast %sub3A_457 : vector<16xi32> to vector<16xi32>
      %lt3A_459 = arith.constant 131072 : i32
      %lt3A_460 = vector.broadcast %lt3A_459 : i32 to vector<16xi32>
      %lt3A_461 = arith.cmpi ult, %bitcast3A_458, %lt3A_460 : vector<16xi32>
      %and3A_462 = arith.constant 1 : i32
      %and3A_463 = vector.broadcast %and3A_462 : i32 to vector<16xi32>
      %and3A_464 = arith.andi %sub3A_457, %and3A_463 : vector<16xi32>
      %eq3A_465 = arith.constant 1 : i32
      %eq3A_466 = vector.broadcast %eq3A_465 : i32 to vector<16xi32>
      %eq3A_467 = arith.cmpi eq, %and3A_464, %eq3A_466 : vector<16xi32>
      %shift_right_arithmetic3A_468 = arith.constant 1 : i32
      %shift_right_arithmetic3A_469 = vector.broadcast %shift_right_arithmetic3A_468 : i32 to vector<16xi32>
      %shift_right_arithmetic3A_470 = arith.shrsi %sub3A_457, %shift_right_arithmetic3A_469 : vector<16xi32>
      %jit3A_471 = arith.constant 0 : i32
      %broadcast_in_dim3A_472 = vector.broadcast %jit3A_471 : i32 to vector<16xi32>
      %select_n3A_473 = arith.select %lt3A_461, %shift_right_arithmetic3A_470, %broadcast_in_dim3A_472 : vector<16xi1>, vector<16xi32>
      %not3A_474 = arith.constant dense<true> : vector<16xi1>
      %not3A_475 = arith.xori %eq3A_467, %not3A_474 : vector<16xi1>
      %and3A_476 = arith.andi %lt3A_461, %not3A_475 : vector<16xi1>
      %and3A_477 = arith.andi %lt3A_461, %eq3A_467 : vector<16xi1>
      tpu.vector_store_idx %arg7[%select_n3A_473], %broadcast_in_dim3A_24 masked %and3A_476 {add = true} : memref<65536xi32, #tpu.memory_space<vmem>>[vector<16xi32>], vector<16xi32>, vector<16xi1>
      tpu.vector_store_idx %arg7[%select_n3A_473], %broadcast_in_dim3A_26 masked %and3A_477 {add = true} : memref<65536xi32, #tpu.memory_space<vmem>>[vector<16xi32>], vector<16xi32>, vector<16xi1>
    }
    %mul3A_37 = arith.constant 65536 : i32
    %mul3A_38 = arith.muli %add3A, %mul3A_37 : i32
    "tpu.region"() ({
      %run_scoped3A = tpu.sem_alloc : memref<!tpu.dma_semaphore, #tpu.memory_space<semaphore_mem>>
      %dma_start3A = tpu.memref_slice %arg4[%mul3A_38] : memref<2097152xi32, #tpu.memory_space<hbm>> -> memref<65536xi32, #tpu.memory_space<hbm>>
      %dma_start3A_39 = tpu.memref_slice %arg4[%mul3A_38] : memref<2097152xi32, #tpu.memory_space<hbm>> -> memref<65536xi32, #tpu.memory_space<hbm>>
      tpu.enqueue_dma source(%arg7 : memref<65536xi32, #tpu.memory_space<vmem>>) target(%dma_start3A_39 : memref<65536xi32, #tpu.memory_space<hbm>>) target_semaphore(%run_scoped3A : memref<!tpu.dma_semaphore, #tpu.memory_space<semaphore_mem>>)
      %dma_wait3A = tpu.memref_slice %arg4[%mul3A_38] : memref<2097152xi32, #tpu.memory_space<hbm>> -> memref<65536xi32, #tpu.memory_space<hbm>>
      %dma_wait3A_40 = tpu.memref_slice %arg4[%mul3A_38] : memref<2097152xi32, #tpu.memory_space<hbm>> -> memref<65536xi32, #tpu.memory_space<hbm>>
      tpu.wait_dma2 semaphore(%run_scoped3A : memref<!tpu.dma_semaphore, #tpu.memory_space<semaphore_mem>>) src(%arg7 : memref<65536xi32, #tpu.memory_space<vmem>>) dst(%dma_wait3A_40 : memref<65536xi32, #tpu.memory_space<hbm>>)
      tpu.yield
    }) : () -> ()
    return
  }
}

module attributes {stable_mosaic.version = 14 : i64} {
  func.func @_main_body(%arg0: i32, %arg1: memref<2048x1024xi32, #tpu.memory_space<vmem>>, %arg2: memref<2x2048x128xf32, #tpu.memory_space<vmem>>, %arg3: memref<2x512x3x4x128xf32, #tpu.memory_space<vmem>>, %arg4: memref<2048x2048xbf16, #tpu.memory_space<vmem>>, %arg5: memref<2048x1024xbf16, #tpu.memory_space<vmem>>) attributes {dimension_semantics = [#tpu.dimension_semantics<arbitrary>], iteration_bounds = array<i64: 4>, scalar_prefetch = 0 : i64, scratch_operands = 2 : i64, tpu.core_type = #tpu.core_type<tc>, window_params = [{transform_indices = @transform_0, window_bounds = array<i64: 2048, 1024>}, {transform_indices = @transform_1, window_bounds = array<i64: 2, 2048, 128>}, {transform_indices = @transform_2, window_bounds = array<i64: 2, 512, 3, 4, 128>}]} {
    %eq3A = arith.constant 0 : i32
    %eq3A_0 = arith.cmpi eq, %arg0, %eq3A : i32
    %convert_element_type3A = arith.extui %eq3A_0 : i1 to i32
    %cond3A = arith.constant 0 : i32
    %cond3A_1 = arith.cmpi ne, %convert_element_type3A, %cond3A : i32
    scf.if %cond3A_1 {
      %get3A_202 = arith.constant 0 : index
      %get3A_203 = arith.constant 0 : index
      %get3A_204 = vector.load %arg1[%get3A_202, %get3A_203] : memref<2048x1024xi32, #tpu.memory_space<vmem>>, vector<2048x1024xi32>
      %and3A = arith.constant 65535 : i32
      %and3A_205 = vector.broadcast %and3A : i32 to vector<2048x1024xi32>
      %and3A_206 = arith.andi %get3A_204, %and3A_205 : vector<2048x1024xi32>
      %ne3A = arith.constant 0 : i32
      %ne3A_207 = vector.broadcast %ne3A : i32 to vector<2048x1024xi32>
      %ne3A_208 = arith.cmpi ne, %and3A_206, %ne3A_207 : vector<2048x1024xi32>
      %convert_element_type3A_209 = arith.extui %ne3A_208 : vector<2048x1024xi1> to vector<2048x1024xi32>
      %convert_element_type3A_210 = arith.sitofp %convert_element_type3A_209 : vector<2048x1024xi32> to vector<2048x1024xf32>
      %convert_element_type3A_211 = arith.truncf %convert_element_type3A_210 : vector<2048x1024xf32> to vector<2048x1024xbf16>
      %swap3A_212 = arith.constant 0 : index
      %swap3A_213 = arith.constant 0 : index
      %swap3A_214 = vector.load %arg4[%swap3A_212, %swap3A_213] : memref<2048x2048xbf16, #tpu.memory_space<vmem>>, vector<2048x1024xbf16>
      tpu.vector_store %arg4[%swap3A_212, %swap3A_213], %convert_element_type3A_211 {strides = array<i32>} : memref<2048x2048xbf16, #tpu.memory_space<vmem>>, vector<2048x1024xbf16>,
      %shift_right_arithmetic3A = arith.constant 16 : i32
      %shift_right_arithmetic3A_215 = vector.broadcast %shift_right_arithmetic3A : i32 to vector<2048x1024xi32>
      %shift_right_arithmetic3A_216 = arith.shrsi %get3A_204, %shift_right_arithmetic3A_215 : vector<2048x1024xi32>
      %ne3A_217 = arith.constant 0 : i32
      %ne3A_218 = vector.broadcast %ne3A_217 : i32 to vector<2048x1024xi32>
      %ne3A_219 = arith.cmpi ne, %shift_right_arithmetic3A_216, %ne3A_218 : vector<2048x1024xi32>
      %convert_element_type3A_220 = arith.extui %ne3A_219 : vector<2048x1024xi1> to vector<2048x1024xi32>
      %convert_element_type3A_221 = arith.sitofp %convert_element_type3A_220 : vector<2048x1024xi32> to vector<2048x1024xf32>
      %convert_element_type3A_222 = arith.truncf %convert_element_type3A_221 : vector<2048x1024xf32> to vector<2048x1024xbf16>
      %swap3A_223 = arith.constant 0 : index
      %swap3A_224 = arith.constant 1024 : index
      %swap3A_225 = vector.load %arg4[%swap3A_223, %swap3A_224] : memref<2048x2048xbf16, #tpu.memory_space<vmem>>, vector<2048x1024xbf16>
      tpu.vector_store %arg4[%swap3A_223, %swap3A_224], %convert_element_type3A_222 {strides = array<i32>} : memref<2048x2048xbf16, #tpu.memory_space<vmem>>, vector<2048x1024xbf16>,
      %get3A_226 = arith.constant 0 : index
      %get3A_227 = arith.constant 0 : index
      %get3A_228 = arith.constant 0 : index
      %get3A_229 = vector.load %arg2[%get3A_226, %get3A_227, %get3A_228] : memref<2x2048x128xf32, #tpu.memory_space<vmem>>, vector<2x2048x128xf32>
      %abs3A = math.absf %get3A_229 : vector<2x2048x128xf32>
      %slice3A_230 = vector.extract_strided_slice %abs3A {offsets = [0, 0, 0], sizes = [1, 2048, 128], strides = [1, 1, 1]} : vector<2x2048x128xf32> to vector<1x2048x128xf32>
      %squeeze3A = vector.shape_cast %slice3A_230 : vector<1x2048x128xf32> to vector<2048x128xf32>
      %convert_element_type3A_231 = arith.truncf %squeeze3A : vector<2048x128xf32> to vector<2048x128xbf16>
      %swap3A_232 = arith.constant 0 : index
      %swap3A_233 = arith.constant 0 : index
      %swap3A_234 = vector.load %arg5[%swap3A_232, %swap3A_233] : memref<2048x1024xbf16, #tpu.memory_space<vmem>>, vector<2048x128xbf16>
      tpu.vector_store %arg5[%swap3A_232, %swap3A_233], %convert_element_type3A_231 {strides = array<i32>} : memref<2048x1024xbf16, #tpu.memory_space<vmem>>, vector<2048x128xbf16>,
      %slice3A_235 = vector.extract_strided_slice %abs3A {offsets = [0, 0, 0], sizes = [1, 2048, 128], strides = [1, 1, 1]} : vector<2x2048x128xf32> to vector<1x2048x128xf32>
      %squeeze3A_236 = vector.shape_cast %slice3A_235 : vector<1x2048x128xf32> to vector<2048x128xf32>
      %mul3A_237 = arith.mulf %squeeze3A, %squeeze3A_236 : vector<2048x128xf32>
      %convert_element_type3A_238 = arith.truncf %mul3A_237 : vector<2048x128xf32> to vector<2048x128xbf16>
      %swap3A_239 = arith.constant 0 : index
      %swap3A_240 = arith.constant 128 : index
      %swap3A_241 = vector.load %arg5[%swap3A_239, %swap3A_240] : memref<2048x1024xbf16, #tpu.memory_space<vmem>>, vector<2048x128xbf16>
      tpu.vector_store %arg5[%swap3A_239, %swap3A_240], %convert_element_type3A_238 {strides = array<i32>} : memref<2048x1024xbf16, #tpu.memory_space<vmem>>, vector<2048x128xbf16>,
      %slice3A_242 = vector.extract_strided_slice %abs3A {offsets = [0, 0, 0], sizes = [1, 2048, 128], strides = [1, 1, 1]} : vector<2x2048x128xf32> to vector<1x2048x128xf32>
      %squeeze3A_243 = vector.shape_cast %slice3A_242 : vector<1x2048x128xf32> to vector<2048x128xf32>
      %mul3A_244 = arith.mulf %mul3A_237, %squeeze3A_243 : vector<2048x128xf32>
      %convert_element_type3A_245 = arith.truncf %mul3A_244 : vector<2048x128xf32> to vector<2048x128xbf16>
      %swap3A_246 = arith.constant 0 : index
      %swap3A_247 = arith.constant 256 : index
      %swap3A_248 = vector.load %arg5[%swap3A_246, %swap3A_247] : memref<2048x1024xbf16, #tpu.memory_space<vmem>>, vector<2048x128xbf16>
      tpu.vector_store %arg5[%swap3A_246, %swap3A_247], %convert_element_type3A_245 {strides = array<i32>} : memref<2048x1024xbf16, #tpu.memory_space<vmem>>, vector<2048x128xbf16>,
      %slice3A_249 = vector.extract_strided_slice %abs3A {offsets = [0, 0, 0], sizes = [1, 2048, 128], strides = [1, 1, 1]} : vector<2x2048x128xf32> to vector<1x2048x128xf32>
      %squeeze3A_250 = vector.shape_cast %slice3A_249 : vector<1x2048x128xf32> to vector<2048x128xf32>
      %mul3A_251 = arith.mulf %mul3A_244, %squeeze3A_250 : vector<2048x128xf32>
      %convert_element_type3A_252 = arith.truncf %mul3A_251 : vector<2048x128xf32> to vector<2048x128xbf16>
      %swap3A_253 = arith.constant 0 : index
      %swap3A_254 = arith.constant 384 : index
      %swap3A_255 = vector.load %arg5[%swap3A_253, %swap3A_254] : memref<2048x1024xbf16, #tpu.memory_space<vmem>>, vector<2048x128xbf16>
      tpu.vector_store %arg5[%swap3A_253, %swap3A_254], %convert_element_type3A_252 {strides = array<i32>} : memref<2048x1024xbf16, #tpu.memory_space<vmem>>, vector<2048x128xbf16>,
      %slice3A_256 = vector.extract_strided_slice %abs3A {offsets = [1, 0, 0], sizes = [1, 2048, 128], strides = [1, 1, 1]} : vector<2x2048x128xf32> to vector<1x2048x128xf32>
      %squeeze3A_257 = vector.shape_cast %slice3A_256 : vector<1x2048x128xf32> to vector<2048x128xf32>
      %convert_element_type3A_258 = arith.truncf %squeeze3A_257 : vector<2048x128xf32> to vector<2048x128xbf16>
      %swap3A_259 = arith.constant 0 : index
      %swap3A_260 = arith.constant 512 : index
      %swap3A_261 = vector.load %arg5[%swap3A_259, %swap3A_260] : memref<2048x1024xbf16, #tpu.memory_space<vmem>>, vector<2048x128xbf16>
      tpu.vector_store %arg5[%swap3A_259, %swap3A_260], %convert_element_type3A_258 {strides = array<i32>} : memref<2048x1024xbf16, #tpu.memory_space<vmem>>, vector<2048x128xbf16>,
      %slice3A_262 = vector.extract_strided_slice %abs3A {offsets = [1, 0, 0], sizes = [1, 2048, 128], strides = [1, 1, 1]} : vector<2x2048x128xf32> to vector<1x2048x128xf32>
      %squeeze3A_263 = vector.shape_cast %slice3A_262 : vector<1x2048x128xf32> to vector<2048x128xf32>
      %mul3A_264 = arith.mulf %squeeze3A_257, %squeeze3A_263 : vector<2048x128xf32>
      %convert_element_type3A_265 = arith.truncf %mul3A_264 : vector<2048x128xf32> to vector<2048x128xbf16>
      %swap3A_266 = arith.constant 0 : index
      %swap3A_267 = arith.constant 640 : index
      %swap3A_268 = vector.load %arg5[%swap3A_266, %swap3A_267] : memref<2048x1024xbf16, #tpu.memory_space<vmem>>, vector<2048x128xbf16>
      tpu.vector_store %arg5[%swap3A_266, %swap3A_267], %convert_element_type3A_265 {strides = array<i32>} : memref<2048x1024xbf16, #tpu.memory_space<vmem>>, vector<2048x128xbf16>,
      %slice3A_269 = vector.extract_strided_slice %abs3A {offsets = [1, 0, 0], sizes = [1, 2048, 128], strides = [1, 1, 1]} : vector<2x2048x128xf32> to vector<1x2048x128xf32>
      %squeeze3A_270 = vector.shape_cast %slice3A_269 : vector<1x2048x128xf32> to vector<2048x128xf32>
      %mul3A_271 = arith.mulf %mul3A_264, %squeeze3A_270 : vector<2048x128xf32>
      %convert_element_type3A_272 = arith.truncf %mul3A_271 : vector<2048x128xf32> to vector<2048x128xbf16>
      %swap3A_273 = arith.constant 0 : index
      %swap3A_274 = arith.constant 768 : index
      %swap3A_275 = vector.load %arg5[%swap3A_273, %swap3A_274] : memref<2048x1024xbf16, #tpu.memory_space<vmem>>, vector<2048x128xbf16>
      tpu.vector_store %arg5[%swap3A_273, %swap3A_274], %convert_element_type3A_272 {strides = array<i32>} : memref<2048x1024xbf16, #tpu.memory_space<vmem>>, vector<2048x128xbf16>,
      %slice3A_276 = vector.extract_strided_slice %abs3A {offsets = [1, 0, 0], sizes = [1, 2048, 128], strides = [1, 1, 1]} : vector<2x2048x128xf32> to vector<1x2048x128xf32>
      %squeeze3A_277 = vector.shape_cast %slice3A_276 : vector<1x2048x128xf32> to vector<2048x128xf32>
      %mul3A_278 = arith.mulf %mul3A_271, %squeeze3A_277 : vector<2048x128xf32>
      %convert_element_type3A_279 = arith.truncf %mul3A_278 : vector<2048x128xf32> to vector<2048x128xbf16>
      %swap3A_280 = arith.constant 0 : index
      %swap3A_281 = arith.constant 896 : index
      %swap3A_282 = vector.load %arg5[%swap3A_280, %swap3A_281] : memref<2048x1024xbf16, #tpu.memory_space<vmem>>, vector<2048x128xbf16>
      tpu.vector_store %arg5[%swap3A_280, %swap3A_281], %convert_element_type3A_279 {strides = array<i32>} : memref<2048x1024xbf16, #tpu.memory_space<vmem>>, vector<2048x128xbf16>,
    } else {
    }
    %mul3A = arith.constant 512 : i32
    %mul3A_2 = arith.muli %arg0, %mul3A : i32
    %get3A = arith.constant 0 : index
    %get3A_3 = arith.constant 0 : index
    %get3A_4 = vector.load %arg4[%get3A, %get3A_3] : memref<2048x2048xbf16, #tpu.memory_space<vmem>>, vector<2048x2048xbf16>
    %get3A_5 = arith.constant 0 : index
    %get3A_6 = arith.constant 0 : index
    %get3A_7 = vector.load %arg5[%get3A_5, %get3A_6] : memref<2048x1024xbf16, #tpu.memory_space<vmem>>, vector<2048x1024xbf16>
    %add3A = arith.constant 0 : i32
    %add3A_8 = arith.addi %mul3A_2, %add3A : i32
    %iota3A = tpu.iota {dimensions = array<i32: 0>} : vector<256x2048xi32>
    %add3A_9 = vector.broadcast %add3A_8 : i32 to vector<256x2048xi32>
    %add3A_10 = arith.addi %iota3A, %add3A_9 : vector<256x2048xi32>
    %iota3A_11 = tpu.iota {dimensions = array<i32: 1>} : vector<256x2048xi32>
    %eq3A_12 = arith.cmpi eq, %add3A_10, %iota3A_11 : vector<256x2048xi32>
    %get3A_13 = arith.index_cast %add3A_8 : i32 to index
    %get3A_14 = arith.constant 0 : index
    %get3A_15 = vector.load %arg4[%get3A_13, %get3A_14] : memref<2048x2048xbf16, #tpu.memory_space<vmem>>, vector<256x2048xbf16>
    %gt3A = arith.constant 0.000000e+00 : bf16
    %gt3A_16 = vector.broadcast %gt3A : bf16 to vector<256x2048xbf16>
    %gt3A_17 = arith.cmpf ogt, %get3A_15, %gt3A_16 : vector<256x2048xbf16>
    %or3A = arith.ori %eq3A_12, %gt3A_17 : vector<256x2048xi1>
    %add3A_18 = arith.constant 256 : i32
    %add3A_19 = arith.addi %mul3A_2, %add3A_18 : i32
    %iota3A_20 = tpu.iota {dimensions = array<i32: 0>} : vector<256x2048xi32>
    %add3A_21 = vector.broadcast %add3A_19 : i32 to vector<256x2048xi32>
    %add3A_22 = arith.addi %iota3A_20, %add3A_21 : vector<256x2048xi32>
    %iota3A_23 = tpu.iota {dimensions = array<i32: 1>} : vector<256x2048xi32>
    %eq3A_24 = arith.cmpi eq, %add3A_22, %iota3A_23 : vector<256x2048xi32>
    %get3A_25 = arith.index_cast %add3A_19 : i32 to index
    %get3A_26 = arith.constant 0 : index
    %get3A_27 = vector.load %arg4[%get3A_25, %get3A_26] : memref<2048x2048xbf16, #tpu.memory_space<vmem>>, vector<256x2048xbf16>
    %gt3A_28 = arith.constant 0.000000e+00 : bf16
    %gt3A_29 = vector.broadcast %gt3A_28 : bf16 to vector<256x2048xbf16>
    %gt3A_30 = arith.cmpf ogt, %get3A_27, %gt3A_29 : vector<256x2048xbf16>
    %or3A_31 = arith.ori %eq3A_24, %gt3A_30 : vector<256x2048xi1>
    %convert_element_type3A_32 = arith.extui %or3A : vector<256x2048xi1> to vector<256x2048xi32>
    %convert_element_type3A_33 = arith.sitofp %convert_element_type3A_32 : vector<256x2048xi32> to vector<256x2048xf32>
    %convert_element_type3A_34 = arith.truncf %convert_element_type3A_33 : vector<256x2048xf32> to vector<256x2048xbf16>
    %dot_general3A = arith.constant dense<0.000000e+00> : vector<256x1024xf32>
    %dot_general3A_35 = tpu.matmul %convert_element_type3A_34, %get3A_7, %dot_general3A {dimension_numbers = #tpu.dot_dimension_numbers<[1], [0], [0], [1], [0, 0, 1, 1], [], []>, transpose_lhs_hint = false} : vector<256x2048xbf16>, vector<2048x1024xbf16>, vector<256x1024xf32> -> vector<256x1024xf32>
    %slice3A = vector.extract_strided_slice %dot_general3A_35 {offsets = [0, 0], sizes = [256, 512], strides = [1, 1]} : vector<256x1024xf32> to vector<256x512xf32>
    %reshape3A = vector.shape_cast %slice3A : vector<256x512xf32> to vector<256x4x128xf32>
    %swap3A = arith.constant 0 : index
    %swap3A_36 = arith.constant 0 : index
    %swap3A_37 = arith.constant 0 : index
    %swap3A_38 = arith.constant 0 : index
    %swap3A_39 = arith.constant 0 : index
    %swap3A_40 = vector.load %arg3[%swap3A, %swap3A_36, %swap3A_37, %swap3A_38, %swap3A_39] : memref<2x512x3x4x128xf32, #tpu.memory_space<vmem>>, vector<1x256x1x4x128xf32>
    %swap3A_41 = vector.shape_cast %swap3A_40 : vector<1x256x1x4x128xf32> to vector<256x4x128xf32>
    %swap3A_42 = vector.shape_cast %reshape3A : vector<256x4x128xf32> to vector<1x256x1x4x128xf32>
    tpu.vector_store %arg3[%swap3A, %swap3A_36, %swap3A_37, %swap3A_38, %swap3A_39], %swap3A_42 {strides = array<i32>} : memref<2x512x3x4x128xf32, #tpu.memory_space<vmem>>, vector<1x256x1x4x128xf32>,
    %slice3A_43 = vector.extract_strided_slice %dot_general3A_35 {offsets = [0, 512], sizes = [256, 512], strides = [1, 1]} : vector<256x1024xf32> to vector<256x512xf32>
    %reshape3A_44 = vector.shape_cast %slice3A_43 : vector<256x512xf32> to vector<256x4x128xf32>
    %swap3A_45 = arith.constant 1 : index
    %swap3A_46 = arith.constant 0 : index
    %swap3A_47 = arith.constant 0 : index
    %swap3A_48 = arith.constant 0 : index
    %swap3A_49 = arith.constant 0 : index
    %swap3A_50 = vector.load %arg3[%swap3A_45, %swap3A_46, %swap3A_47, %swap3A_48, %swap3A_49] : memref<2x512x3x4x128xf32, #tpu.memory_space<vmem>>, vector<1x256x1x4x128xf32>
    %swap3A_51 = vector.shape_cast %swap3A_50 : vector<1x256x1x4x128xf32> to vector<256x4x128xf32>
    %swap3A_52 = vector.shape_cast %reshape3A_44 : vector<256x4x128xf32> to vector<1x256x1x4x128xf32>
    tpu.vector_store %arg3[%swap3A_45, %swap3A_46, %swap3A_47, %swap3A_48, %swap3A_49], %swap3A_52 {strides = array<i32>} : memref<2x512x3x4x128xf32, #tpu.memory_space<vmem>>, vector<1x256x1x4x128xf32>,
    %dot_general3A_53 = arith.constant dense<0.000000e+00> : vector<256x2048xf32>
    %dot_general3A_54 = tpu.matmul %convert_element_type3A_34, %get3A_4, %dot_general3A_53 {dimension_numbers = #tpu.dot_dimension_numbers<[1], [0], [0], [1], [0, 0, 1, 1], [], []>, transpose_lhs_hint = false} : vector<256x2048xbf16>, vector<2048x2048xbf16>, vector<256x2048xf32> -> vector<256x2048xf32>
    %gt3A_55 = arith.constant 0.000000e+00 : f32
    %gt3A_56 = vector.broadcast %gt3A_55 : f32 to vector<256x2048xf32>
    %gt3A_57 = arith.cmpf ogt, %dot_general3A_54, %gt3A_56 : vector<256x2048xf32>
    %or3A_58 = arith.ori %or3A, %gt3A_57 : vector<256x2048xi1>
    %convert_element_type3A_59 = arith.extui %or3A_31 : vector<256x2048xi1> to vector<256x2048xi32>
    %convert_element_type3A_60 = arith.sitofp %convert_element_type3A_59 : vector<256x2048xi32> to vector<256x2048xf32>
    %convert_element_type3A_61 = arith.truncf %convert_element_type3A_60 : vector<256x2048xf32> to vector<256x2048xbf16>
    %dot_general3A_62 = arith.constant dense<0.000000e+00> : vector<256x1024xf32>
    %dot_general3A_63 = tpu.matmul %convert_element_type3A_61, %get3A_7, %dot_general3A_62 {dimension_numbers = #tpu.dot_dimension_numbers<[1], [0], [0], [1], [0, 0, 1, 1], [], []>, transpose_lhs_hint = false} : vector<256x2048xbf16>, vector<2048x1024xbf16>, vector<256x1024xf32> -> vector<256x1024xf32>
    %slice3A_64 = vector.extract_strided_slice %dot_general3A_63 {offsets = [0, 0], sizes = [256, 512], strides = [1, 1]} : vector<256x1024xf32> to vector<256x512xf32>
    %reshape3A_65 = vector.shape_cast %slice3A_64 : vector<256x512xf32> to vector<256x4x128xf32>
    %swap3A_66 = arith.constant 0 : index
    %swap3A_67 = arith.constant 256 : index
    %swap3A_68 = arith.constant 0 : index
    %swap3A_69 = arith.constant 0 : index
    %swap3A_70 = arith.constant 0 : index
    %swap3A_71 = vector.load %arg3[%swap3A_66, %swap3A_67, %swap3A_68, %swap3A_69, %swap3A_70] : memref<2x512x3x4x128xf32, #tpu.memory_space<vmem>>, vector<1x256x1x4x128xf32>
    %swap3A_72 = vector.shape_cast %swap3A_71 : vector<1x256x1x4x128xf32> to vector<256x4x128xf32>
    %swap3A_73 = vector.shape_cast %reshape3A_65 : vector<256x4x128xf32> to vector<1x256x1x4x128xf32>
    tpu.vector_store %arg3[%swap3A_66, %swap3A_67, %swap3A_68, %swap3A_69, %swap3A_70], %swap3A_73 {strides = array<i32>} : memref<2x512x3x4x128xf32, #tpu.memory_space<vmem>>, vector<1x256x1x4x128xf32>,
    %slice3A_74 = vector.extract_strided_slice %dot_general3A_63 {offsets = [0, 512], sizes = [256, 512], strides = [1, 1]} : vector<256x1024xf32> to vector<256x512xf32>
    %reshape3A_75 = vector.shape_cast %slice3A_74 : vector<256x512xf32> to vector<256x4x128xf32>
    %swap3A_76 = arith.constant 1 : index
    %swap3A_77 = arith.constant 256 : index
    %swap3A_78 = arith.constant 0 : index
    %swap3A_79 = arith.constant 0 : index
    %swap3A_80 = arith.constant 0 : index
    %swap3A_81 = vector.load %arg3[%swap3A_76, %swap3A_77, %swap3A_78, %swap3A_79, %swap3A_80] : memref<2x512x3x4x128xf32, #tpu.memory_space<vmem>>, vector<1x256x1x4x128xf32>
    %swap3A_82 = vector.shape_cast %swap3A_81 : vector<1x256x1x4x128xf32> to vector<256x4x128xf32>
    %swap3A_83 = vector.shape_cast %reshape3A_75 : vector<256x4x128xf32> to vector<1x256x1x4x128xf32>
    tpu.vector_store %arg3[%swap3A_76, %swap3A_77, %swap3A_78, %swap3A_79, %swap3A_80], %swap3A_83 {strides = array<i32>} : memref<2x512x3x4x128xf32, #tpu.memory_space<vmem>>, vector<1x256x1x4x128xf32>,
    %dot_general3A_84 = arith.constant dense<0.000000e+00> : vector<256x2048xf32>
    %dot_general3A_85 = tpu.matmul %convert_element_type3A_61, %get3A_4, %dot_general3A_84 {dimension_numbers = #tpu.dot_dimension_numbers<[1], [0], [0], [1], [0, 0, 1, 1], [], []>, transpose_lhs_hint = false} : vector<256x2048xbf16>, vector<2048x2048xbf16>, vector<256x2048xf32> -> vector<256x2048xf32>
    %gt3A_86 = arith.constant 0.000000e+00 : f32
    %gt3A_87 = vector.broadcast %gt3A_86 : f32 to vector<256x2048xf32>
    %gt3A_88 = arith.cmpf ogt, %dot_general3A_85, %gt3A_87 : vector<256x2048xf32>
    %or3A_89 = arith.ori %or3A_31, %gt3A_88 : vector<256x2048xi1>
    %convert_element_type3A_90 = arith.extui %or3A_58 : vector<256x2048xi1> to vector<256x2048xi32>
    %convert_element_type3A_91 = arith.sitofp %convert_element_type3A_90 : vector<256x2048xi32> to vector<256x2048xf32>
    %convert_element_type3A_92 = arith.truncf %convert_element_type3A_91 : vector<256x2048xf32> to vector<256x2048xbf16>
    %dot_general3A_93 = arith.constant dense<0.000000e+00> : vector<256x1024xf32>
    %dot_general3A_94 = tpu.matmul %convert_element_type3A_92, %get3A_7, %dot_general3A_93 {dimension_numbers = #tpu.dot_dimension_numbers<[1], [0], [0], [1], [0, 0, 1, 1], [], []>, transpose_lhs_hint = false} : vector<256x2048xbf16>, vector<2048x1024xbf16>, vector<256x1024xf32> -> vector<256x1024xf32>
    %slice3A_95 = vector.extract_strided_slice %dot_general3A_94 {offsets = [0, 0], sizes = [256, 512], strides = [1, 1]} : vector<256x1024xf32> to vector<256x512xf32>
    %reshape3A_96 = vector.shape_cast %slice3A_95 : vector<256x512xf32> to vector<256x4x128xf32>
    %swap3A_97 = arith.constant 0 : index
    %swap3A_98 = arith.constant 0 : index
    %swap3A_99 = arith.constant 1 : index
    %swap3A_100 = arith.constant 0 : index
    %swap3A_101 = arith.constant 0 : index
    %swap3A_102 = vector.load %arg3[%swap3A_97, %swap3A_98, %swap3A_99, %swap3A_100, %swap3A_101] : memref<2x512x3x4x128xf32, #tpu.memory_space<vmem>>, vector<1x256x1x4x128xf32>
    %swap3A_103 = vector.shape_cast %swap3A_102 : vector<1x256x1x4x128xf32> to vector<256x4x128xf32>
    %swap3A_104 = vector.shape_cast %reshape3A_96 : vector<256x4x128xf32> to vector<1x256x1x4x128xf32>
    tpu.vector_store %arg3[%swap3A_97, %swap3A_98, %swap3A_99, %swap3A_100, %swap3A_101], %swap3A_104 {strides = array<i32>} : memref<2x512x3x4x128xf32, #tpu.memory_space<vmem>>, vector<1x256x1x4x128xf32>,
    %slice3A_105 = vector.extract_strided_slice %dot_general3A_94 {offsets = [0, 512], sizes = [256, 512], strides = [1, 1]} : vector<256x1024xf32> to vector<256x512xf32>
    %reshape3A_106 = vector.shape_cast %slice3A_105 : vector<256x512xf32> to vector<256x4x128xf32>
    %swap3A_107 = arith.constant 1 : index
    %swap3A_108 = arith.constant 0 : index
    %swap3A_109 = arith.constant 1 : index
    %swap3A_110 = arith.constant 0 : index
    %swap3A_111 = arith.constant 0 : index
    %swap3A_112 = vector.load %arg3[%swap3A_107, %swap3A_108, %swap3A_109, %swap3A_110, %swap3A_111] : memref<2x512x3x4x128xf32, #tpu.memory_space<vmem>>, vector<1x256x1x4x128xf32>
    %swap3A_113 = vector.shape_cast %swap3A_112 : vector<1x256x1x4x128xf32> to vector<256x4x128xf32>
    %swap3A_114 = vector.shape_cast %reshape3A_106 : vector<256x4x128xf32> to vector<1x256x1x4x128xf32>
    tpu.vector_store %arg3[%swap3A_107, %swap3A_108, %swap3A_109, %swap3A_110, %swap3A_111], %swap3A_114 {strides = array<i32>} : memref<2x512x3x4x128xf32, #tpu.memory_space<vmem>>, vector<1x256x1x4x128xf32>,
    %dot_general3A_115 = arith.constant dense<0.000000e+00> : vector<256x2048xf32>
    %dot_general3A_116 = tpu.matmul %convert_element_type3A_92, %get3A_4, %dot_general3A_115 {dimension_numbers = #tpu.dot_dimension_numbers<[1], [0], [0], [1], [0, 0, 1, 1], [], []>, transpose_lhs_hint = false} : vector<256x2048xbf16>, vector<2048x2048xbf16>, vector<256x2048xf32> -> vector<256x2048xf32>
    %gt3A_117 = arith.constant 0.000000e+00 : f32
    %gt3A_118 = vector.broadcast %gt3A_117 : f32 to vector<256x2048xf32>
    %gt3A_119 = arith.cmpf ogt, %dot_general3A_116, %gt3A_118 : vector<256x2048xf32>
    %or3A_120 = arith.ori %or3A_58, %gt3A_119 : vector<256x2048xi1>
    %convert_element_type3A_121 = arith.extui %or3A_89 : vector<256x2048xi1> to vector<256x2048xi32>
    %convert_element_type3A_122 = arith.sitofp %convert_element_type3A_121 : vector<256x2048xi32> to vector<256x2048xf32>
    %convert_element_type3A_123 = arith.truncf %convert_element_type3A_122 : vector<256x2048xf32> to vector<256x2048xbf16>
    %dot_general3A_124 = arith.constant dense<0.000000e+00> : vector<256x1024xf32>
    %dot_general3A_125 = tpu.matmul %convert_element_type3A_123, %get3A_7, %dot_general3A_124 {dimension_numbers = #tpu.dot_dimension_numbers<[1], [0], [0], [1], [0, 0, 1, 1], [], []>, transpose_lhs_hint = false} : vector<256x2048xbf16>, vector<2048x1024xbf16>, vector<256x1024xf32> -> vector<256x1024xf32>
    %slice3A_126 = vector.extract_strided_slice %dot_general3A_125 {offsets = [0, 0], sizes = [256, 512], strides = [1, 1]} : vector<256x1024xf32> to vector<256x512xf32>
    %reshape3A_127 = vector.shape_cast %slice3A_126 : vector<256x512xf32> to vector<256x4x128xf32>
    %swap3A_128 = arith.constant 0 : index
    %swap3A_129 = arith.constant 256 : index
    %swap3A_130 = arith.constant 1 : index
    %swap3A_131 = arith.constant 0 : index
    %swap3A_132 = arith.constant 0 : index
    %swap3A_133 = vector.load %arg3[%swap3A_128, %swap3A_129, %swap3A_130, %swap3A_131, %swap3A_132] : memref<2x512x3x4x128xf32, #tpu.memory_space<vmem>>, vector<1x256x1x4x128xf32>
    %swap3A_134 = vector.shape_cast %swap3A_133 : vector<1x256x1x4x128xf32> to vector<256x4x128xf32>
    %swap3A_135 = vector.shape_cast %reshape3A_127 : vector<256x4x128xf32> to vector<1x256x1x4x128xf32>
    tpu.vector_store %arg3[%swap3A_128, %swap3A_129, %swap3A_130, %swap3A_131, %swap3A_132], %swap3A_135 {strides = array<i32>} : memref<2x512x3x4x128xf32, #tpu.memory_space<vmem>>, vector<1x256x1x4x128xf32>,
    %slice3A_136 = vector.extract_strided_slice %dot_general3A_125 {offsets = [0, 512], sizes = [256, 512], strides = [1, 1]} : vector<256x1024xf32> to vector<256x512xf32>
    %reshape3A_137 = vector.shape_cast %slice3A_136 : vector<256x512xf32> to vector<256x4x128xf32>
    %swap3A_138 = arith.constant 1 : index
    %swap3A_139 = arith.constant 256 : index
    %swap3A_140 = arith.constant 1 : index
    %swap3A_141 = arith.constant 0 : index
    %swap3A_142 = arith.constant 0 : index
    %swap3A_143 = vector.load %arg3[%swap3A_138, %swap3A_139, %swap3A_140, %swap3A_141, %swap3A_142] : memref<2x512x3x4x128xf32, #tpu.memory_space<vmem>>, vector<1x256x1x4x128xf32>
    %swap3A_144 = vector.shape_cast %swap3A_143 : vector<1x256x1x4x128xf32> to vector<256x4x128xf32>
    %swap3A_145 = vector.shape_cast %reshape3A_137 : vector<256x4x128xf32> to vector<1x256x1x4x128xf32>
    tpu.vector_store %arg3[%swap3A_138, %swap3A_139, %swap3A_140, %swap3A_141, %swap3A_142], %swap3A_145 {strides = array<i32>} : memref<2x512x3x4x128xf32, #tpu.memory_space<vmem>>, vector<1x256x1x4x128xf32>,
    %dot_general3A_146 = arith.constant dense<0.000000e+00> : vector<256x2048xf32>
    %dot_general3A_147 = tpu.matmul %convert_element_type3A_123, %get3A_4, %dot_general3A_146 {dimension_numbers = #tpu.dot_dimension_numbers<[1], [0], [0], [1], [0, 0, 1, 1], [], []>, transpose_lhs_hint = false} : vector<256x2048xbf16>, vector<2048x2048xbf16>, vector<256x2048xf32> -> vector<256x2048xf32>
    %gt3A_148 = arith.constant 0.000000e+00 : f32
    %gt3A_149 = vector.broadcast %gt3A_148 : f32 to vector<256x2048xf32>
    %gt3A_150 = arith.cmpf ogt, %dot_general3A_147, %gt3A_149 : vector<256x2048xf32>
    %or3A_151 = arith.ori %or3A_89, %gt3A_150 : vector<256x2048xi1>
    %convert_element_type3A_152 = arith.extui %or3A_120 : vector<256x2048xi1> to vector<256x2048xi32>
    %convert_element_type3A_153 = arith.sitofp %convert_element_type3A_152 : vector<256x2048xi32> to vector<256x2048xf32>
    %convert_element_type3A_154 = arith.truncf %convert_element_type3A_153 : vector<256x2048xf32> to vector<256x2048xbf16>
    %dot_general3A_155 = arith.constant dense<0.000000e+00> : vector<256x1024xf32>
    %dot_general3A_156 = tpu.matmul %convert_element_type3A_154, %get3A_7, %dot_general3A_155 {dimension_numbers = #tpu.dot_dimension_numbers<[1], [0], [0], [1], [0, 0, 1, 1], [], []>, transpose_lhs_hint = false} : vector<256x2048xbf16>, vector<2048x1024xbf16>, vector<256x1024xf32> -> vector<256x1024xf32>
    %slice3A_157 = vector.extract_strided_slice %dot_general3A_156 {offsets = [0, 0], sizes = [256, 512], strides = [1, 1]} : vector<256x1024xf32> to vector<256x512xf32>
    %reshape3A_158 = vector.shape_cast %slice3A_157 : vector<256x512xf32> to vector<256x4x128xf32>
    %swap3A_159 = arith.constant 0 : index
    %swap3A_160 = arith.constant 0 : index
    %swap3A_161 = arith.constant 2 : index
    %swap3A_162 = arith.constant 0 : index
    %swap3A_163 = arith.constant 0 : index
    %swap3A_164 = vector.load %arg3[%swap3A_159, %swap3A_160, %swap3A_161, %swap3A_162, %swap3A_163] : memref<2x512x3x4x128xf32, #tpu.memory_space<vmem>>, vector<1x256x1x4x128xf32>
    %swap3A_165 = vector.shape_cast %swap3A_164 : vector<1x256x1x4x128xf32> to vector<256x4x128xf32>
    %swap3A_166 = vector.shape_cast %reshape3A_158 : vector<256x4x128xf32> to vector<1x256x1x4x128xf32>
    tpu.vector_store %arg3[%swap3A_159, %swap3A_160, %swap3A_161, %swap3A_162, %swap3A_163], %swap3A_166 {strides = array<i32>} : memref<2x512x3x4x128xf32, #tpu.memory_space<vmem>>, vector<1x256x1x4x128xf32>,
    %slice3A_167 = vector.extract_strided_slice %dot_general3A_156 {offsets = [0, 512], sizes = [256, 512], strides = [1, 1]} : vector<256x1024xf32> to vector<256x512xf32>
    %reshape3A_168 = vector.shape_cast %slice3A_167 : vector<256x512xf32> to vector<256x4x128xf32>
    %swap3A_169 = arith.constant 1 : index
    %swap3A_170 = arith.constant 0 : index
    %swap3A_171 = arith.constant 2 : index
    %swap3A_172 = arith.constant 0 : index
    %swap3A_173 = arith.constant 0 : index
    %swap3A_174 = vector.load %arg3[%swap3A_169, %swap3A_170, %swap3A_171, %swap3A_172, %swap3A_173] : memref<2x512x3x4x128xf32, #tpu.memory_space<vmem>>, vector<1x256x1x4x128xf32>
    %swap3A_175 = vector.shape_cast %swap3A_174 : vector<1x256x1x4x128xf32> to vector<256x4x128xf32>
    %swap3A_176 = vector.shape_cast %reshape3A_168 : vector<256x4x128xf32> to vector<1x256x1x4x128xf32>
    tpu.vector_store %arg3[%swap3A_169, %swap3A_170, %swap3A_171, %swap3A_172, %swap3A_173], %swap3A_176 {strides = array<i32>} : memref<2x512x3x4x128xf32, #tpu.memory_space<vmem>>, vector<1x256x1x4x128xf32>,
    %convert_element_type3A_177 = arith.extui %or3A_151 : vector<256x2048xi1> to vector<256x2048xi32>
    %convert_element_type3A_178 = arith.sitofp %convert_element_type3A_177 : vector<256x2048xi32> to vector<256x2048xf32>
    %convert_element_type3A_179 = arith.truncf %convert_element_type3A_178 : vector<256x2048xf32> to vector<256x2048xbf16>
    %dot_general3A_180 = arith.constant dense<0.000000e+00> : vector<256x1024xf32>
    %dot_general3A_181 = tpu.matmul %convert_element_type3A_179, %get3A_7, %dot_general3A_180 {dimension_numbers = #tpu.dot_dimension_numbers<[1], [0], [0], [1], [0, 0, 1, 1], [], []>, transpose_lhs_hint = false} : vector<256x2048xbf16>, vector<2048x1024xbf16>, vector<256x1024xf32> -> vector<256x1024xf32>
    %slice3A_182 = vector.extract_strided_slice %dot_general3A_181 {offsets = [0, 0], sizes = [256, 512], strides = [1, 1]} : vector<256x1024xf32> to vector<256x512xf32>
    %reshape3A_183 = vector.shape_cast %slice3A_182 : vector<256x512xf32> to vector<256x4x128xf32>
    %swap3A_184 = arith.constant 0 : index
    %swap3A_185 = arith.constant 256 : index
    %swap3A_186 = arith.constant 2 : index
    %swap3A_187 = arith.constant 0 : index
    %swap3A_188 = arith.constant 0 : index
    %swap3A_189 = vector.load %arg3[%swap3A_184, %swap3A_185, %swap3A_186, %swap3A_187, %swap3A_188] : memref<2x512x3x4x128xf32, #tpu.memory_space<vmem>>, vector<1x256x1x4x128xf32>
    %swap3A_190 = vector.shape_cast %swap3A_189 : vector<1x256x1x4x128xf32> to vector<256x4x128xf32>
    %swap3A_191 = vector.shape_cast %reshape3A_183 : vector<256x4x128xf32> to vector<1x256x1x4x128xf32>
    tpu.vector_store %arg3[%swap3A_184, %swap3A_185, %swap3A_186, %swap3A_187, %swap3A_188], %swap3A_191 {strides = array<i32>} : memref<2x512x3x4x128xf32, #tpu.memory_space<vmem>>, vector<1x256x1x4x128xf32>,
    %slice3A_192 = vector.extract_strided_slice %dot_general3A_181 {offsets = [0, 512], sizes = [256, 512], strides = [1, 1]} : vector<256x1024xf32> to vector<256x512xf32>
    %reshape3A_193 = vector.shape_cast %slice3A_192 : vector<256x512xf32> to vector<256x4x128xf32>
    %swap3A_194 = arith.constant 1 : index
    %swap3A_195 = arith.constant 256 : index
    %swap3A_196 = arith.constant 2 : index
    %swap3A_197 = arith.constant 0 : index
    %swap3A_198 = arith.constant 0 : index
    %swap3A_199 = vector.load %arg3[%swap3A_194, %swap3A_195, %swap3A_196, %swap3A_197, %swap3A_198] : memref<2x512x3x4x128xf32, #tpu.memory_space<vmem>>, vector<1x256x1x4x128xf32>
    %swap3A_200 = vector.shape_cast %swap3A_199 : vector<1x256x1x4x128xf32> to vector<256x4x128xf32>
    %swap3A_201 = vector.shape_cast %reshape3A_193 : vector<256x4x128xf32> to vector<1x256x1x4x128xf32>
    tpu.vector_store %arg3[%swap3A_194, %swap3A_195, %swap3A_196, %swap3A_197, %swap3A_198], %swap3A_201 {strides = array<i32>} : memref<2x512x3x4x128xf32, #tpu.memory_space<vmem>>, vector<1x256x1x4x128xf32>,
    return
  }
  func.func @transform_0(%arg0: i32) -> (i32, i32) {
    %mul3A = arith.constant 0 : i32
    %mul3A_0 = arith.muli %arg0, %mul3A : i32
    %mul3A_1 = arith.constant 0 : i32
    %mul3A_2 = arith.muli %arg0, %mul3A_1 : i32
    %c0_i32 = arith.constant 0 : i32
    return %mul3A_0, %mul3A_2 : i32, i32
  }
  func.func @transform_1(%arg0: i32) -> (i32, i32, i32) {
    %mul3A = arith.constant 0 : i32
    %mul3A_0 = arith.muli %arg0, %mul3A : i32
    %mul3A_1 = arith.constant 0 : i32
    %mul3A_2 = arith.muli %arg0, %mul3A_1 : i32
    %mul3A_3 = arith.constant 0 : i32
    %mul3A_4 = arith.muli %arg0, %mul3A_3 : i32
    %c0_i32 = arith.constant 0 : i32
    return %mul3A_0, %mul3A_2, %mul3A_4 : i32, i32, i32
  }
  func.func @transform_2(%arg0: i32) -> (i32, i32, i32, i32, i32) {
    %mul3A = arith.constant 0 : i32
    %mul3A_0 = arith.muli %arg0, %mul3A : i32
    %mul3A_1 = arith.constant 0 : i32
    %mul3A_2 = arith.muli %arg0, %mul3A_1 : i32
    %mul3A_3 = arith.constant 0 : i32
    %mul3A_4 = arith.muli %arg0, %mul3A_3 : i32
    %mul3A_5 = arith.constant 0 : i32
    %mul3A_6 = arith.muli %arg0, %mul3A_5 : i32
    %c0_i32 = arith.constant 0 : i32
    return %mul3A_0, %arg0, %mul3A_2, %mul3A_4, %mul3A_6 : i32, i32, i32, i32, i32
  }
}

</mosaic_0001>

<sc_bundles>
// kernel: kernel.4.cloned.1.call-start
scs
__scs_entry_jumppad:
0x0: {  	(pc) =	sbr.rel $0x88, $3  }
0x1: {  	(tag) =	ssettag $0x0;
	lr =	simm.s32 $0x1  }
0x2: {  	[smem:$0x3F9F] =	sst lr;
	_ =	strace $0xD0000000  }
0x3: {  	_ = 	snop  }
0x4: {  	_ = 	snop  }
0x5: {  	_ = 	snop  }
0x6: {  	_ = 	snop  }
0x7: {  	_ = 	snop  }
__scs_overlays_trampoline_lowered:
0x8: {  	[smem:$0x3FAE] =	sst s0  }
0x9: {  	[smem:$0x3FAF] =	sst s1  }
0xa: {  	[smem:$0x3FB0] =	sst s2  }
0xb: {  	[smem:$0x3FB1] =	sst s3  }
0xc: {  	[smem:$0x3FB2] =	sst s4  }
0xd: {  	[smem:$0x3FB3] =	sst s5  }
0xe: {  	[smem:$0x3FB4] =	sst s6  }
0xf: {  	[smem:$0x3FB5] =	sst s7  }
0x10: {  	[smem:$0x3FB6] =	sst s8  }
0x11: {  	[smem:$0x3FB7] =	sst s9;
	s0 =	simm.s32 @!p0 $0x0  }
0x12: {  	s1 =	sld [smem:$0x3F9D];
	s0 =	simm.s32 @p0 $0x1  }
0x13: {  	[smem:$0x3FB8] =	sst s0;
	s0 =	simm.s32 @!p1 $0x0  }
0x14: {  	s2 =	sld [smem:$0x3F9C];
	s0 =	simm.s32 @p1 $0x1  }
0x15: {  	[smem:$0x3FB9] =	sst s0;
	s0 =	simm.s32 @!p2 $0x0  }
0x16: {  	s3 =	sld [smem:$0x3FDB];
	s0 =	simm.s32 @p2 $0x1  }
0x17: {  	s4 =	simm.s32 $0x1BF5;
	[smem:$0x3FBB] =	sst s0  }
0x18: {  	s0 =	sld [smem:$0x3F9E];
	_ =	swait.ge [sflag:s4], $0x0  }
0x19: {  	s7 =	sld [smem:$0x3F9F]  }
0x1a: {  	s8 =	sadd.s32 $0xFFFFE003, lr  }
0x1b: {  	s9 =	sadd.s32 $0xFFFFFEF7, lr;
	s5 =	simm.s32 $0xFFFFFFFF;
	p2 =	slt.u32 s8, $0xFFFFF086  }
0x1c: {  	p1 =	slt.u32 s9, $0xF7A;
	s5 =	simm.s32 @!p2 $0x0  }
0x1d: {  	s5 =	simm.s32 @p1 $0x1;
	p0 =	seq.s32 s7, s2  }
0x1e: {  	s7 =	smul.u32 @!p0 $0xF7A, s2;
	p2 =	seq.s32 @!p0 s5, $0x0  }
0x1f: {  	s9 =	smul.u32 $0xF7A, s1;
	s8 =	simm.s32 @!p0 $0x1BF5;
	p2 =	por !p2, p0  }
0x20: {  	[sflag:s8] =	ssyncset.s32 @!p0 $0xFFFFF086;
	s6 =	sadd.s32 @!p0 s3, s7;
	s7 =	simm.s32 @!p0 $0x108  }
0x21: {  	s3 =	sadd.s32 s3, s9;
	s6 =	sadd.s32 @!p0 $0x88, s6;
	s7 =	simm.s32 @p2 $0x1082  }
0x22: {  	[simem:s7], [sflag:s8] =	dma.local @!p0 [hbm:s6], $0xF7A  }
0x23: {  	s9 =	sor.u32 $0xD0000000, s2;
	s6 =	simm.s32 $0x108;
	_ =	swait.ge @!p0 [sflag:s8], $0x0  }
0x24: {  	s3 =	sadd.s32 $0x88, s3;
	s6 =	simm.s32 @!p1 $0x1082;
	[sflag:s4] =	ssyncset.s32 $0xFFFFF086  }
0x25: {  	[simem:s6], [sflag:s4] =	dma.local [hbm:s3], $0xF7A  }
0x26: {  	[smem:$0x3F9F] =	sst s1;
	(tag) =	ssettag s2;
	_ =	strace s9  }
0x27: {  	s1 =	sld [smem:$0x3FAF]  }
0x28: {  	s2 =	sld [smem:$0x3FB0]  }
0x29: {  	s4 =	sld [smem:$0x3FB2]  }
0x2a: {  	p0 =	seq.s32 s5, $0x0;
	s5 =	sld [smem:$0x3FB3]  }
0x2b: {  	s6 =	sld [smem:$0x3FB4]  }
0x2c: {  	s7 =	sld [smem:$0x3FB5]  }
0x2d: {  	s3 =	simm.s32 $0x108;
	s8 =	sld [smem:$0x3FB6]  }
0x2e: {  	s3 =	simm.s32 @!p0 $0x1082;
	s9 =	sld [smem:$0x3FB7]  }
0x2f: {  	lr =	sadd.s32 s0, s3;
	s0 =	sld [smem:$0x3FAE]  }
0x30: {  	s3 =	sld [smem:$0x3FB1]  }
0x31: {  	[smem:$0x3FBA] =	sst s10  }
0x32: {  	s10 =	sld [smem:$0x3FB8];
	_ =	sdelay $0x3  }
0x33: {  	p0 =	seq.s32 s10, $0x1;
	s10 =	sld [smem:$0x3FBA];
	_ =	sdelay $0x3  }
0x34: {  	[smem:$0x3FBA] =	sst s10  }
0x35: {  	s10 =	sld [smem:$0x3FB9];
	_ =	sdelay $0x3  }
0x36: {  	p1 =	seq.s32 s10, $0x1;
	s10 =	sld [smem:$0x3FBA];
	_ =	sdelay $0x3  }
0x37: {  	[smem:$0x3FBA] =	sst s10  }
0x38: {  	s10 =	sld [smem:$0x3FBB]  }
0x39: {  	_ = 	snop;
	(pc) =	sbr.ind lr, $3  }
0x3a: {  	_ = 	snop  }
0x3b: {  	_ = 	snop  }
0x3c: {  	p2 =	seq.s32 s10, $0x1;
	s10 =	sld [smem:$0x3FBA]  }
0x3d: {  	_ =	shalt  }
0x3e: {  	_ =	shalt  }
0x3f: {  	_ =	shalt  }
0x40: {  	_ =	shalt  }
0x41: {  	_ =	shalt  }
0x42: {  	_ =	shalt  }
0x43: {  	_ =	shalt  }
0x44: {  	_ =	shalt  }
0x45: {  	_ =	shalt  }
0x46: {  	_ =	shalt  }
0x47: {  	_ =	shalt  }
0x48: {  	_ =	shalt  }
0x49: {  	_ =	shalt  }
0x4a: {  	_ =	shalt  }
0x4b: {  	_ =	shalt  }
0x4c: {  	_ =	shalt  }
0x4d: {  	_ =	shalt  }
0x4e: {  	_ =	shalt  }
0x4f: {  	_ =	shalt  }
0x50: {  	_ =	shalt  }
0x51: {  	_ =	shalt  }
0x52: {  	_ =	shalt  }
0x53: {  	_ =	shalt  }
0x54: {  	_ =	shalt  }
0x55: {  	_ =	shalt  }
0x56: {  	_ =	shalt  }
0x57: {  	_ =	shalt  }
0x58: {  	_ =	shalt  }
0x59: {  	_ =	shalt  }
0x5a: {  	_ =	shalt  }
0x5b: {  	_ =	shalt  }
0x5c: {  	_ =	shalt  }
0x5d: {  	_ =	shalt  }
0x5e: {  	_ =	shalt  }
0x5f: {  	_ =	shalt  }
0x60: {  	_ =	shalt  }
0x61: {  	_ =	shalt  }
0x62: {  	_ =	shalt  }
0x63: {  	_ =	shalt  }
0x64: {  	_ =	shalt  }
0x65: {  	_ =	shalt  }
0x66: {  	_ =	shalt  }
0x67: {  	_ =	shalt  }
0x68: {  	_ =	shalt  }
0x69: {  	_ =	shalt  }
0x6a: {  	_ =	shalt  }
0x6b: {  	_ =	shalt  }
0x6c: {  	_ =	shalt  }
0x6d: {  	_ =	shalt  }
0x6e: {  	_ =	shalt  }
0x6f: {  	_ =	shalt  }
0x70: {  	_ =	shalt  }
0x71: {  	_ =	shalt  }
0x72: {  	_ =	shalt  }
0x73: {  	_ =	shalt  }
0x74: {  	_ =	shalt  }
0x75: {  	_ =	shalt  }
0x76: {  	_ =	shalt  }
0x77: {  	_ =	shalt  }
0x78: {  	_ =	shalt  }
0x79: {  	_ =	shalt  }
0x7a: {  	_ =	shalt  }
0x7b: {  	_ =	shalt  }
0x7c: {  	_ =	shalt  }
0x7d: {  	_ =	shalt  }
0x7e: {  	_ =	shalt  }
0x7f: {  	_ =	shalt  }
0x80: {  	_ =	shalt  }
0x81: {  	_ =	shalt  }
0x82: {  	_ =	shalt  }
0x83: {  	_ =	shalt  }
0x84: {  	_ =	shalt  }
0x85: {  	_ =	shalt  }
0x86: {  	_ =	shalt  }
0x87: {  	_ =	shalt  }
.Lfunc_end0:
.L_simem_size_0:
called_computation_lowered:
.L_overlay_start_0:
0x88: {  	s2 =	sld [smem:$0x3FD9]  }
0x89: {  	s3 =	sld [smem:$0x3FFE];
	_ =	sdelay $0x1  }
0x8a: {  	s1 =	srdreg.scid  }
0x8b: {  	s0 =	sand.u32 $0x1, s1  }
0x8c: {  	s17 =	sshll.u32 s0, $0xA;
	s2 =	sadd.s32 s3, s2  }
0x8d: {  	s2 =	sadd.s32 s2, s17  }
0x8e: {  	[smem:$0x3FC6] =	sst s2  }
0x8f: {  	_ = 	snop  }
0x90: {  	s2 =	sld [smem:$0x3FD0];
	(tm) =	ssettm $0x1  }
0x91: {  	s18 =	sld [smem:$0x3FFB];
	_ =	sdelay $0x3  }
0x92: {  	_ =	strace s18  }
0x93: {  	s3 =	sld [smem:$0x3FFC];
	_ =	sdelay $0x3  }
0x94: {  	_ =	strace s3  }
0x95: {  	s3 =	sld [smem:$0x3FFD];
	_ =	sdelay $0x3  }
0x96: {  	_ =	strace s3  }
0x97: {  	_ =	strace $0x8FFFFFFF  }
0x98: {  	s19 =	sld [smem:$0x3FDB];
	_ =	sdelay $0x1  }
0x99: {  	s4 =	simm.s32 $_scs_section_size  }
0x9a: {  	s5 =	simm.s32 $_size__tile_overlayer_lowered;
	s6 =	simm.s32 $_tile_overlayer_lowered  }
0x9b: {  	s22 =	simm.s32 $0x1BFF;
	s21 =	sshll.u32 s6, $0x1;
	s3 =	sadd.s32 s4, s19  }
0x9c: {  	s7 =	simm.s32 $0x0;
	s20 =	sshll.u32 s5, $0x1;
	s5 =	sadd.s32 s21, s3  }
0x9d: {  	[timem:s7], [sflag:s22] =	dma.local [hbm:s5], s20  }
0x9e: {  	_ =	swait.ge [sflag:s22], s20  }
0x9f: {  	s4 =	ssub.s32 $0x0, s20;
	[sflag:s22] =	ssyncset.done $0x0  }
0xa0: {  	[sflag:s22] =	ssyncadd.s32 s4;
	_ =	sdelay $0x1  }
0xa1: {  	s23 =	simm.s32 $0x1B8B  }
0xa2: {  	_ =	swait.ge [sflag:s23], $0x1  }
0xa3: {  	[sflag:s23] =	ssyncset.done $0x0  }
0xa4: {  	s25 =	simm.s32 $0x1B8E;
	s24 =	sld [smem:$0x3FFE];
	[sflag:s23] =	ssyncadd.s32 $0xFFFFFFFF  }
0xa5: {  	s26 =	simm.s32 $execute0_lowered;
	[smem:$0x3FD2] =	sst s25  }
0xa6: {  	s5 =	sshll.u32 s26, $0x1;
	_ =	strace $0x80000046;
	[dreg:$0x1] =	wrdreg $0xFFFFFFFF  }
0xa7: {  	s28 =	simm.s32 $_size_execute0_lowered;
	s3 =	sadd.s32 s3, s5;
	[dreg:$0x0] =	wrdreg $0x0  }
0xa8: {  	s5 =	sshll.u32 s28, $0x1;
	[dreg:$0x2] =	wrdreg s3  }
0xa9: {  	[dreg:$0x3] =	wrdreg s5  }
0xaa: {  	[dreg:$0x4] =	wrdreg $0xC0  }
0xab: {  	_ =	task [dreg:s7], $0x5FFFF  }
0xac: {  	[dreg:$0x1] =	wrdreg $0xFFFFFFFF  }
0xad: {  	[dreg:$0x0] =	wrdreg $0x60  }
0xae: {  	[dreg:$0x2] =	wrdreg s24  }
0xaf: {  	[dreg:$0x3] =	wrdreg s2  }
0xb0: {  	[dreg:$0x4] =	wrdreg $0x9  }
0xb1: {  	_ =	task.clear_ibuf [dreg:s7], $0x5FFFF;
	_ =	strace $0x90000046  }
0xb2: {  	s29 =	simm.s32 $0x9;
	_ =	strace $0x80000048  }
0xb3: {  	_ =	swait.ge [sflag:s29], $0x1  }
0xb4: {  	[sflag:s29] =	ssyncadd.s32 $0xFFFFFFFF  }
0xb5: {  	_ =	strace $0x90000048  }
0xb6: {  	_ =	sfence  }
0xb7: {  	s30 =	sld [smem:$0x0];
	_ =	sdelay $0x2  }
0xb8: {  	s31 =	sshll.u32 s1, $0xD;
	s1 =	sshrl.u32 s1, $0x2  }
0xb9: {  	s3 =	sand.u32 $0x4000, s31;
	s1 =	sadd.s32 s1, s30  }
0xba: {  	s0 =	sor.u32 s3, s0;
	s1 =	sshll.u32 s1, $0x11  }
0xbb: {  	s0 =	sor.u32 s1, s0  }
0xbc: {  	s0 =	sadd.s32 $0x8F2B, s0  }
0xbd: {  	[sflag:s0] =	ssyncadd.remote.s32 $0x1  }
0xbe: {  	_ =	sfence.sel $0xFFFF  }
0xbf: {  	[dreg:$0x0] =	wrdreg $0xFFFFFFFF;
	(pc) =	sbr.abs _section_cstart, $3  }
0xc0: {  	[dreg:$0x1] =	wrdreg $0xFFFFFFFF  }
0xc1: {  	_ =	task.clear_ibuf [dreg:s7], $0x2FFFF;
	_ =	strace $0x9FFFFFFF  }
0xc2: {  	(tm) =	ssettm $0x7FFFFFFF  }
0xc3: {  	_ =	shalt  }
tec
execute0_lowered:
.L_overlay_start_1:
0x0: {  	(tag) =	ssettag $0x1  }
0x1: {  	s4 =	rddreg [dreg:$0x0]  }
0x2: {  	s5 =	rddreg [dreg:$0x1]  }
0x3: {  	s0 =	rddreg [dreg:$0x2];
	s2 =	simm.s32 $0x0  }
0x4: {  	s3 =	srdreg.scid;
	s1 =	stileid.u32;
	s10 =	simm.s32 $0x2  }
0x5: {  	s11 =	simm.s32 $0x0;
	[smem:$0x7FF] =	sst s2;
	s6 =	sand.u32 $0x1, s3  }
0x6: {  	s7 =	sshll.u32 s1, $0x1;
	s3 =	sadd.s32 $0xE00, s4;
	s4 =	sadd.s32 $0x600, s4  }
0x7: {  	_ =	strace $0x80000047;
	s8 =	ssub.s32 $0x2, s6;
	s6 =	sor.u32 s6, s7  }
0x8: {  	s31 =	sshrl.u32 s8, $0x1;
	s9 =	sshll.u32 s6, $0xD;
	s6 =	sshll.u32 s6, $0x11  }
0x9: {  	v1 =	vimm.s32 $0x0;
	s7 =	ssub.s32 s8, s31;
	s5 =	sadd.s32 s5, s9;
	s8 =	simm.s32 $0x1  }
0xa: {  	v2 =	vimm.s32 $0x1;
	v3 =	vimm.s32 $0x10000;
	v0 =	vmov s6;
	s9 =	simm.s32 $0x8000;
	s6 =	smax.u32 s7, $0x1;
	s7 =	simm.s32 $0x4000  }
.LBB2_1:
0xb: {  	[tilespmem:s2], [sflag:$0x1] =	stream.linear.gather [hbm4b:s3+s2], $0x4000, $0x38;
	[tilespmem:$0x18000] =	vst v63  }
0xc: {  	_ = 	snop  }
0xd: {  	[tilespmem:s7], [sflag:$0x1] =	stream.linear.gather [hbm4b:s4+s2], $0x4000, $0x38;
	[tilespmem:$0x18000] =	vst v63  }
0xe: {  	_ =	swait.ge [sflag:s8], $0x4000  }
0xf: {  	[sflag:s8] =	ssyncset.done $0x0  }
0x10: {  	[sflag:s8] =	ssyncadd.s32 $0xFFFFC000  }
0x11: {  	_ =	swait.ge [sflag:s8], $0x4000  }
0x12: {  	[sflag:s8] =	ssyncset.done $0x0  }
0x13: {  	s12 =	simm.s32 $0x0;
	[sflag:s8] =	ssyncadd.s32 $0xFFFFC000  }
0x14: {  	v7 =	vld [tilespmem:s12+$0xB0]  }
0x15: {  	v9 =	vld [tilespmem:s12+$0x40A0]  }
0x16: {  	v10 =	vld [tilespmem:s12+$0x4090]  }
0x17: {  	v5 =	vld [tilespmem:s12+$0x4080]  }
0x18: {  	v4 =	vld [tilespmem:s12+$0x4070]  }
0x19: {  	v12 =	vld [tilespmem:s12+$0x90]  }
0x1a: {  	v11 =	vld [tilespmem:s12+$0x4020]  }
0x1b: {  	v14 =	vld [tilespmem:s12+$0x4060]  }
0x1c: {  	v15 =	vld [tilespmem:s12+$0x60]  }
0x1d: {  	v16 =	vld [tilespmem:s12+$0xA0]  }
0x1e: {  	v17 =	vld [tilespmem:s12+$0x4050]  }
0x1f: {  	v18 =	vld [tilespmem:s12+$0x80]  }
0x20: {  	v22 =	vld [tilespmem:s12+$0x4040]  }
0x21: {  	v23 =	vld [tilespmem:s12+$0xC0];
	v24 =	vshra.s32 v10, $0xA;
	v6 =	vshll.u32 v4, $0x1;
	v4 =	vshra.s32 v4, $0xA  }
0x22: {  	v30 =	vld [tilespmem:s12+$0x4010];
	v29 =	vshra.s32 v11, $0xA;
	v20 =	vshll.u32 v5, $0x1;
	v21 =	vshra.s32 v5, $0xA  }
0x23: {  	v5 =	vshll.u32 v14, $0x1;
	v11 =	vshll.u32 v11, $0x1;
	v27 =	vshra.s32 v14, $0xA  }
0x24: {  	v8 =	vld [tilespmem:s12+$0x40B0];
	v28 =	vshll.u32 v9, $0x1;
	v7 =	vshll.u32 v7, $0xB;
	v32 =	vshll.u32 v10, $0x1  }
0x25: {  	v26 =	vld [tilespmem:s12+$0x50];
	v10 =	vshll.u32 v16, $0xB;
	v16 =	vshll.u32 v22, $0x1;
	v35 =	vshll.u32 v12, $0xB  }
0x26: {  	v31 =	vld [tilespmem:s12+$0x40C0];
	v36 =	vshll.u32 v17, $0x1;
	v12 =	vshll.u32 v18, $0xB;
	v18 =	vshll.u32 v23, $0xB  }
0x27: {  	v13 =	vld [tilespmem:s12+$0x20];
	v15 =	vshll.u32 v15, $0xB;
	v38 =	vshra.s32 v30, $0xA;
	v30 =	vshll.u32 v30, $0x1  }
0x28: {  	v19 =	vld [tilespmem:s12+$0x40];
	v20 =	vand.u32 $0x7FE, v20;
	v25 =	vand.u32 $0x7FE, v5;
	v5 =	vshra.s32 v9, $0xA  }
0x29: {  	v34 =	vld [tilespmem:s12+$0x40D0];
	v9 =	vshll.u32 v8, $0x1;
	v33 =	vand.u32 $0x7FE, v11;
	v8 =	vshra.s32 v8, $0xA  }
0x2a: {  	v37 =	vld [tilespmem:s12+$0x10];
	v11 =	vshra.s32 v17, $0xA;
	v17 =	vand.u32 $0x7FE, v16;
	v16 =	vshll.u32 v26, $0xB  }
0x2b: {  	v14 =	vld [tilespmem:s12+$0x4000];
	v26 =	vshra.s32 v31, $0xA;
	v9 =	vand.u32 $0x7FE, v9;
	v25 =	vadd.s32 v27, v25  }
0x2c: {  	v27 =	vand.u32 $0x7FE, v32;
	v32 =	vshll.u32 v31, $0x1;
	v31 =	vand.u32 $0x7FE, v30;
	v30 =	vld [tilespmem:s12+$0x0]  }
0x2d: {  	v19 =	vshll.u32 v19, $0xB;
	v8 =	vadd.s32 v8, v9;
	v9 =	vadd.s32 v21, v20;
	v20 =	vld [tilespmem:s12+$0x70]  }
0x2e: {  	v21 =	vshra.s32 v22, $0xA;
	v22 =	vshll.u32 v13, $0xB;
	v13 =	vand.u32 $0x7FE, v28;
	v28 =	vld [tilespmem:s12+$0xD0]  }
0x2f: {  	v15 =	vadd.s32 v15, v25;
	v25 =	vadd.s32 v24, v27;
	v24 =	vld [tilespmem:s12+$0x40F0];
	v7 =	vadd.s32 v7, v8  }
0x30: {  	v63 =	vshra.s32 v34, $0xA;
	v6 =	vand.u32 $0x7FE, v6;
	v27 =	vshll.u32 v34, $0x1;
	[tilespmem:s12+$0xB0] =	vst v7;
	v7 =	vld [tilespmem:s12+$0x40E0]  }
0x31: {  	v34 =	vadd.s32 v29, v33;
	v29 =	vld [tilespmem:s12+$0xF0];
	v21 =	vadd.s32 v21, v17;
	v35 =	vadd.s32 v35, v25  }
0x32: {  	v8 =	vld [tilespmem:s12+$0xE0];
	v39 =	vand.u32 $0x7FE, v27;
	v27 =	vadd.s32 v38, v31;
	v25 =	vand.u32 $0x7FE, v36  }
0x33: {  	s14 =	simm.s32 $0x400;
	v17 =	vld [tilespmem:s12+$0x4030];
	v31 =	vshll.u32 v37, $0xB;
	v23 =	vshll.u32 v14, $0x1;
	[tilespmem:s12+$0x90] =	vst v35;
	v33 =	vadd.s32 v63, v39  }
.LBB2_2:
0x34: {  	s13 =	sshra.s32 s14, $0x2;
	p0 =	sne.s32 s14, $0xFC00;
	s14 =	sadd.s32 $0x400, s14;
	v22 =	vadd.s32 v22, v34;
	v34 =	vld [tilespmem:s12+$0x30];
	v32 =	vand.u32 $0x7FE, v32;
	v28 =	vshll.u32 v28, $0xB  }
0x35: {  	v35 =	vld [tilespmem:s13+$0xB0];
	[tilespmem:s12+$0x20] =	vst v22;
	v22 =	vadd.s32 v26, v32;
	v26 =	vadd.s32 v28, v33;
	v28 =	vshll.u32 v7, $0x1  }
0x36: {  	v23 =	vand.u32 $0x7FE, v23;
	v14 =	vshra.s32 v14, $0xA;
	v32 =	vld [tilespmem:s13+$0x40B0];
	v33 =	vshra.s32 v24, $0xA  }
0x37: {  	v14 =	vadd.s32 v14, v23;
	v18 =	vadd.s32 v18, v22;
	v36 =	vld [tilespmem:s13+$0x20];
	v30 =	vshll.u32 v30, $0xB  }
0x38: {  	v23 =	vadd.s32 v31, v27;
	v22 =	vld [tilespmem:s13+$0x40A0];
	v14 =	vadd.s32 v30, v14;
	[tilespmem:s12+$0xD0] =	vst v26;
	v26 =	vshll.u32 v29, $0xB  }
0x39: {  	v20 =	vshll.u32 v20, $0xB;
	v4 =	vadd.s32 v4, v6;
	v6 =	vshll.u32 v24, $0x1;
	v27 =	vld [tilespmem:s13+$0x4090];
	[tilespmem:s12+$0x10] =	vst v23  }
0x3a: {  	v11 =	vadd.s32 v11, v25;
	v23 =	vld [tilespmem:s13+$0x4080];
	[tilespmem:s12+$0x0] =	vst v14;
	v14 =	vadd.s32 v19, v21;
	v19 =	vadd.s32 v20, v4  }
0x3b: {  	v9 =	vadd.s32 v12, v9;
	v5 =	vadd.s32 v5, v13;
	v11 =	vadd.s32 v16, v11;
	v4 =	vld [tilespmem:s13+$0x4070];
	[tilespmem:s12+$0x40] =	vst v14  }
0x3c: {  	v13 =	vshll.u32 v17, $0x1;
	v5 =	vadd.s32 v10, v5;
	v6 =	vand.u32 $0x7FE, v6;
	v12 =	vld [tilespmem:s13+$0x90];
	[tilespmem:s12+$0xC0] =	vst v18  }
0x3d: {  	v13 =	vand.u32 $0x7FE, v13;
	v6 =	vadd.s32 v33, v6;
	v14 =	vshra.s32 v17, $0xA;
	v10 =	vld [tilespmem:s13+$0x4020];
	[tilespmem:s12+$0x50] =	vst v11  }
0x3e: {  	v16 =	vshll.u32 v34, $0xB;
	v6 =	vadd.s32 v26, v6;
	v13 =	vadd.s32 v14, v13;
	v11 =	vld [tilespmem:s13+$0x4060];
	[tilespmem:s12+$0x60] =	vst v15  }
0x3f: {  	v7 =	vshra.s32 v7, $0xA;
	v13 =	vadd.s32 v16, v13;
	v15 =	vld [tilespmem:s13+$0x60];
	[tilespmem:s12+$0xA0] =	vst v5;
	v5 =	vand.u32 $0x7FE, v28  }
0x40: {  	v8 =	vshll.u32 v8, $0xB;
	v24 =	vshra.s32 v27, $0xA;
	v16 =	vld [tilespmem:s13+$0xA0];
	v5 =	vadd.s32 v7, v5;
	[tilespmem:s12+$0xF0] =	vst v6  }
0x41: {  	v6 =	vshll.u32 v4, $0x1;
	v4 =	vshra.s32 v4, $0xA;
	v7 =	vld [tilespmem:s13+$0x4050];
	[tilespmem:s12+$0x80] =	vst v9;
	v8 =	vadd.s32 v8, v5  }
0x42: {  	v5 =	vshll.u32 v23, $0x1;
	v9 =	vshra.s32 v23, $0xA;
	v29 =	vshra.s32 v10, $0xA;
	v17 =	vld [tilespmem:s13+$0x80];
	[tilespmem:s12+$0x70] =	vst v19  }
0x43: {  	v6 =	vand.u32 $0x7FE, v6;
	v18 =	vand.u32 $0x7FE, v5;
	v19 =	vld [tilespmem:s13+$0x40];
	v14 =	vshll.u32 v11, $0x1;
	[tilespmem:s12+$0x30] =	vst v13  }
0x44: {  	v10 =	vshll.u32 v10, $0x1;
	v5 =	vshra.s32 v22, $0xA;
	v13 =	vld [tilespmem:s13+$0x4040];
	v20 =	vand.u32 $0x7FE, v14;
	[tilespmem:s12+$0xE0] =	vst v8;
	s12 =	smov.u32 s13  }
0x45: {  	v21 =	vshra.s32 v11, $0xA;
	v11 =	vshll.u32 v32, $0x1;
	v8 =	vshll.u32 v22, $0x1;
	v23 =	vld [tilespmem:s12+$0xC0]  }
0x46: {  	v33 =	vand.u32 $0x7FE, v10;
	v10 =	vand.u32 $0x7FE, v11;
	v22 =	vshra.s32 v32, $0xA;
	v25 =	vld [tilespmem:s12+$0x50]  }
0x47: {  	v26 =	vshll.u32 v27, $0x1;
	v22 =	vadd.s32 v22, v10;
	v11 =	vshra.s32 v7, $0xA;
	v14 =	vld [tilespmem:s12+$0x4000]  }
0x48: {  	v9 =	vadd.s32 v9, v18;
	v10 =	vshll.u32 v16, $0xB;
	v16 =	vshll.u32 v35, $0xB;
	v27 =	vld [tilespmem:s12+$0x4010]  }
0x49: {  	v30 =	vshll.u32 v12, $0xB;
	v16 =	vadd.s32 v16, v22;
	v28 =	vshll.u32 v13, $0x1;
	v31 =	vld [tilespmem:s12+$0x40C0]  }
0x4a: {  	v34 =	vshll.u32 v7, $0x1;
	v12 =	vshll.u32 v17, $0xB;
	v32 =	vshra.s32 v13, $0xA;
	v35 =	vld [tilespmem:s12+$0x40D0]  }
0x4b: {  	v22 =	vshll.u32 v36, $0xB;
	v13 =	vand.u32 $0x7FE, v8;
	v18 =	vshll.u32 v23, $0xB;
	[tilespmem:s12+$0xB0] =	vst v16;
	v7 =	vld [tilespmem:s12+$0x40E0]  }
0x4c: {  	v15 =	vshll.u32 v15, $0xB;
	v17 =	vand.u32 $0x7FE, v28;
	v16 =	vshll.u32 v25, $0xB;
	v8 =	vld [tilespmem:s12+$0xE0]  }
0x4d: {  	v37 =	vand.u32 $0x7FE, v26;
	v25 =	vadd.s32 v21, v20;
	v23 =	vshll.u32 v14, $0x1;
	v36 =	vld [tilespmem:s12+$0x10]  }
0x4e: {  	v19 =	vshll.u32 v19, $0xB;
	v21 =	vadd.s32 v32, v17;
	v38 =	vshra.s32 v27, $0xA;
	v20 =	vld [tilespmem:s12+$0x70]  }
.Ltmp0:
0x4f: {  	v15 =	vadd.s32 v15, v25;
	v27 =	vshll.u32 v27, $0x1;
	v26 =	vshra.s32 v31, $0xA;
	v28 =	vld [tilespmem:s12+$0xD0];
	(pc) =	sbr.rel @p0 .LBB2_2-.Ltmp0, $4  }
0x50: {  	v24 =	vadd.s32 v24, v37;
	v32 =	vshll.u32 v31, $0x1;
	v25 =	vshll.u32 v35, $0x1;
	v17 =	vld [tilespmem:s12+$0x4030]  }
0x51: {  	v27 =	vand.u32 $0x7FE, v27;
	v31 =	vadd.s32 v30, v24;
	v37 =	vand.u32 $0x7FE, v25;
	v24 =	vld [tilespmem:s12+$0x40F0]  }
0x52: {  	v27 =	vadd.s32 v38, v27;
	v35 =	vshra.s32 v35, $0xA;
	v25 =	vand.u32 $0x7FE, v34;
	v30 =	vld [tilespmem:s12+$0x0];
	[tilespmem:s12+$0x90] =	vst v31  }
0x53: {  	s13 =	simm.s32 $0x0;
	v34 =	vadd.s32 v29, v33;
	v33 =	vadd.s32 v35, v37;
	v31 =	vshll.u32 v36, $0xB;
	v29 =	vld [tilespmem:s12+$0xF0]  }
0x54: {  	v22 =	vadd.s32 v22, v34;
	v32 =	vand.u32 $0x7FE, v32  }
0x55: {  	v28 =	vshll.u32 v28, $0xB;
	v23 =	vand.u32 $0x7FE, v23;
	v14 =	vshra.s32 v14, $0xA;
	[tilespmem:s12+$0x60] =	vst v15  }
0x56: {  	v50 =	vadd.s32 v31, v27;
	v52 =	vshll.u32 v7, $0x1;
	v54 =	vadd.s32 v19, v21;
	[tilespmem:s12+$0x20] =	vst v22  }
0x57: {  	v11 =	vadd.s32 v11, v25;
	v56 =	vshll.u32 v20, $0xB;
	v4 =	vadd.s32 v4, v6;
	[tilespmem:s12+$0x10] =	vst v50  }
0x58: {  	v5 =	vadd.s32 v5, v13;
	v9 =	vadd.s32 v12, v9;
	v63 =	vshra.s32 v7, $0xA;
	[tilespmem:s12+$0x40] =	vst v54  }
0x59: {  	v48 =	vadd.s32 v28, v33;
	v14 =	vadd.s32 v14, v23;
	v51 =	vadd.s32 v26, v32;
	[tilespmem:s12+$0x80] =	vst v9  }
0x5a: {  	v47 =	vld [tilespmem:s12+$0x30];
	v11 =	vadd.s32 v16, v11;
	v4 =	vadd.s32 v56, v4;
	v5 =	vadd.s32 v10, v5;
	[tilespmem:s12+$0xD0] =	vst v48  }
0x5b: {  	v59 =	vshll.u32 v17, $0x1;
	v60 =	vshra.s32 v17, $0xA;
	v62 =	vand.u32 $0x7FE, v52;
	[tilespmem:s12+$0x50] =	vst v11  }
0x5c: {  	v53 =	vshra.s32 v24, $0xA;
	v18 =	vadd.s32 v18, v51;
	v57 =	vshll.u32 v24, $0x1;
	[tilespmem:s12+$0xA0] =	vst v5  }
0x5d: {  	v5 =	vand.u32 $0x7FE, v59;
	[tilespmem:s12+$0x70] =	vst v4;
	v49 =	vshll.u32 v30, $0xB;
	v58 =	vand.u32 $0x7FE, v57  }
0x5e: {  	[tilespmem:s12+$0xC0] =	vst v18;
	v14 =	vadd.s32 v49, v14;
	v55 =	vshll.u32 v29, $0xB;
	v6 =	vadd.s32 v53, v58  }
0x5f: {  	v5 =	vadd.s32 v60, v5;
	[tilespmem:s12+$0x0] =	vst v14;
	v6 =	vadd.s32 v55, v6;
	v61 =	vshll.u32 v47, $0xB  }
0x60: {  	v8 =	vshll.u32 v8, $0xB;
	[tilespmem:s12+$0xF0] =	vst v6;
	v5 =	vadd.s32 v61, v5;
	v6 =	vadd.s32 v63, v62  }
0x61: {  	v4 =	vadd.s32 v8, v6;
	[tilespmem:s12+$0x30] =	vst v5  }
0x62: {  	s14 =	simm.s32 $0x400;
	[tilespmem:s12+$0xE0] =	vst v4;
	s12 =	simm.s32 $0x0  }
.LBB2_4:
0x63: {  	p0 =	sne.s32 s14, $0x3FC00;
	[tilespmem:s12+$0x80F0] =	vst v1  }
0x64: {  	[tilespmem:s12+$0x8000] =	vst v1  }
0x65: {  	[tilespmem:s12+$0x8010] =	vst v1  }
0x66: {  	[tilespmem:s12+$0x8020] =	vst v1  }
0x67: {  	[tilespmem:s12+$0x8030] =	vst v1  }
0x68: {  	[tilespmem:s12+$0x8040] =	vst v1  }
0x69: {  	[tilespmem:s12+$0x8050] =	vst v1  }
0x6a: {  	[tilespmem:s12+$0x8060] =	vst v1  }
0x6b: {  	[tilespmem:s12+$0x8070] =	vst v1  }
0x6c: {  	[tilespmem:s12+$0x8080] =	vst v1  }
0x6d: {  	[tilespmem:s12+$0x8090] =	vst v1  }
.Ltmp1:
0x6e: {  	[tilespmem:s12+$0x80A0] =	vst v1;
	(pc) =	sbr.rel @p0 .LBB2_4-.Ltmp1, $4  }
0x6f: {  	[tilespmem:s12+$0x80B0] =	vst v1  }
0x70: {  	[tilespmem:s12+$0x80C0] =	vst v1  }
0x71: {  	[tilespmem:s12+$0x80D0] =	vst v1  }
0x72: {  	[tilespmem:s12+$0x80E0] =	vst v1;
	s12 =	sshra.s32 s14, $0x2;
	s14 =	sadd.s32 $0x400, s14  }
0x73: {  	[tilespmem:s12+$0x80F0] =	vst v1  }
0x74: {  	[tilespmem:s12+$0x8000] =	vst v1  }
0x75: {  	[tilespmem:s12+$0x8010] =	vst v1  }
0x76: {  	[tilespmem:s12+$0x8020] =	vst v1  }
0x77: {  	[tilespmem:s12+$0x8030] =	vst v1  }
0x78: {  	[tilespmem:s12+$0x8040] =	vst v1  }
0x79: {  	[tilespmem:s12+$0x8050] =	vst v1  }
0x7a: {  	[tilespmem:s12+$0x8060] =	vst v1  }
0x7b: {  	[tilespmem:s12+$0x8070] =	vst v1  }
0x7c: {  	[tilespmem:s12+$0x8080] =	vst v1  }
0x7d: {  	[tilespmem:s12+$0x8090] =	vst v1  }
0x7e: {  	[tilespmem:s12+$0x80A0] =	vst v1  }
0x7f: {  	[tilespmem:s12+$0x80B0] =	vst v1  }
0x80: {  	[tilespmem:s12+$0x80C0] =	vst v1  }
0x81: {  	[tilespmem:s12+$0x80D0] =	vst v1  }
0x82: {  	[tilespmem:s12+$0x80E0] =	vst v1  }
.LBB2_6:
0x83: {  	s12 =	sshra.s32 s13, $0x2  }
0x84: {  	v4 =	vld [tilespmem:s12+$0x0];
	_ =	sdelay $0x4  }
0x85: {  	v5 =	vand.u32 $0x1, v4  }
0x86: {  	v4 =	vsub.s32 v4, v0;
	vm0 =	veq.s32 v5, $0x1  }
0x87: {  	vm1 =	vlt.u32 v4, $0x20000;
	vm2 =	vmneg vm0  }
0x88: {  	v4 =	vshra.s32 v4, $0x1;
	vm2 =	vmand vm1, vm2  }
0x89: {  	v4 =	vnsel vm1, $0x0, v4;
	vm0 =	vmand vm1, vm0;
	_ =	sdelay $0x4  }
0x8a: {  	[tilespmem:v4+s9+$0x0] =	vst.idx.add.s32.msk vm2, v2  }
0x8b: {  	[tilespmem:v4+s9+$0x0] =	vst.idx.add.s32.msk vm0, v3  }
0x8c: {  	v4 =	vld [tilespmem:s12+$0x10];
	_ =	sdelay $0x4  }
0x8d: {  	v5 =	vand.u32 $0x1, v4  }
0x8e: {  	v4 =	vsub.s32 v4, v0;
	vm7 =	veq.s32 v5, $0x1  }
0x8f: {  	vm8 =	vlt.u32 v4, $0x20000;
	vm9 =	vmneg vm7  }
0x90: {  	v4 =	vshra.s32 v4, $0x1;
	vm2 =	vmand vm8, vm9  }
0x91: {  	v4 =	vnsel vm8, $0x0, v4;
	vm0 =	vmand vm8, vm7;
	_ =	sdelay $0x4  }
0x92: {  	[tilespmem:v4+s9+$0x0] =	vst.idx.add.s32.msk vm2, v2  }
0x93: {  	[tilespmem:v4+s9+$0x0] =	vst.idx.add.s32.msk vm0, v3  }
0x94: {  	v4 =	vld [tilespmem:s12+$0x20];
	_ =	sdelay $0x4  }
0x95: {  	v5 =	vand.u32 $0x1, v4  }
0x96: {  	v4 =	vsub.s32 v4, v0;
	vm10 =	veq.s32 v5, $0x1  }
0x97: {  	vm11 =	vlt.u32 v4, $0x20000;
	vm12 =	vmneg vm10  }
0x98: {  	v4 =	vshra.s32 v4, $0x1;
	vm2 =	vmand vm11, vm12  }
0x99: {  	v4 =	vnsel vm11, $0x0, v4;
	vm0 =	vmand vm11, vm10;
	_ =	sdelay $0x4  }
0x9a: {  	[tilespmem:v4+s9+$0x0] =	vst.idx.add.s32.msk vm2, v2  }
0x9b: {  	[tilespmem:v4+s9+$0x0] =	vst.idx.add.s32.msk vm0, v3  }
0x9c: {  	v4 =	vld [tilespmem:s12+$0x30];
	_ =	sdelay $0x4  }
0x9d: {  	v5 =	vand.u32 $0x1, v4  }
0x9e: {  	v4 =	vsub.s32 v4, v0;
	vm13 =	veq.s32 v5, $0x1  }
0x9f: {  	vm14 =	vlt.u32 v4, $0x20000;
	vm15 =	vmneg vm13  }
0xa0: {  	v4 =	vshra.s32 v4, $0x1;
	vm2 =	vmand vm14, vm15  }
0xa1: {  	v4 =	vnsel vm14, $0x0, v4;
	vm0 =	vmand vm14, vm13;
	_ =	sdelay $0x4  }
0xa2: {  	[tilespmem:v4+s9+$0x0] =	vst.idx.add.s32.msk vm2, v2  }
0xa3: {  	[tilespmem:v4+s9+$0x0] =	vst.idx.add.s32.msk vm0, v3  }
0xa4: {  	v4 =	vld [tilespmem:s12+$0x40];
	_ =	sdelay $0x4  }
0xa5: {  	v5 =	vand.u32 $0x1, v4  }
0xa6: {  	v4 =	vsub.s32 v4, v0;
	vm4 =	veq.s32 v5, $0x1  }
0xa7: {  	vm5 =	vlt.u32 v4, $0x20000;
	vm6 =	vmneg vm4  }
0xa8: {  	v4 =	vshra.s32 v4, $0x1;
	vm2 =	vmand vm5, vm6  }
0xa9: {  	v4 =	vnsel vm5, $0x0, v4;
	vm0 =	vmand vm5, vm4;
	_ =	sdelay $0x4  }
0xaa: {  	[tilespmem:v4+s9+$0x0] =	vst.idx.add.s32.msk vm2, v2  }
0xab: {  	[tilespmem:v4+s9+$0x0] =	vst.idx.add.s32.msk vm0, v3  }
0xac: {  	v4 =	vld [tilespmem:s12+$0x50];
	_ =	sdelay $0x4  }
0xad: {  	v5 =	vand.u32 $0x1, v4  }
0xae: {  	v4 =	vsub.s32 v4, v0;
	vm7 =	veq.s32 v5, $0x1  }
0xaf: {  	vm8 =	vlt.u32 v4, $0x20000;
	vm9 =	vmneg vm7  }
0xb0: {  	v4 =	vshra.s32 v4, $0x1;
	vm2 =	vmand vm8, vm9  }
0xb1: {  	v4 =	vnsel vm8, $0x0, v4;
	vm0 =	vmand vm8, vm7;
	_ =	sdelay $0x4  }
0xb2: {  	[tilespmem:v4+s9+$0x0] =	vst.idx.add.s32.msk vm2, v2  }
0xb3: {  	[tilespmem:v4+s9+$0x0] =	vst.idx.add.s32.msk vm0, v3  }
0xb4: {  	v4 =	vld [tilespmem:s12+$0x60];
	_ =	sdelay $0x4  }
0xb5: {  	v5 =	vand.u32 $0x1, v4  }
0xb6: {  	v4 =	vsub.s32 v4, v0;
	vm10 =	veq.s32 v5, $0x1  }
0xb7: {  	vm11 =	vlt.u32 v4, $0x20000;
	vm12 =	vmneg vm10  }
0xb8: {  	v4 =	vshra.s32 v4, $0x1;
	vm2 =	vmand vm11, vm12  }
0xb9: {  	v4 =	vnsel vm11, $0x0, v4;
	vm0 =	vmand vm11, vm10;
	_ =	sdelay $0x4  }
0xba: {  	[tilespmem:v4+s9+$0x0] =	vst.idx.add.s32.msk vm2, v2  }
0xbb: {  	[tilespmem:v4+s9+$0x0] =	vst.idx.add.s32.msk vm0, v3  }
0xbc: {  	v4 =	vld [tilespmem:s12+$0x70];
	_ =	sdelay $0x4  }
0xbd: {  	v5 =	vand.u32 $0x1, v4  }
0xbe: {  	v4 =	vsub.s32 v4, v0;
	vm13 =	veq.s32 v5, $0x1  }
0xbf: {  	vm14 =	vlt.u32 v4, $0x20000;
	vm15 =	vmneg vm13  }
0xc0: {  	v4 =	vshra.s32 v4, $0x1;
	vm2 =	vmand vm14, vm15  }
0xc1: {  	v4 =	vnsel vm14, $0x0, v4;
	vm0 =	vmand vm14, vm13;
	_ =	sdelay $0x4  }
0xc2: {  	[tilespmem:v4+s9+$0x0] =	vst.idx.add.s32.msk vm2, v2  }
0xc3: {  	[tilespmem:v4+s9+$0x0] =	vst.idx.add.s32.msk vm0, v3  }
0xc4: {  	v4 =	vld [tilespmem:s12+$0x80];
	_ =	sdelay $0x4  }
0xc5: {  	v5 =	vand.u32 $0x1, v4  }
0xc6: {  	v4 =	vsub.s32 v4, v0;
	vm4 =	veq.s32 v5, $0x1  }
0xc7: {  	vm5 =	vlt.u32 v4, $0x20000;
	vm6 =	vmneg vm4  }
0xc8: {  	v4 =	vshra.s32 v4, $0x1;
	vm2 =	vmand vm5, vm6  }
0xc9: {  	v4 =	vnsel vm5, $0x0, v4;
	vm0 =	vmand vm5, vm4;
	_ =	sdelay $0x4  }
0xca: {  	[tilespmem:v4+s9+$0x0] =	vst.idx.add.s32.msk vm2, v2  }
0xcb: {  	[tilespmem:v4+s9+$0x0] =	vst.idx.add.s32.msk vm0, v3  }
0xcc: {  	v4 =	vld [tilespmem:s12+$0x90];
	_ =	sdelay $0x4  }
0xcd: {  	v5 =	vand.u32 $0x1, v4  }
0xce: {  	v4 =	vsub.s32 v4, v0;
	vm7 =	veq.s32 v5, $0x1  }
0xcf: {  	vm8 =	vlt.u32 v4, $0x20000;
	vm9 =	vmneg vm7  }
0xd0: {  	v4 =	vshra.s32 v4, $0x1;
	vm2 =	vmand vm8, vm9  }
0xd1: {  	v4 =	vnsel vm8, $0x0, v4;
	vm0 =	vmand vm8, vm7;
	_ =	sdelay $0x4  }
0xd2: {  	[tilespmem:v4+s9+$0x0] =	vst.idx.add.s32.msk vm2, v2  }
0xd3: {  	[tilespmem:v4+s9+$0x0] =	vst.idx.add.s32.msk vm0, v3  }
0xd4: {  	v4 =	vld [tilespmem:s12+$0xA0];
	_ =	sdelay $0x4  }
0xd5: {  	v5 =	vand.u32 $0x1, v4  }
0xd6: {  	v4 =	vsub.s32 v4, v0;
	vm10 =	veq.s32 v5, $0x1  }
0xd7: {  	vm11 =	vlt.u32 v4, $0x20000;
	vm12 =	vmneg vm10  }
0xd8: {  	v4 =	vshra.s32 v4, $0x1;
	vm2 =	vmand vm11, vm12  }
0xd9: {  	v4 =	vnsel vm11, $0x0, v4;
	vm0 =	vmand vm11, vm10;
	_ =	sdelay $0x4  }
0xda: {  	[tilespmem:v4+s9+$0x0] =	vst.idx.add.s32.msk vm2, v2  }
0xdb: {  	[tilespmem:v4+s9+$0x0] =	vst.idx.add.s32.msk vm0, v3  }
0xdc: {  	v4 =	vld [tilespmem:s12+$0xB0];
	_ =	sdelay $0x4  }
0xdd: {  	v5 =	vand.u32 $0x1, v4  }
0xde: {  	v4 =	vsub.s32 v4, v0;
	vm13 =	veq.s32 v5, $0x1  }
0xdf: {  	vm14 =	vlt.u32 v4, $0x20000;
	vm15 =	vmneg vm13  }
0xe0: {  	v4 =	vshra.s32 v4, $0x1;
	vm2 =	vmand vm14, vm15  }
0xe1: {  	v4 =	vnsel vm14, $0x0, v4;
	vm0 =	vmand vm14, vm13;
	_ =	sdelay $0x4  }
0xe2: {  	[tilespmem:v4+s9+$0x0] =	vst.idx.add.s32.msk vm2, v2  }
0xe3: {  	[tilespmem:v4+s9+$0x0] =	vst.idx.add.s32.msk vm0, v3  }
0xe4: {  	v4 =	vld [tilespmem:s12+$0xC0];
	_ =	sdelay $0x4  }
0xe5: {  	v5 =	vand.u32 $0x1, v4  }
0xe6: {  	v4 =	vsub.s32 v4, v0;
	vm4 =	veq.s32 v5, $0x1  }
0xe7: {  	vm5 =	vlt.u32 v4, $0x20000;
	vm6 =	vmneg vm4  }
0xe8: {  	v4 =	vshra.s32 v4, $0x1;
	vm2 =	vmand vm5, vm6  }
0xe9: {  	v4 =	vnsel vm5, $0x0, v4;
	vm0 =	vmand vm5, vm4;
	_ =	sdelay $0x4  }
0xea: {  	[tilespmem:v4+s9+$0x0] =	vst.idx.add.s32.msk vm2, v2  }
0xeb: {  	[tilespmem:v4+s9+$0x0] =	vst.idx.add.s32.msk vm0, v3  }
0xec: {  	v4 =	vld [tilespmem:s12+$0xD0];
	_ =	sdelay $0x4  }
0xed: {  	v5 =	vand.u32 $0x1, v4  }
0xee: {  	v4 =	vsub.s32 v4, v0;
	vm7 =	veq.s32 v5, $0x1  }
0xef: {  	vm8 =	vlt.u32 v4, $0x20000;
	vm9 =	vmneg vm7  }
0xf0: {  	v4 =	vshra.s32 v4, $0x1;
	vm2 =	vmand vm8, vm9  }
0xf1: {  	v4 =	vnsel vm8, $0x0, v4;
	vm0 =	vmand vm8, vm7;
	_ =	sdelay $0x4  }
0xf2: {  	[tilespmem:v4+s9+$0x0] =	vst.idx.add.s32.msk vm2, v2  }
0xf3: {  	[tilespmem:v4+s9+$0x0] =	vst.idx.add.s32.msk vm0, v3  }
0xf4: {  	v4 =	vld [tilespmem:s12+$0xE0];
	_ =	sdelay $0x4  }
0xf5: {  	v5 =	vand.u32 $0x1, v4  }
0xf6: {  	v4 =	vsub.s32 v4, v0;
	vm10 =	veq.s32 v5, $0x1  }
0xf7: {  	vm11 =	vlt.u32 v4, $0x20000;
	vm12 =	vmneg vm10  }
0xf8: {  	v4 =	vshra.s32 v4, $0x1;
	vm2 =	vmand vm11, vm12  }
0xf9: {  	v4 =	vnsel vm11, $0x0, v4;
	vm0 =	vmand vm11, vm10;
	_ =	sdelay $0x4  }
0xfa: {  	[tilespmem:v4+s9+$0x0] =	vst.idx.add.s32.msk vm2, v2  }
0xfb: {  	[tilespmem:v4+s9+$0x0] =	vst.idx.add.s32.msk vm0, v3  }
0xfc: {  	v4 =	vld [tilespmem:s12+$0xF0];
	_ =	sdelay $0x4  }
0xfd: {  	v5 =	vand.u32 $0x1, v4  }
0xfe: {  	v4 =	vsub.s32 v4, v0;
	vm13 =	veq.s32 v5, $0x1  }
0xff: {  	vm14 =	vlt.u32 v4, $0x20000;
	vm15 =	vmneg vm13  }
0x100: {  	v4 =	vshra.s32 v4, $0x1;
	vm2 =	vmand vm14, vm15  }
0x101: {  	v4 =	vnsel vm14, $0x0, v4;
	vm0 =	vmand vm14, vm13  }
0x102: {  	p0 =	sne.s32 s13, $0xFC00  }
.Ltmp2:
0x103: {  	_ = 	snop;
	(pc) =	sbr.rel @p0 .LBB2_6-.Ltmp2, $3  }
0x104: {  	_ =	sdelay $0x1  }
0x105: {  	[tilespmem:v4+s9+$0x0] =	vst.idx.add.s32.msk vm2, v2  }
0x106: {  	s13 =	sadd.s32 $0x400, s13;
	[tilespmem:v4+s9+$0x0] =	vst.idx.add.s32.msk vm0, v3  }
0x107: {  	s11 =	sadd.s32 $0x1, s11  }
0x108: {  	p0 =	sne.s32 s11, s6  }
.Ltmp3:
0x109: {  	_ = 	snop;
	(pc) =	sbr.rel @p0 .LBB2_1-.Ltmp3, $4  }
0x10a: {  	[hbm4b:s5+s2] =	stream.linear.scatter [tilespmem:s9], [sflag:$0x2], $0x10000, $0x38;
	[tilespmem:$0x18000] =	vst v63  }
0x10b: {  	_ =	swait.ge [sflag:s10], $0x10000  }
0x10c: {  	[sflag:s10] =	ssyncset.done $0x0  }
0x10d: {  	[sflag:s10] =	ssyncadd.s32 $0xFFFF0000  }
0x10e: {  	_ =	sfence.sel $0x180000  }
0x10f: {  	[bflag:$0x0] =	sbarrier.arrive $0xFFFF  }
0x110: {  	p0 =	sne.s32 s1, $0x0;
	_ =	strace $0x90000047  }
0x111: {  	s0 =	sadd.s32 @!p0 $0x100000, s0;
	[bflag:$0x2] =	sbarrier.arrive $0xFFFF  }
0x112: {  	[sflag:s0] =	ssyncadd.tile.s32 @!p0 $0x1;
	_ =	shalt  }
.Lfunc_end2:
_tile_overlayer_lowered:
.L_overlay_start_2:
0x113: {  	(tag) =	ssettag $0x2  }
0x114: {  	s0 =	rddreg [dreg:$0x0];
	s2 =	stileid.u32  }
0x115: {  	s1 =	rddreg [dreg:$0x1];
	p0 =	sne.s32 s2, $0x0  }
0x116: {  	s3 =	rddreg [dreg:$0x2];
	[bflag:$0x3] =	sbarrier.arrive $0xFFFF;
	s2 =	simm.s32 @!p0 $0x1C02  }
0x117: {  	[timem:s3], [sflag:s2] =	dma.local @!p0 [hbm:s0], s1  }
0x118: {  	s0 =	simm.s32 @!p0 $0x2  }
0x119: {  	_ =	swait.ge @!p0 [sflag:s0], s1  }
0x11a: {  	s1 =	ssub.s32 @!p0 $0x0, s1;
	[sflag:s0] =	ssyncset.done @!p0 $0x0  }
0x11b: {  	[sflag:s0] =	ssyncadd.s32 @!p0 s1  }
0x11c: {  	[bflag:$0x3] =	sbarrier.arrive $0xFFFF  }
0x11d: {  	_ =	shalt  }

</sc_bundles>
